<compile_context>
chip_gen: v7x
topology: tpu7x:2x2x1
jax: 0.10.2.dev20260603
libtpu: 0.0.44.dev20260713+nightly
codegen_flags: <defaults>
</compile_context>

<pallas_src>
import jax
import jax.numpy as jnp
from jax import lax
from jax.experimental import pallas as pl
from jax.experimental.pallas import tpu as pltpu
import jax.experimental.pallas.tpu_sc as plsc

BATCH = 16384
D = 16
NC = 2
NS = 16
L = 16
NW = NC * NS
BPW = BATCH // NW
GRP = 8
NGRP = BPW // GRP
IDX_PAD = BPW + L


def _body(uid_hbm, iid_hbm, ut_hbm, it_hbm, w_hbm, b_hbm, out_hbm,
          idx_u, idx_i, u_a, u_b, i_a, i_b, out_v, wv, bv,
          sem_a, sem_b):
  c = lax.axis_index("c")
  s = lax.axis_index("s")
  wid = s * NC + c
  base = wid * BPW

  pltpu.sync_copy(uid_hbm.at[pl.ds(base, BPW)], idx_u.at[pl.ds(0, BPW)])
  pltpu.sync_copy(iid_hbm.at[pl.ds(base, BPW)], idx_i.at[pl.ds(0, BPW)])
  idx_u[pl.ds(BPW, L)] = jnp.zeros((L,), jnp.int32)
  idx_i[pl.ds(BPW, L)] = jnp.zeros((L,), jnp.int32)
  pltpu.sync_copy(w_hbm, wv)
  pltpu.sync_copy(b_hbm, bv)

  u_bufs = (u_a, u_b)
  i_bufs = (i_a, i_b)
  sems = (sem_a, sem_b)
  w_s = wv[...]
  b_s = bv[...]
  iota = lax.iota(jnp.int32, L)
  base_rows = (iota & (GRP - 1)) * D

  def fire(g, par):
    v_u = idx_u[pl.ds(g * GRP, L)]
    v_i = idx_i[pl.ds(g * GRP, L)]
    for k in range(GRP):
      rb_u = pl.multiple_of((v_u[k] >> 7) * 128, 128)
      rb_i = pl.multiple_of((v_i[k] >> 7) * 128, 128)
      dst = pl.ds(k * D, D)
      pltpu.async_copy(ut_hbm.at[:, pl.ds(rb_u, 128)],
                       u_bufs[par].at[dst, :], sems[par])
      pltpu.async_copy(it_hbm.at[:, pl.ds(rb_i, 128)],
                       i_bufs[par].at[dst, :], sems[par])

  def drain(par):
    for k in range(GRP):
      dst = pl.ds(k * D, D)
      pltpu.make_async_copy(ut_hbm.at[:, pl.ds(0, 128)],
                            u_bufs[par].at[dst, :], sems[par]).wait()
      pltpu.make_async_copy(it_hbm.at[:, pl.ds(0, 128)],
                            i_bufs[par].at[dst, :], sems[par]).wait()

  def compute(q, par):
    v_u = idx_u[pl.ds(q * L, L)]
    v_i = idx_i[pl.ds(q * L, L)]
    cu = v_u & 127
    ci = v_i & 127
    u_c = u_bufs[par]
    i_c = i_bufs[par]
    acc = None
    for d in range(D):
      rows = base_rows + d
      ud = plsc.load_gather(u_c, [rows, cu])
      vd = plsc.load_gather(i_c, [rows, ci])
      prod = ud * vd
      acc = prod if acc is None else acc + prod
    return acc

  fire(0, 0)

  def pair(q, _):
    fire(2 * q + 1, 1)
    drain(0)
    acc_e = compute(q, 0)

    @pl.when(q < NGRP // 2 - 1)
    def _():
      fire(2 * q + 2, 0)

    drain(1)
    acc_o = compute(q, 1)
    res = jnp.where(iota < GRP, acc_e, acc_o)
    out_v[pl.ds(q * L, L)] = res * w_s + b_s
    return 0

  lax.fori_loop(0, NGRP // 2, pair, 0)

  pltpu.sync_copy(out_v, out_hbm.at[pl.ds(base, BPW)])


@jax.jit
def _run(userID, ItemID, user_table_t, item_table_t, w, b):
  mesh = plsc.VectorSubcoreMesh(core_axis_name="c", subcore_axis_name="s")
  f = pl.kernel(
      _body,
      out_type=jax.ShapeDtypeStruct((BATCH,), jnp.float32),
      mesh=mesh,
      scratch_types=[
          pltpu.VMEM((IDX_PAD,), jnp.int32),
          pltpu.VMEM((IDX_PAD,), jnp.int32),
          pltpu.VMEM((GRP * D, 128), jnp.float32),
          pltpu.VMEM((GRP * D, 128), jnp.float32),
          pltpu.VMEM((GRP * D, 128), jnp.float32),
          pltpu.VMEM((GRP * D, 128), jnp.float32),
          pltpu.VMEM((BPW,), jnp.float32),
          pltpu.VMEM((L,), jnp.float32),
          pltpu.VMEM((L,), jnp.float32),
          pltpu.SemaphoreType.DMA,
          pltpu.SemaphoreType.DMA,
      ],
      compiler_params=pltpu.CompilerParams(needs_layout_passes=False),
  )
  return f(userID, ItemID, user_table_t, item_table_t, w, b)


def kernel(userID, ItemID, user_table, item_table, w, b):
  w16 = jnp.broadcast_to(jnp.reshape(w, (1,)), (L,))
  b16 = jnp.broadcast_to(jnp.reshape(b, (1,)), (L,))
  return _run(userID.astype(jnp.int32), ItemID.astype(jnp.int32),
              user_table.T, item_table.T, w16, b16)

# --- scband reference (transcript-rebuilt; emitter-appended) ---
"""Pipeline reference for scband-recommender-60387240182463 (READ-ONLY COPY).

The authoritative reference and input builder live on the scoring server;
editing this copy changes nothing except your own understanding.
"""

import jax, jax.numpy as jnp
import numpy as np

USER_MAX = 1000000
ITEM_MAX = 1000000
EMBED_DIM = 16
BATCH = 16384


def setup_inputs(seed: int = 0) -> dict:
    key = jax.random.key(seed)
    k1, k2, k3, k4, k5 = jax.random.split(key, 5)
    userID = jax.random.randint(k1, (BATCH,), 0, USER_MAX)
    ItemID = jax.random.randint(k2, (BATCH,), 0, ITEM_MAX)
    user_table = jax.random.normal(k3, (USER_MAX, EMBED_DIM), dtype=jnp.float32) * 0.05
    item_table = jax.random.normal(k4, (ITEM_MAX, EMBED_DIM), dtype=jnp.float32) * 0.05
    w = jax.random.normal(k5, (1, 1), dtype=jnp.float32)
    b = jnp.zeros((1,), dtype=jnp.float32)
    return {
        "userID": userID,
        "ItemID": ItemID,
        "user_table": user_table,
        "item_table": item_table,
        "w": w,
        "b": b,
    }


def reference(userID, ItemID, user_table, item_table, w, b):
    # LatentFactorMapper: embedding lookup for users and items
    u_emb = jnp.take(user_table, userID, axis=0)      # [B, D]
    i_emb = jnp.take(item_table, ItemID, axis=0)      # [B, D]
    # InnerProductInteraction: elementwise product + sum over embedding dim
    inter = jnp.sum(u_emb * i_emb, axis=1, keepdims=True)  # [B, 1]
    # RatingPredictionOptimizer: dense projection to a scalar rating
    y_pred = inter @ w + b                             # [B, 1]
    return y_pred[:, 0]

if __name__ == "__main__":
    import jax
    _d = setup_inputs()
    print(jax.jit(kernel)(*tuple(_d.values())))

</pallas_src>

<mosaic_0001>
#map = affine_map<(d0, d1) -> (0)>
#map1 = affine_map<(d0, d1) -> (0, 0)>
module attributes {stable_mosaic.version = 14 : i64} {
  func.func @_body(%arg0: i32, %arg1: i32, %arg2: memref<16384xi32, #tpu.memory_space<hbm>>, %arg3: memref<16384xi32, #tpu.memory_space<hbm>>, %arg4: memref<16x1000000xf32, #tpu.memory_space<hbm>>, %arg5: memref<16x1000000xf32, #tpu.memory_space<hbm>>, %arg6: memref<16xf32, #tpu.memory_space<hbm>>, %arg7: memref<16xf32, #tpu.memory_space<hbm>>, %arg8: memref<16384xf32, #tpu.memory_space<hbm>>, %arg9: memref<528xi32, #tpu.memory_space<vmem>>, %arg10: memref<528xi32, #tpu.memory_space<vmem>>, %arg11: memref<128x128xf32, #tpu.memory_space<vmem>>, %arg12: memref<128x128xf32, #tpu.memory_space<vmem>>, %arg13: memref<128x128xf32, #tpu.memory_space<vmem>>, %arg14: memref<128x128xf32, #tpu.memory_space<vmem>>, %arg15: memref<512xf32, #tpu.memory_space<vmem>>, %arg16: memref<16xf32, #tpu.memory_space<vmem>>, %arg17: memref<16xf32, #tpu.memory_space<vmem>>, %arg18: memref<!tpu.dma_semaphore, #tpu.memory_space<semaphore_mem>>, %arg19: memref<!tpu.dma_semaphore, #tpu.memory_space<semaphore_mem>>) attributes {dimension_semantics = [#tpu.dimension_semantics<core_parallel>, #tpu.dimension_semantics<subcore_parallel>], iteration_bounds = array<i64: 2, 16>, scalar_prefetch = 0 : i64, scratch_operands = 11 : i64, tpu.core_type = #tpu.core_type<sc_vector_subcore>, window_params = [{transform_indices = #map}, {transform_indices = #map}, {transform_indices = #map1}, {transform_indices = #map1}, {transform_indices = #map}, {transform_indices = #map}, {transform_indices = #map}]} {
    %mul3A = arith.constant 2 : i32
    %mul3A_0 = arith.muli %arg1, %mul3A : i32
    %add3A = arith.addi %mul3A_0, %arg0 : i32
    %mul3A_1 = arith.constant 512 : i32
    %mul3A_2 = arith.muli %add3A, %mul3A_1 : i32
    "tpu.region"() ({
      %run_scoped3A = tpu.sem_alloc : memref<!tpu.dma_semaphore, #tpu.memory_space<semaphore_mem>>
      %dma_start3A_294 = arith.constant 0 : i32
      %dma_start3A_295 = tpu.memref_slice %arg9[%dma_start3A_294] : memref<528xi32, #tpu.memory_space<vmem>> -> memref<512xi32, #tpu.memory_space<vmem>>
      %dma_start3A_296 = tpu.memref_slice %arg2[%mul3A_2] : memref<16384xi32, #tpu.memory_space<hbm>> -> memref<512xi32, #tpu.memory_space<hbm>>
      %dma_start3A_297 = arith.constant 0 : i32
      %dma_start3A_298 = tpu.memref_slice %arg9[%dma_start3A_297] : memref<528xi32, #tpu.memory_space<vmem>> -> memref<512xi32, #tpu.memory_space<vmem>>
      %dma_start3A_299 = tpu.memref_slice %arg2[%mul3A_2] : memref<16384xi32, #tpu.memory_space<hbm>> -> memref<512xi32, #tpu.memory_space<hbm>>
      tpu.enqueue_dma source(%dma_start3A_299 : memref<512xi32, #tpu.memory_space<hbm>>) target(%dma_start3A_298 : memref<512xi32, #tpu.memory_space<vmem>>) target_semaphore(%run_scoped3A : memref<!tpu.dma_semaphore, #tpu.memory_space<semaphore_mem>>)
      %dma_wait3A = arith.constant 0 : i32
      %dma_wait3A_300 = tpu.memref_slice %arg9[%dma_wait3A] : memref<528xi32, #tpu.memory_space<vmem>> -> memref<512xi32, #tpu.memory_space<vmem>>
      %dma_wait3A_301 = tpu.memref_slice %arg2[%mul3A_2] : memref<16384xi32, #tpu.memory_space<hbm>> -> memref<512xi32, #tpu.memory_space<hbm>>
      %dma_wait3A_302 = arith.constant 0 : i32
      %dma_wait3A_303 = tpu.memref_slice %arg9[%dma_wait3A_302] : memref<528xi32, #tpu.memory_space<vmem>> -> memref<512xi32, #tpu.memory_space<vmem>>
      %dma_wait3A_304 = tpu.memref_slice %arg2[%mul3A_2] : memref<16384xi32, #tpu.memory_space<hbm>> -> memref<512xi32, #tpu.memory_space<hbm>>
      tpu.wait_dma2 semaphore(%run_scoped3A : memref<!tpu.dma_semaphore, #tpu.memory_space<semaphore_mem>>) src(%dma_wait3A_304 : memref<512xi32, #tpu.memory_space<hbm>>) dst(%dma_wait3A_303 : memref<512xi32, #tpu.memory_space<vmem>>)
      tpu.yield
    }) : () -> ()
    "tpu.region"() ({
      %run_scoped3A = tpu.sem_alloc : memref<!tpu.dma_semaphore, #tpu.memory_space<semaphore_mem>>
      %dma_start3A_294 = arith.constant 0 : i32
      %dma_start3A_295 = tpu.memref_slice %arg10[%dma_start3A_294] : memref<528xi32, #tpu.memory_space<vmem>> -> memref<512xi32, #tpu.memory_space<vmem>>
      %dma_start3A_296 = tpu.memref_slice %arg3[%mul3A_2] : memref<16384xi32, #tpu.memory_space<hbm>> -> memref<512xi32, #tpu.memory_space<hbm>>
      %dma_start3A_297 = arith.constant 0 : i32
      %dma_start3A_298 = tpu.memref_slice %arg10[%dma_start3A_297] : memref<528xi32, #tpu.memory_space<vmem>> -> memref<512xi32, #tpu.memory_space<vmem>>
      %dma_start3A_299 = tpu.memref_slice %arg3[%mul3A_2] : memref<16384xi32, #tpu.memory_space<hbm>> -> memref<512xi32, #tpu.memory_space<hbm>>
      tpu.enqueue_dma source(%dma_start3A_299 : memref<512xi32, #tpu.memory_space<hbm>>) target(%dma_start3A_298 : memref<512xi32, #tpu.memory_space<vmem>>) target_semaphore(%run_scoped3A : memref<!tpu.dma_semaphore, #tpu.memory_space<semaphore_mem>>)
      %dma_wait3A = arith.constant 0 : i32
      %dma_wait3A_300 = tpu.memref_slice %arg10[%dma_wait3A] : memref<528xi32, #tpu.memory_space<vmem>> -> memref<512xi32, #tpu.memory_space<vmem>>
      %dma_wait3A_301 = tpu.memref_slice %arg3[%mul3A_2] : memref<16384xi32, #tpu.memory_space<hbm>> -> memref<512xi32, #tpu.memory_space<hbm>>
      %dma_wait3A_302 = arith.constant 0 : i32
      %dma_wait3A_303 = tpu.memref_slice %arg10[%dma_wait3A_302] : memref<528xi32, #tpu.memory_space<vmem>> -> memref<512xi32, #tpu.memory_space<vmem>>
      %dma_wait3A_304 = tpu.memref_slice %arg3[%mul3A_2] : memref<16384xi32, #tpu.memory_space<hbm>> -> memref<512xi32, #tpu.memory_space<hbm>>
      tpu.wait_dma2 semaphore(%run_scoped3A : memref<!tpu.dma_semaphore, #tpu.memory_space<semaphore_mem>>) src(%dma_wait3A_304 : memref<512xi32, #tpu.memory_space<hbm>>) dst(%dma_wait3A_303 : memref<512xi32, #tpu.memory_space<vmem>>)
      tpu.yield
    }) : () -> ()
    %broadcast_in_dim3A = arith.constant 0 : i32
    %broadcast_in_dim3A_3 = vector.broadcast %broadcast_in_dim3A : i32 to vector<16xi32>
    %swap3A = arith.constant 512 : index
    %swap3A_4 = tpu.vector_load %arg9[%swap3A] {strides = array<i32>} : memref<528xi32, #tpu.memory_space<vmem>>, vector<16xi32>,
    tpu.vector_store %arg9[%swap3A], %broadcast_in_dim3A_3 {strides = array<i32>} : memref<528xi32, #tpu.memory_space<vmem>>, vector<16xi32>,
    %broadcast_in_dim3A_5 = arith.constant 0 : i32
    %broadcast_in_dim3A_6 = vector.broadcast %broadcast_in_dim3A_5 : i32 to vector<16xi32>
    %swap3A_7 = arith.constant 512 : index
    %swap3A_8 = tpu.vector_load %arg10[%swap3A_7] {strides = array<i32>} : memref<528xi32, #tpu.memory_space<vmem>>, vector<16xi32>,
    tpu.vector_store %arg10[%swap3A_7], %broadcast_in_dim3A_6 {strides = array<i32>} : memref<528xi32, #tpu.memory_space<vmem>>, vector<16xi32>,
    "tpu.region"() ({
      %run_scoped3A = tpu.sem_alloc : memref<!tpu.dma_semaphore, #tpu.memory_space<semaphore_mem>>
      tpu.enqueue_dma source(%arg6 : memref<16xf32, #tpu.memory_space<hbm>>) target(%arg16 : memref<16xf32, #tpu.memory_space<vmem>>) target_semaphore(%run_scoped3A : memref<!tpu.dma_semaphore, #tpu.memory_space<semaphore_mem>>)
      tpu.wait_dma2 semaphore(%run_scoped3A : memref<!tpu.dma_semaphore, #tpu.memory_space<semaphore_mem>>) src(%arg6 : memref<16xf32, #tpu.memory_space<hbm>>) dst(%arg16 : memref<16xf32, #tpu.memory_space<vmem>>)
      tpu.yield
    }) : () -> ()
    "tpu.region"() ({
      %run_scoped3A = tpu.sem_alloc : memref<!tpu.dma_semaphore, #tpu.memory_space<semaphore_mem>>
      tpu.enqueue_dma source(%arg7 : memref<16xf32, #tpu.memory_space<hbm>>) target(%arg17 : memref<16xf32, #tpu.memory_space<vmem>>) target_semaphore(%run_scoped3A : memref<!tpu.dma_semaphore, #tpu.memory_space<semaphore_mem>>)
      tpu.wait_dma2 semaphore(%run_scoped3A : memref<!tpu.dma_semaphore, #tpu.memory_space<semaphore_mem>>) src(%arg7 : memref<16xf32, #tpu.memory_space<hbm>>) dst(%arg17 : memref<16xf32, #tpu.memory_space<vmem>>)
      tpu.yield
    }) : () -> ()
    %get3A = arith.constant 0 : index
    %get3A_9 = tpu.vector_load %arg16[%get3A] {strides = array<i32>} : memref<16xf32, #tpu.memory_space<vmem>>, vector<16xf32>,
    %get3A_10 = arith.constant 0 : index
    %get3A_11 = tpu.vector_load %arg17[%get3A_10] {strides = array<i32>} : memref<16xf32, #tpu.memory_space<vmem>>, vector<16xf32>,
    %iota3A = tpu.iota {dimensions = array<i32: 0>} : vector<16xi32>
    %and3A = arith.constant 7 : i32
    %and3A_12 = vector.broadcast %and3A : i32 to vector<16xi32>
    %and3A_13 = arith.andi %iota3A, %and3A_12 : vector<16xi32>
    %mul3A_14 = arith.constant 16 : i32
    %mul3A_15 = vector.broadcast %mul3A_14 : i32 to vector<16xi32>
    %mul3A_16 = arith.muli %and3A_13, %mul3A_15 : vector<16xi32>
    %get3A_17 = arith.constant 0 : index
    %get3A_18 = tpu.vector_load %arg9[%get3A_17] {strides = array<i32>} : memref<528xi32, #tpu.memory_space<vmem>>, vector<16xi32>,
    %get3A_19 = arith.constant 0 : index
    %get3A_20 = tpu.vector_load %arg10[%get3A_19] {strides = array<i32>} : memref<528xi32, #tpu.memory_space<vmem>>, vector<16xi32>,
    %slice3A = vector.extract_strided_slice %get3A_18 {offsets = [0], sizes = [1], strides = [1]} : vector<16xi32> to vector<1xi32>
    %squeeze3A = vector.extract %slice3A[0] : i32 from vector<1xi32>
    %shift_right_arithmetic3A = arith.constant 7 : i32
    %shift_right_arithmetic3A_21 = arith.shrsi %squeeze3A, %shift_right_arithmetic3A : i32
    %mul3A_22 = arith.constant 128 : i32
    %mul3A_23 = arith.muli %shift_right_arithmetic3A_21, %mul3A_22 : i32
    %multiple_of3A = tpu.assume_multiple %mul3A_23, 128 : i32
    %slice3A_24 = vector.extract_strided_slice %get3A_20 {offsets = [0], sizes = [1], strides = [1]} : vector<16xi32> to vector<1xi32>
    %squeeze3A_25 = vector.extract %slice3A_24[0] : i32 from vector<1xi32>
    %shift_right_arithmetic3A_26 = arith.constant 7 : i32
    %shift_right_arithmetic3A_27 = arith.shrsi %squeeze3A_25, %shift_right_arithmetic3A_26 : i32
    %mul3A_28 = arith.constant 128 : i32
    %mul3A_29 = arith.muli %shift_right_arithmetic3A_27, %mul3A_28 : i32
    %multiple_of3A_30 = tpu.assume_multiple %mul3A_29, 128 : i32
    %dma_start3A = arith.constant 0 : i32
    %dma_start3A_31 = arith.constant 0 : i32
    %dma_start3A_32 = tpu.memref_slice %arg11[%dma_start3A, %dma_start3A_31] : memref<128x128xf32, #tpu.memory_space<vmem>> -> memref<16x128xf32, #tpu.memory_space<vmem>>
    %dma_start3A_33 = arith.constant 0 : i32
    %dma_start3A_34 = tpu.memref_slice %arg4[%dma_start3A_33, %multiple_of3A] : memref<16x1000000xf32, #tpu.memory_space<hbm>> -> memref<16x128xf32, #tpu.memory_space<hbm>>
    %dma_start3A_35 = arith.constant 0 : i32
    %dma_start3A_36 = arith.constant 0 : i32
    %dma_start3A_37 = tpu.memref_slice %arg11[%dma_start3A_35, %dma_start3A_36] : memref<128x128xf32, #tpu.memory_space<vmem>> -> memref<16x128xf32, #tpu.memory_space<vmem>>
    %dma_start3A_38 = arith.constant 0 : i32
    %dma_start3A_39 = tpu.memref_slice %arg4[%dma_start3A_38, %multiple_of3A] : memref<16x1000000xf32, #tpu.memory_space<hbm>> -> memref<16x128xf32, #tpu.memory_space<hbm>>
    tpu.enqueue_dma source(%dma_start3A_39 : memref<16x128xf32, #tpu.memory_space<hbm>>) target(%dma_start3A_37 : memref<16x128xf32, #tpu.memory_space<vmem>>) target_semaphore(%arg18 : memref<!tpu.dma_semaphore, #tpu.memory_space<semaphore_mem>>)
    %dma_start3A_40 = arith.constant 0 : i32
    %dma_start3A_41 = arith.constant 0 : i32
    %dma_start3A_42 = tpu.memref_slice %arg13[%dma_start3A_40, %dma_start3A_41] : memref<128x128xf32, #tpu.memory_space<vmem>> -> memref<16x128xf32, #tpu.memory_space<vmem>>
    %dma_start3A_43 = arith.constant 0 : i32
    %dma_start3A_44 = tpu.memref_slice %arg5[%dma_start3A_43, %multiple_of3A_30] : memref<16x1000000xf32, #tpu.memory_space<hbm>> -> memref<16x128xf32, #tpu.memory_space<hbm>>
    %dma_start3A_45 = arith.constant 0 : i32
    %dma_start3A_46 = arith.constant 0 : i32
    %dma_start3A_47 = tpu.memref_slice %arg13[%dma_start3A_45, %dma_start3A_46] : memref<128x128xf32, #tpu.memory_space<vmem>> -> memref<16x128xf32, #tpu.memory_space<vmem>>
    %dma_start3A_48 = arith.constant 0 : i32
    %dma_start3A_49 = tpu.memref_slice %arg5[%dma_start3A_48, %multiple_of3A_30] : memref<16x1000000xf32, #tpu.memory_space<hbm>> -> memref<16x128xf32, #tpu.memory_space<hbm>>
    tpu.enqueue_dma source(%dma_start3A_49 : memref<16x128xf32, #tpu.memory_space<hbm>>) target(%dma_start3A_47 : memref<16x128xf32, #tpu.memory_space<vmem>>) target_semaphore(%arg18 : memref<!tpu.dma_semaphore, #tpu.memory_space<semaphore_mem>>)
    %slice3A_50 = vector.extract_strided_slice %get3A_18 {offsets = [1], sizes = [1], strides = [1]} : vector<16xi32> to vector<1xi32>
    %squeeze3A_51 = vector.extract %slice3A_50[0] : i32 from vector<1xi32>
    %shift_right_arithmetic3A_52 = arith.constant 7 : i32
    %shift_right_arithmetic3A_53 = arith.shrsi %squeeze3A_51, %shift_right_arithmetic3A_52 : i32
    %mul3A_54 = arith.constant 128 : i32
    %mul3A_55 = arith.muli %shift_right_arithmetic3A_53, %mul3A_54 : i32
    %multiple_of3A_56 = tpu.assume_multiple %mul3A_55, 128 : i32
    %slice3A_57 = vector.extract_strided_slice %get3A_20 {offsets = [1], sizes = [1], strides = [1]} : vector<16xi32> to vector<1xi32>
    %squeeze3A_58 = vector.extract %slice3A_57[0] : i32 from vector<1xi32>
    %shift_right_arithmetic3A_59 = arith.constant 7 : i32
    %shift_right_arithmetic3A_60 = arith.shrsi %squeeze3A_58, %shift_right_arithmetic3A_59 : i32
    %mul3A_61 = arith.constant 128 : i32
    %mul3A_62 = arith.muli %shift_right_arithmetic3A_60, %mul3A_61 : i32
    %multiple_of3A_63 = tpu.assume_multiple %mul3A_62, 128 : i32
    %dma_start3A_64 = arith.constant 16 : i32
    %dma_start3A_65 = arith.constant 0 : i32
    %dma_start3A_66 = tpu.memref_slice %arg11[%dma_start3A_64, %dma_start3A_65] : memref<128x128xf32, #tpu.memory_space<vmem>> -> memref<16x128xf32, #tpu.memory_space<vmem>>
    %dma_start3A_67 = arith.constant 0 : i32
    %dma_start3A_68 = tpu.memref_slice %arg4[%dma_start3A_67, %multiple_of3A_56] : memref<16x1000000xf32, #tpu.memory_space<hbm>> -> memref<16x128xf32, #tpu.memory_space<hbm>>
    %dma_start3A_69 = arith.constant 16 : i32
    %dma_start3A_70 = arith.constant 0 : i32
    %dma_start3A_71 = tpu.memref_slice %arg11[%dma_start3A_69, %dma_start3A_70] : memref<128x128xf32, #tpu.memory_space<vmem>> -> memref<16x128xf32, #tpu.memory_space<vmem>>
    %dma_start3A_72 = arith.constant 0 : i32
    %dma_start3A_73 = tpu.memref_slice %arg4[%dma_start3A_72, %multiple_of3A_56] : memref<16x1000000xf32, #tpu.memory_space<hbm>> -> memref<16x128xf32, #tpu.memory_space<hbm>>
    tpu.enqueue_dma source(%dma_start3A_73 : memref<16x128xf32, #tpu.memory_space<hbm>>) target(%dma_start3A_71 : memref<16x128xf32, #tpu.memory_space<vmem>>) target_semaphore(%arg18 : memref<!tpu.dma_semaphore, #tpu.memory_space<semaphore_mem>>)
    %dma_start3A_74 = arith.constant 16 : i32
    %dma_start3A_75 = arith.constant 0 : i32
    %dma_start3A_76 = tpu.memref_slice %arg13[%dma_start3A_74, %dma_start3A_75] : memref<128x128xf32, #tpu.memory_space<vmem>> -> memref<16x128xf32, #tpu.memory_space<vmem>>
    %dma_start3A_77 = arith.constant 0 : i32
    %dma_start3A_78 = tpu.memref_slice %arg5[%dma_start3A_77, %multiple_of3A_63] : memref<16x1000000xf32, #tpu.memory_space<hbm>> -> memref<16x128xf32, #tpu.memory_space<hbm>>
    %dma_start3A_79 = arith.constant 16 : i32
    %dma_start3A_80 = arith.constant 0 : i32
    %dma_start3A_81 = tpu.memref_slice %arg13[%dma_start3A_79, %dma_start3A_80] : memref<128x128xf32, #tpu.memory_space<vmem>> -> memref<16x128xf32, #tpu.memory_space<vmem>>
    %dma_start3A_82 = arith.constant 0 : i32
    %dma_start3A_83 = tpu.memref_slice %arg5[%dma_start3A_82, %multiple_of3A_63] : memref<16x1000000xf32, #tpu.memory_space<hbm>> -> memref<16x128xf32, #tpu.memory_space<hbm>>
    tpu.enqueue_dma source(%dma_start3A_83 : memref<16x128xf32, #tpu.memory_space<hbm>>) target(%dma_start3A_81 : memref<16x128xf32, #tpu.memory_space<vmem>>) target_semaphore(%arg18 : memref<!tpu.dma_semaphore, #tpu.memory_space<semaphore_mem>>)
    %slice3A_84 = vector.extract_strided_slice %get3A_18 {offsets = [2], sizes = [1], strides = [1]} : vector<16xi32> to vector<1xi32>
    %squeeze3A_85 = vector.extract %slice3A_84[0] : i32 from vector<1xi32>
    %shift_right_arithmetic3A_86 = arith.constant 7 : i32
    %shift_right_arithmetic3A_87 = arith.shrsi %squeeze3A_85, %shift_right_arithmetic3A_86 : i32
    %mul3A_88 = arith.constant 128 : i32
    %mul3A_89 = arith.muli %shift_right_arithmetic3A_87, %mul3A_88 : i32
    %multiple_of3A_90 = tpu.assume_multiple %mul3A_89, 128 : i32
    %slice3A_91 = vector.extract_strided_slice %get3A_20 {offsets = [2], sizes = [1], strides = [1]} : vector<16xi32> to vector<1xi32>
    %squeeze3A_92 = vector.extract %slice3A_91[0] : i32 from vector<1xi32>
    %shift_right_arithmetic3A_93 = arith.constant 7 : i32
    %shift_right_arithmetic3A_94 = arith.shrsi %squeeze3A_92, %shift_right_arithmetic3A_93 : i32
    %mul3A_95 = arith.constant 128 : i32
    %mul3A_96 = arith.muli %shift_right_arithmetic3A_94, %mul3A_95 : i32
    %multiple_of3A_97 = tpu.assume_multiple %mul3A_96, 128 : i32
    %dma_start3A_98 = arith.constant 32 : i32
    %dma_start3A_99 = arith.constant 0 : i32
    %dma_start3A_100 = tpu.memref_slice %arg11[%dma_start3A_98, %dma_start3A_99] : memref<128x128xf32, #tpu.memory_space<vmem>> -> memref<16x128xf32, #tpu.memory_space<vmem>>
    %dma_start3A_101 = arith.constant 0 : i32
    %dma_start3A_102 = tpu.memref_slice %arg4[%dma_start3A_101, %multiple_of3A_90] : memref<16x1000000xf32, #tpu.memory_space<hbm>> -> memref<16x128xf32, #tpu.memory_space<hbm>>
    %dma_start3A_103 = arith.constant 32 : i32
    %dma_start3A_104 = arith.constant 0 : i32
    %dma_start3A_105 = tpu.memref_slice %arg11[%dma_start3A_103, %dma_start3A_104] : memref<128x128xf32, #tpu.memory_space<vmem>> -> memref<16x128xf32, #tpu.memory_space<vmem>>
    %dma_start3A_106 = arith.constant 0 : i32
    %dma_start3A_107 = tpu.memref_slice %arg4[%dma_start3A_106, %multiple_of3A_90] : memref<16x1000000xf32, #tpu.memory_space<hbm>> -> memref<16x128xf32, #tpu.memory_space<hbm>>
    tpu.enqueue_dma source(%dma_start3A_107 : memref<16x128xf32, #tpu.memory_space<hbm>>) target(%dma_start3A_105 : memref<16x128xf32, #tpu.memory_space<vmem>>) target_semaphore(%arg18 : memref<!tpu.dma_semaphore, #tpu.memory_space<semaphore_mem>>)
    %dma_start3A_108 = arith.constant 32 : i32
    %dma_start3A_109 = arith.constant 0 : i32
    %dma_start3A_110 = tpu.memref_slice %arg13[%dma_start3A_108, %dma_start3A_109] : memref<128x128xf32, #tpu.memory_space<vmem>> -> memref<16x128xf32, #tpu.memory_space<vmem>>
    %dma_start3A_111 = arith.constant 0 : i32
    %dma_start3A_112 = tpu.memref_slice %arg5[%dma_start3A_111, %multiple_of3A_97] : memref<16x1000000xf32, #tpu.memory_space<hbm>> -> memref<16x128xf32, #tpu.memory_space<hbm>>
    %dma_start3A_113 = arith.constant 32 : i32
    %dma_start3A_114 = arith.constant 0 : i32
    %dma_start3A_115 = tpu.memref_slice %arg13[%dma_start3A_113, %dma_start3A_114] : memref<128x128xf32, #tpu.memory_space<vmem>> -> memref<16x128xf32, #tpu.memory_space<vmem>>
    %dma_start3A_116 = arith.constant 0 : i32
    %dma_start3A_117 = tpu.memref_slice %arg5[%dma_start3A_116, %multiple_of3A_97] : memref<16x1000000xf32, #tpu.memory_space<hbm>> -> memref<16x128xf32, #tpu.memory_space<hbm>>
    tpu.enqueue_dma source(%dma_start3A_117 : memref<16x128xf32, #tpu.memory_space<hbm>>) target(%dma_start3A_115 : memref<16x128xf32, #tpu.memory_space<vmem>>) target_semaphore(%arg18 : memref<!tpu.dma_semaphore, #tpu.memory_space<semaphore_mem>>)
    %slice3A_118 = vector.extract_strided_slice %get3A_18 {offsets = [3], sizes = [1], strides = [1]} : vector<16xi32> to vector<1xi32>
    %squeeze3A_119 = vector.extract %slice3A_118[0] : i32 from vector<1xi32>
    %shift_right_arithmetic3A_120 = arith.constant 7 : i32
    %shift_right_arithmetic3A_121 = arith.shrsi %squeeze3A_119, %shift_right_arithmetic3A_120 : i32
    %mul3A_122 = arith.constant 128 : i32
    %mul3A_123 = arith.muli %shift_right_arithmetic3A_121, %mul3A_122 : i32
    %multiple_of3A_124 = tpu.assume_multiple %mul3A_123, 128 : i32
    %slice3A_125 = vector.extract_strided_slice %get3A_20 {offsets = [3], sizes = [1], strides = [1]} : vector<16xi32> to vector<1xi32>
    %squeeze3A_126 = vector.extract %slice3A_125[0] : i32 from vector<1xi32>
    %shift_right_arithmetic3A_127 = arith.constant 7 : i32
    %shift_right_arithmetic3A_128 = arith.shrsi %squeeze3A_126, %shift_right_arithmetic3A_127 : i32
    %mul3A_129 = arith.constant 128 : i32
    %mul3A_130 = arith.muli %shift_right_arithmetic3A_128, %mul3A_129 : i32
    %multiple_of3A_131 = tpu.assume_multiple %mul3A_130, 128 : i32
    %dma_start3A_132 = arith.constant 48 : i32
    %dma_start3A_133 = arith.constant 0 : i32
    %dma_start3A_134 = tpu.memref_slice %arg11[%dma_start3A_132, %dma_start3A_133] : memref<128x128xf32, #tpu.memory_space<vmem>> -> memref<16x128xf32, #tpu.memory_space<vmem>>
    %dma_start3A_135 = arith.constant 0 : i32
    %dma_start3A_136 = tpu.memref_slice %arg4[%dma_start3A_135, %multiple_of3A_124] : memref<16x1000000xf32, #tpu.memory_space<hbm>> -> memref<16x128xf32, #tpu.memory_space<hbm>>
    %dma_start3A_137 = arith.constant 48 : i32
    %dma_start3A_138 = arith.constant 0 : i32
    %dma_start3A_139 = tpu.memref_slice %arg11[%dma_start3A_137, %dma_start3A_138] : memref<128x128xf32, #tpu.memory_space<vmem>> -> memref<16x128xf32, #tpu.memory_space<vmem>>
    %dma_start3A_140 = arith.constant 0 : i32
    %dma_start3A_141 = tpu.memref_slice %arg4[%dma_start3A_140, %multiple_of3A_124] : memref<16x1000000xf32, #tpu.memory_space<hbm>> -> memref<16x128xf32, #tpu.memory_space<hbm>>
    tpu.enqueue_dma source(%dma_start3A_141 : memref<16x128xf32, #tpu.memory_space<hbm>>) target(%dma_start3A_139 : memref<16x128xf32, #tpu.memory_space<vmem>>) target_semaphore(%arg18 : memref<!tpu.dma_semaphore, #tpu.memory_space<semaphore_mem>>)
    %dma_start3A_142 = arith.constant 48 : i32
    %dma_start3A_143 = arith.constant 0 : i32
    %dma_start3A_144 = tpu.memref_slice %arg13[%dma_start3A_142, %dma_start3A_143] : memref<128x128xf32, #tpu.memory_space<vmem>> -> memref<16x128xf32, #tpu.memory_space<vmem>>
    %dma_start3A_145 = arith.constant 0 : i32
    %dma_start3A_146 = tpu.memref_slice %arg5[%dma_start3A_145, %multiple_of3A_131] : memref<16x1000000xf32, #tpu.memory_space<hbm>> -> memref<16x128xf32, #tpu.memory_space<hbm>>
    %dma_start3A_147 = arith.constant 48 : i32
    %dma_start3A_148 = arith.constant 0 : i32
    %dma_start3A_149 = tpu.memref_slice %arg13[%dma_start3A_147, %dma_start3A_148] : memref<128x128xf32, #tpu.memory_space<vmem>> -> memref<16x128xf32, #tpu.memory_space<vmem>>
    %dma_start3A_150 = arith.constant 0 : i32
    %dma_start3A_151 = tpu.memref_slice %arg5[%dma_start3A_150, %multiple_of3A_131] : memref<16x1000000xf32, #tpu.memory_space<hbm>> -> memref<16x128xf32, #tpu.memory_space<hbm>>
    tpu.enqueue_dma source(%dma_start3A_151 : memref<16x128xf32, #tpu.memory_space<hbm>>) target(%dma_start3A_149 : memref<16x128xf32, #tpu.memory_space<vmem>>) target_semaphore(%arg18 : memref<!tpu.dma_semaphore, #tpu.memory_space<semaphore_mem>>)
    %slice3A_152 = vector.extract_strided_slice %get3A_18 {offsets = [4], sizes = [1], strides = [1]} : vector<16xi32> to vector<1xi32>
    %squeeze3A_153 = vector.extract %slice3A_152[0] : i32 from vector<1xi32>
    %shift_right_arithmetic3A_154 = arith.constant 7 : i32
    %shift_right_arithmetic3A_155 = arith.shrsi %squeeze3A_153, %shift_right_arithmetic3A_154 : i32
    %mul3A_156 = arith.constant 128 : i32
    %mul3A_157 = arith.muli %shift_right_arithmetic3A_155, %mul3A_156 : i32
    %multiple_of3A_158 = tpu.assume_multiple %mul3A_157, 128 : i32
    %slice3A_159 = vector.extract_strided_slice %get3A_20 {offsets = [4], sizes = [1], strides = [1]} : vector<16xi32> to vector<1xi32>
    %squeeze3A_160 = vector.extract %slice3A_159[0] : i32 from vector<1xi32>
    %shift_right_arithmetic3A_161 = arith.constant 7 : i32
    %shift_right_arithmetic3A_162 = arith.shrsi %squeeze3A_160, %shift_right_arithmetic3A_161 : i32
    %mul3A_163 = arith.constant 128 : i32
    %mul3A_164 = arith.muli %shift_right_arithmetic3A_162, %mul3A_163 : i32
    %multiple_of3A_165 = tpu.assume_multiple %mul3A_164, 128 : i32
    %dma_start3A_166 = arith.constant 64 : i32
    %dma_start3A_167 = arith.constant 0 : i32
    %dma_start3A_168 = tpu.memref_slice %arg11[%dma_start3A_166, %dma_start3A_167] : memref<128x128xf32, #tpu.memory_space<vmem>> -> memref<16x128xf32, #tpu.memory_space<vmem>>
    %dma_start3A_169 = arith.constant 0 : i32
    %dma_start3A_170 = tpu.memref_slice %arg4[%dma_start3A_169, %multiple_of3A_158] : memref<16x1000000xf32, #tpu.memory_space<hbm>> -> memref<16x128xf32, #tpu.memory_space<hbm>>
    %dma_start3A_171 = arith.constant 64 : i32
    %dma_start3A_172 = arith.constant 0 : i32
    %dma_start3A_173 = tpu.memref_slice %arg11[%dma_start3A_171, %dma_start3A_172] : memref<128x128xf32, #tpu.memory_space<vmem>> -> memref<16x128xf32, #tpu.memory_space<vmem>>
    %dma_start3A_174 = arith.constant 0 : i32
    %dma_start3A_175 = tpu.memref_slice %arg4[%dma_start3A_174, %multiple_of3A_158] : memref<16x1000000xf32, #tpu.memory_space<hbm>> -> memref<16x128xf32, #tpu.memory_space<hbm>>
    tpu.enqueue_dma source(%dma_start3A_175 : memref<16x128xf32, #tpu.memory_space<hbm>>) target(%dma_start3A_173 : memref<16x128xf32, #tpu.memory_space<vmem>>) target_semaphore(%arg18 : memref<!tpu.dma_semaphore, #tpu.memory_space<semaphore_mem>>)
    %dma_start3A_176 = arith.constant 64 : i32
    %dma_start3A_177 = arith.constant 0 : i32
    %dma_start3A_178 = tpu.memref_slice %arg13[%dma_start3A_176, %dma_start3A_177] : memref<128x128xf32, #tpu.memory_space<vmem>> -> memref<16x128xf32, #tpu.memory_space<vmem>>
    %dma_start3A_179 = arith.constant 0 : i32
    %dma_start3A_180 = tpu.memref_slice %arg5[%dma_start3A_179, %multiple_of3A_165] : memref<16x1000000xf32, #tpu.memory_space<hbm>> -> memref<16x128xf32, #tpu.memory_space<hbm>>
    %dma_start3A_181 = arith.constant 64 : i32
    %dma_start3A_182 = arith.constant 0 : i32
    %dma_start3A_183 = tpu.memref_slice %arg13[%dma_start3A_181, %dma_start3A_182] : memref<128x128xf32, #tpu.memory_space<vmem>> -> memref<16x128xf32, #tpu.memory_space<vmem>>
    %dma_start3A_184 = arith.constant 0 : i32
    %dma_start3A_185 = tpu.memref_slice %arg5[%dma_start3A_184, %multiple_of3A_165] : memref<16x1000000xf32, #tpu.memory_space<hbm>> -> memref<16x128xf32, #tpu.memory_space<hbm>>
    tpu.enqueue_dma source(%dma_start3A_185 : memref<16x128xf32, #tpu.memory_space<hbm>>) target(%dma_start3A_183 : memref<16x128xf32, #tpu.memory_space<vmem>>) target_semaphore(%arg18 : memref<!tpu.dma_semaphore, #tpu.memory_space<semaphore_mem>>)
    %slice3A_186 = vector.extract_strided_slice %get3A_18 {offsets = [5], sizes = [1], strides = [1]} : vector<16xi32> to vector<1xi32>
    %squeeze3A_187 = vector.extract %slice3A_186[0] : i32 from vector<1xi32>
    %shift_right_arithmetic3A_188 = arith.constant 7 : i32
    %shift_right_arithmetic3A_189 = arith.shrsi %squeeze3A_187, %shift_right_arithmetic3A_188 : i32
    %mul3A_190 = arith.constant 128 : i32
    %mul3A_191 = arith.muli %shift_right_arithmetic3A_189, %mul3A_190 : i32
    %multiple_of3A_192 = tpu.assume_multiple %mul3A_191, 128 : i32
    %slice3A_193 = vector.extract_strided_slice %get3A_20 {offsets = [5], sizes = [1], strides = [1]} : vector<16xi32> to vector<1xi32>
    %squeeze3A_194 = vector.extract %slice3A_193[0] : i32 from vector<1xi32>
    %shift_right_arithmetic3A_195 = arith.constant 7 : i32
    %shift_right_arithmetic3A_196 = arith.shrsi %squeeze3A_194, %shift_right_arithmetic3A_195 : i32
    %mul3A_197 = arith.constant 128 : i32
    %mul3A_198 = arith.muli %shift_right_arithmetic3A_196, %mul3A_197 : i32
    %multiple_of3A_199 = tpu.assume_multiple %mul3A_198, 128 : i32
    %dma_start3A_200 = arith.constant 80 : i32
    %dma_start3A_201 = arith.constant 0 : i32
    %dma_start3A_202 = tpu.memref_slice %arg11[%dma_start3A_200, %dma_start3A_201] : memref<128x128xf32, #tpu.memory_space<vmem>> -> memref<16x128xf32, #tpu.memory_space<vmem>>
    %dma_start3A_203 = arith.constant 0 : i32
    %dma_start3A_204 = tpu.memref_slice %arg4[%dma_start3A_203, %multiple_of3A_192] : memref<16x1000000xf32, #tpu.memory_space<hbm>> -> memref<16x128xf32, #tpu.memory_space<hbm>>
    %dma_start3A_205 = arith.constant 80 : i32
    %dma_start3A_206 = arith.constant 0 : i32
    %dma_start3A_207 = tpu.memref_slice %arg11[%dma_start3A_205, %dma_start3A_206] : memref<128x128xf32, #tpu.memory_space<vmem>> -> memref<16x128xf32, #tpu.memory_space<vmem>>
    %dma_start3A_208 = arith.constant 0 : i32
    %dma_start3A_209 = tpu.memref_slice %arg4[%dma_start3A_208, %multiple_of3A_192] : memref<16x1000000xf32, #tpu.memory_space<hbm>> -> memref<16x128xf32, #tpu.memory_space<hbm>>
    tpu.enqueue_dma source(%dma_start3A_209 : memref<16x128xf32, #tpu.memory_space<hbm>>) target(%dma_start3A_207 : memref<16x128xf32, #tpu.memory_space<vmem>>) target_semaphore(%arg18 : memref<!tpu.dma_semaphore, #tpu.memory_space<semaphore_mem>>)
    %dma_start3A_210 = arith.constant 80 : i32
    %dma_start3A_211 = arith.constant 0 : i32
    %dma_start3A_212 = tpu.memref_slice %arg13[%dma_start3A_210, %dma_start3A_211] : memref<128x128xf32, #tpu.memory_space<vmem>> -> memref<16x128xf32, #tpu.memory_space<vmem>>
    %dma_start3A_213 = arith.constant 0 : i32
    %dma_start3A_214 = tpu.memref_slice %arg5[%dma_start3A_213, %multiple_of3A_199] : memref<16x1000000xf32, #tpu.memory_space<hbm>> -> memref<16x128xf32, #tpu.memory_space<hbm>>
    %dma_start3A_215 = arith.constant 80 : i32
    %dma_start3A_216 = arith.constant 0 : i32
    %dma_start3A_217 = tpu.memref_slice %arg13[%dma_start3A_215, %dma_start3A_216] : memref<128x128xf32, #tpu.memory_space<vmem>> -> memref<16x128xf32, #tpu.memory_space<vmem>>
    %dma_start3A_218 = arith.constant 0 : i32
    %dma_start3A_219 = tpu.memref_slice %arg5[%dma_start3A_218, %multiple_of3A_199] : memref<16x1000000xf32, #tpu.memory_space<hbm>> -> memref<16x128xf32, #tpu.memory_space<hbm>>
    tpu.enqueue_dma source(%dma_start3A_219 : memref<16x128xf32, #tpu.memory_space<hbm>>) target(%dma_start3A_217 : memref<16x128xf32, #tpu.memory_space<vmem>>) target_semaphore(%arg18 : memref<!tpu.dma_semaphore, #tpu.memory_space<semaphore_mem>>)
    %slice3A_220 = vector.extract_strided_slice %get3A_18 {offsets = [6], sizes = [1], strides = [1]} : vector<16xi32> to vector<1xi32>
    %squeeze3A_221 = vector.extract %slice3A_220[0] : i32 from vector<1xi32>
    %shift_right_arithmetic3A_222 = arith.constant 7 : i32
    %shift_right_arithmetic3A_223 = arith.shrsi %squeeze3A_221, %shift_right_arithmetic3A_222 : i32
    %mul3A_224 = arith.constant 128 : i32
    %mul3A_225 = arith.muli %shift_right_arithmetic3A_223, %mul3A_224 : i32
    %multiple_of3A_226 = tpu.assume_multiple %mul3A_225, 128 : i32
    %slice3A_227 = vector.extract_strided_slice %get3A_20 {offsets = [6], sizes = [1], strides = [1]} : vector<16xi32> to vector<1xi32>
    %squeeze3A_228 = vector.extract %slice3A_227[0] : i32 from vector<1xi32>
    %shift_right_arithmetic3A_229 = arith.constant 7 : i32
    %shift_right_arithmetic3A_230 = arith.shrsi %squeeze3A_228, %shift_right_arithmetic3A_229 : i32
    %mul3A_231 = arith.constant 128 : i32
    %mul3A_232 = arith.muli %shift_right_arithmetic3A_230, %mul3A_231 : i32
    %multiple_of3A_233 = tpu.assume_multiple %mul3A_232, 128 : i32
    %dma_start3A_234 = arith.constant 96 : i32
    %dma_start3A_235 = arith.constant 0 : i32
    %dma_start3A_236 = tpu.memref_slice %arg11[%dma_start3A_234, %dma_start3A_235] : memref<128x128xf32, #tpu.memory_space<vmem>> -> memref<16x128xf32, #tpu.memory_space<vmem>>
    %dma_start3A_237 = arith.constant 0 : i32
    %dma_start3A_238 = tpu.memref_slice %arg4[%dma_start3A_237, %multiple_of3A_226] : memref<16x1000000xf32, #tpu.memory_space<hbm>> -> memref<16x128xf32, #tpu.memory_space<hbm>>
    %dma_start3A_239 = arith.constant 96 : i32
    %dma_start3A_240 = arith.constant 0 : i32
    %dma_start3A_241 = tpu.memref_slice %arg11[%dma_start3A_239, %dma_start3A_240] : memref<128x128xf32, #tpu.memory_space<vmem>> -> memref<16x128xf32, #tpu.memory_space<vmem>>
    %dma_start3A_242 = arith.constant 0 : i32
    %dma_start3A_243 = tpu.memref_slice %arg4[%dma_start3A_242, %multiple_of3A_226] : memref<16x1000000xf32, #tpu.memory_space<hbm>> -> memref<16x128xf32, #tpu.memory_space<hbm>>
    tpu.enqueue_dma source(%dma_start3A_243 : memref<16x128xf32, #tpu.memory_space<hbm>>) target(%dma_start3A_241 : memref<16x128xf32, #tpu.memory_space<vmem>>) target_semaphore(%arg18 : memref<!tpu.dma_semaphore, #tpu.memory_space<semaphore_mem>>)
    %dma_start3A_244 = arith.constant 96 : i32
    %dma_start3A_245 = arith.constant 0 : i32
    %dma_start3A_246 = tpu.memref_slice %arg13[%dma_start3A_244, %dma_start3A_245] : memref<128x128xf32, #tpu.memory_space<vmem>> -> memref<16x128xf32, #tpu.memory_space<vmem>>
    %dma_start3A_247 = arith.constant 0 : i32
    %dma_start3A_248 = tpu.memref_slice %arg5[%dma_start3A_247, %multiple_of3A_233] : memref<16x1000000xf32, #tpu.memory_space<hbm>> -> memref<16x128xf32, #tpu.memory_space<hbm>>
    %dma_start3A_249 = arith.constant 96 : i32
    %dma_start3A_250 = arith.constant 0 : i32
    %dma_start3A_251 = tpu.memref_slice %arg13[%dma_start3A_249, %dma_start3A_250] : memref<128x128xf32, #tpu.memory_space<vmem>> -> memref<16x128xf32, #tpu.memory_space<vmem>>
    %dma_start3A_252 = arith.constant 0 : i32
    %dma_start3A_253 = tpu.memref_slice %arg5[%dma_start3A_252, %multiple_of3A_233] : memref<16x1000000xf32, #tpu.memory_space<hbm>> -> memref<16x128xf32, #tpu.memory_space<hbm>>
    tpu.enqueue_dma source(%dma_start3A_253 : memref<16x128xf32, #tpu.memory_space<hbm>>) target(%dma_start3A_251 : memref<16x128xf32, #tpu.memory_space<vmem>>) target_semaphore(%arg18 : memref<!tpu.dma_semaphore, #tpu.memory_space<semaphore_mem>>)
    %slice3A_254 = vector.extract_strided_slice %get3A_18 {offsets = [7], sizes = [1], strides = [1]} : vector<16xi32> to vector<1xi32>
    %squeeze3A_255 = vector.extract %slice3A_254[0] : i32 from vector<1xi32>
    %shift_right_arithmetic3A_256 = arith.constant 7 : i32
    %shift_right_arithmetic3A_257 = arith.shrsi %squeeze3A_255, %shift_right_arithmetic3A_256 : i32
    %mul3A_258 = arith.constant 128 : i32
    %mul3A_259 = arith.muli %shift_right_arithmetic3A_257, %mul3A_258 : i32
    %multiple_of3A_260 = tpu.assume_multiple %mul3A_259, 128 : i32
    %slice3A_261 = vector.extract_strided_slice %get3A_20 {offsets = [7], sizes = [1], strides = [1]} : vector<16xi32> to vector<1xi32>
    %squeeze3A_262 = vector.extract %slice3A_261[0] : i32 from vector<1xi32>
    %shift_right_arithmetic3A_263 = arith.constant 7 : i32
    %shift_right_arithmetic3A_264 = arith.shrsi %squeeze3A_262, %shift_right_arithmetic3A_263 : i32
    %mul3A_265 = arith.constant 128 : i32
    %mul3A_266 = arith.muli %shift_right_arithmetic3A_264, %mul3A_265 : i32
    %multiple_of3A_267 = tpu.assume_multiple %mul3A_266, 128 : i32
    %dma_start3A_268 = arith.constant 112 : i32
    %dma_start3A_269 = arith.constant 0 : i32
    %dma_start3A_270 = tpu.memref_slice %arg11[%dma_start3A_268, %dma_start3A_269] : memref<128x128xf32, #tpu.memory_space<vmem>> -> memref<16x128xf32, #tpu.memory_space<vmem>>
    %dma_start3A_271 = arith.constant 0 : i32
    %dma_start3A_272 = tpu.memref_slice %arg4[%dma_start3A_271, %multiple_of3A_260] : memref<16x1000000xf32, #tpu.memory_space<hbm>> -> memref<16x128xf32, #tpu.memory_space<hbm>>
    %dma_start3A_273 = arith.constant 112 : i32
    %dma_start3A_274 = arith.constant 0 : i32
    %dma_start3A_275 = tpu.memref_slice %arg11[%dma_start3A_273, %dma_start3A_274] : memref<128x128xf32, #tpu.memory_space<vmem>> -> memref<16x128xf32, #tpu.memory_space<vmem>>
    %dma_start3A_276 = arith.constant 0 : i32
    %dma_start3A_277 = tpu.memref_slice %arg4[%dma_start3A_276, %multiple_of3A_260] : memref<16x1000000xf32, #tpu.memory_space<hbm>> -> memref<16x128xf32, #tpu.memory_space<hbm>>
    tpu.enqueue_dma source(%dma_start3A_277 : memref<16x128xf32, #tpu.memory_space<hbm>>) target(%dma_start3A_275 : memref<16x128xf32, #tpu.memory_space<vmem>>) target_semaphore(%arg18 : memref<!tpu.dma_semaphore, #tpu.memory_space<semaphore_mem>>)
    %dma_start3A_278 = arith.constant 112 : i32
    %dma_start3A_279 = arith.constant 0 : i32
    %dma_start3A_280 = tpu.memref_slice %arg13[%dma_start3A_278, %dma_start3A_279] : memref<128x128xf32, #tpu.memory_space<vmem>> -> memref<16x128xf32, #tpu.memory_space<vmem>>
    %dma_start3A_281 = arith.constant 0 : i32
    %dma_start3A_282 = tpu.memref_slice %arg5[%dma_start3A_281, %multiple_of3A_267] : memref<16x1000000xf32, #tpu.memory_space<hbm>> -> memref<16x128xf32, #tpu.memory_space<hbm>>
    %dma_start3A_283 = arith.constant 112 : i32
    %dma_start3A_284 = arith.constant 0 : i32
    %dma_start3A_285 = tpu.memref_slice %arg13[%dma_start3A_283, %dma_start3A_284] : memref<128x128xf32, #tpu.memory_space<vmem>> -> memref<16x128xf32, #tpu.memory_space<vmem>>
    %dma_start3A_286 = arith.constant 0 : i32
    %dma_start3A_287 = tpu.memref_slice %arg5[%dma_start3A_286, %multiple_of3A_267] : memref<16x1000000xf32, #tpu.memory_space<hbm>> -> memref<16x128xf32, #tpu.memory_space<hbm>>
    tpu.enqueue_dma source(%dma_start3A_287 : memref<16x128xf32, #tpu.memory_space<hbm>>) target(%dma_start3A_285 : memref<16x128xf32, #tpu.memory_space<vmem>>) target_semaphore(%arg18 : memref<!tpu.dma_semaphore, #tpu.memory_space<semaphore_mem>>)
    %scan3A = arith.constant 0 : i32
    %scan3A_288 = arith.constant 0 : i32
    %scan3A_289 = arith.constant 32 : i32
    %scan3A_290 = arith.addi %scan3A_288, %scan3A_289 : i32
    %scan3A_291 = arith.constant 1 : i32
    %scan3A_292 = scf.for %scan3A_294 = %scan3A_288 to %scan3A_290 step %scan3A_291 iter_args(%scan3A_295 = %scan3A) -> (i32)  : i32 {
      %mul3A_296 = arith.constant 2 : i32
      %mul3A_297 = arith.muli %mul3A_296, %scan3A_294 : i32
      %add3A_298 = arith.constant 1 : i32
      %add3A_299 = arith.addi %mul3A_297, %add3A_298 : i32
      %mul3A_300 = arith.constant 8 : i32
      %mul3A_301 = arith.muli %add3A_299, %mul3A_300 : i32
      %get3A_302 = arith.index_cast %mul3A_301 : i32 to index
      %get3A_303 = tpu.vector_load %arg9[%get3A_302] {strides = array<i32>} : memref<528xi32, #tpu.memory_space<vmem>>, vector<16xi32>,
      %mul3A_304 = arith.constant 8 : i32
      %mul3A_305 = arith.muli %add3A_299, %mul3A_304 : i32
      %get3A_306 = arith.index_cast %mul3A_305 : i32 to index
      %get3A_307 = tpu.vector_load %arg10[%get3A_306] {strides = array<i32>} : memref<528xi32, #tpu.memory_space<vmem>>, vector<16xi32>,
      %slice3A_308 = vector.extract_strided_slice %get3A_303 {offsets = [0], sizes = [1], strides = [1]} : vector<16xi32> to vector<1xi32>
      %squeeze3A_309 = vector.extract %slice3A_308[0] : i32 from vector<1xi32>
      %shift_right_arithmetic3A_310 = arith.constant 7 : i32
      %shift_right_arithmetic3A_311 = arith.shrsi %squeeze3A_309, %shift_right_arithmetic3A_310 : i32
      %mul3A_312 = arith.constant 128 : i32
      %mul3A_313 = arith.muli %shift_right_arithmetic3A_311, %mul3A_312 : i32
      %multiple_of3A_314 = tpu.assume_multiple %mul3A_313, 128 : i32
      %slice3A_315 = vector.extract_strided_slice %get3A_307 {offsets = [0], sizes = [1], strides = [1]} : vector<16xi32> to vector<1xi32>
      %squeeze3A_316 = vector.extract %slice3A_315[0] : i32 from vector<1xi32>
      %shift_right_arithmetic3A_317 = arith.constant 7 : i32
      %shift_right_arithmetic3A_318 = arith.shrsi %squeeze3A_316, %shift_right_arithmetic3A_317 : i32
      %mul3A_319 = arith.constant 128 : i32
      %mul3A_320 = arith.muli %shift_right_arithmetic3A_318, %mul3A_319 : i32
      %multiple_of3A_321 = tpu.assume_multiple %mul3A_320, 128 : i32
      %dma_start3A_322 = arith.constant 0 : i32
      %dma_start3A_323 = arith.constant 0 : i32
      %dma_start3A_324 = tpu.memref_slice %arg12[%dma_start3A_322, %dma_start3A_323] : memref<128x128xf32, #tpu.memory_space<vmem>> -> memref<16x128xf32, #tpu.memory_space<vmem>>
      %dma_start3A_325 = arith.constant 0 : i32
      %dma_start3A_326 = tpu.memref_slice %arg4[%dma_start3A_325, %multiple_of3A_314] : memref<16x1000000xf32, #tpu.memory_space<hbm>> -> memref<16x128xf32, #tpu.memory_space<hbm>>
      %dma_start3A_327 = arith.constant 0 : i32
      %dma_start3A_328 = arith.constant 0 : i32
      %dma_start3A_329 = tpu.memref_slice %arg12[%dma_start3A_327, %dma_start3A_328] : memref<128x128xf32, #tpu.memory_space<vmem>> -> memref<16x128xf32, #tpu.memory_space<vmem>>
      %dma_start3A_330 = arith.constant 0 : i32
      %dma_start3A_331 = tpu.memref_slice %arg4[%dma_start3A_330, %multiple_of3A_314] : memref<16x1000000xf32, #tpu.memory_space<hbm>> -> memref<16x128xf32, #tpu.memory_space<hbm>>
      tpu.enqueue_dma source(%dma_start3A_331 : memref<16x128xf32, #tpu.memory_space<hbm>>) target(%dma_start3A_329 : memref<16x128xf32, #tpu.memory_space<vmem>>) target_semaphore(%arg19 : memref<!tpu.dma_semaphore, #tpu.memory_space<semaphore_mem>>)
      %dma_start3A_332 = arith.constant 0 : i32
      %dma_start3A_333 = arith.constant 0 : i32
      %dma_start3A_334 = tpu.memref_slice %arg14[%dma_start3A_332, %dma_start3A_333] : memref<128x128xf32, #tpu.memory_space<vmem>> -> memref<16x128xf32, #tpu.memory_space<vmem>>
      %dma_start3A_335 = arith.constant 0 : i32
      %dma_start3A_336 = tpu.memref_slice %arg5[%dma_start3A_335, %multiple_of3A_321] : memref<16x1000000xf32, #tpu.memory_space<hbm>> -> memref<16x128xf32, #tpu.memory_space<hbm>>
      %dma_start3A_337 = arith.constant 0 : i32
      %dma_start3A_338 = arith.constant 0 : i32
      %dma_start3A_339 = tpu.memref_slice %arg14[%dma_start3A_337, %dma_start3A_338] : memref<128x128xf32, #tpu.memory_space<vmem>> -> memref<16x128xf32, #tpu.memory_space<vmem>>
      %dma_start3A_340 = arith.constant 0 : i32
      %dma_start3A_341 = tpu.memref_slice %arg5[%dma_start3A_340, %multiple_of3A_321] : memref<16x1000000xf32, #tpu.memory_space<hbm>> -> memref<16x128xf32, #tpu.memory_space<hbm>>
      tpu.enqueue_dma source(%dma_start3A_341 : memref<16x128xf32, #tpu.memory_space<hbm>>) target(%dma_start3A_339 : memref<16x128xf32, #tpu.memory_space<vmem>>) target_semaphore(%arg19 : memref<!tpu.dma_semaphore, #tpu.memory_space<semaphore_mem>>)
      %slice3A_342 = vector.extract_strided_slice %get3A_303 {offsets = [1], sizes = [1], strides = [1]} : vector<16xi32> to vector<1xi32>
      %squeeze3A_343 = vector.extract %slice3A_342[0] : i32 from vector<1xi32>
      %shift_right_arithmetic3A_344 = arith.constant 7 : i32
      %shift_right_arithmetic3A_345 = arith.shrsi %squeeze3A_343, %shift_right_arithmetic3A_344 : i32
      %mul3A_346 = arith.constant 128 : i32
      %mul3A_347 = arith.muli %shift_right_arithmetic3A_345, %mul3A_346 : i32
      %multiple_of3A_348 = tpu.assume_multiple %mul3A_347, 128 : i32
      %slice3A_349 = vector.extract_strided_slice %get3A_307 {offsets = [1], sizes = [1], strides = [1]} : vector<16xi32> to vector<1xi32>
      %squeeze3A_350 = vector.extract %slice3A_349[0] : i32 from vector<1xi32>
      %shift_right_arithmetic3A_351 = arith.constant 7 : i32
      %shift_right_arithmetic3A_352 = arith.shrsi %squeeze3A_350, %shift_right_arithmetic3A_351 : i32
      %mul3A_353 = arith.constant 128 : i32
      %mul3A_354 = arith.muli %shift_right_arithmetic3A_352, %mul3A_353 : i32
      %multiple_of3A_355 = tpu.assume_multiple %mul3A_354, 128 : i32
      %dma_start3A_356 = arith.constant 16 : i32
      %dma_start3A_357 = arith.constant 0 : i32
      %dma_start3A_358 = tpu.memref_slice %arg12[%dma_start3A_356, %dma_start3A_357] : memref<128x128xf32, #tpu.memory_space<vmem>> -> memref<16x128xf32, #tpu.memory_space<vmem>>
      %dma_start3A_359 = arith.constant 0 : i32
      %dma_start3A_360 = tpu.memref_slice %arg4[%dma_start3A_359, %multiple_of3A_348] : memref<16x1000000xf32, #tpu.memory_space<hbm>> -> memref<16x128xf32, #tpu.memory_space<hbm>>
      %dma_start3A_361 = arith.constant 16 : i32
      %dma_start3A_362 = arith.constant 0 : i32
      %dma_start3A_363 = tpu.memref_slice %arg12[%dma_start3A_361, %dma_start3A_362] : memref<128x128xf32, #tpu.memory_space<vmem>> -> memref<16x128xf32, #tpu.memory_space<vmem>>
      %dma_start3A_364 = arith.constant 0 : i32
      %dma_start3A_365 = tpu.memref_slice %arg4[%dma_start3A_364, %multiple_of3A_348] : memref<16x1000000xf32, #tpu.memory_space<hbm>> -> memref<16x128xf32, #tpu.memory_space<hbm>>
      tpu.enqueue_dma source(%dma_start3A_365 : memref<16x128xf32, #tpu.memory_space<hbm>>) target(%dma_start3A_363 : memref<16x128xf32, #tpu.memory_space<vmem>>) target_semaphore(%arg19 : memref<!tpu.dma_semaphore, #tpu.memory_space<semaphore_mem>>)
      %dma_start3A_366 = arith.constant 16 : i32
      %dma_start3A_367 = arith.constant 0 : i32
      %dma_start3A_368 = tpu.memref_slice %arg14[%dma_start3A_366, %dma_start3A_367] : memref<128x128xf32, #tpu.memory_space<vmem>> -> memref<16x128xf32, #tpu.memory_space<vmem>>
      %dma_start3A_369 = arith.constant 0 : i32
      %dma_start3A_370 = tpu.memref_slice %arg5[%dma_start3A_369, %multiple_of3A_355] : memref<16x1000000xf32, #tpu.memory_space<hbm>> -> memref<16x128xf32, #tpu.memory_space<hbm>>
      %dma_start3A_371 = arith.constant 16 : i32
      %dma_start3A_372 = arith.constant 0 : i32
      %dma_start3A_373 = tpu.memref_slice %arg14[%dma_start3A_371, %dma_start3A_372] : memref<128x128xf32, #tpu.memory_space<vmem>> -> memref<16x128xf32, #tpu.memory_space<vmem>>
      %dma_start3A_374 = arith.constant 0 : i32
      %dma_start3A_375 = tpu.memref_slice %arg5[%dma_start3A_374, %multiple_of3A_355] : memref<16x1000000xf32, #tpu.memory_space<hbm>> -> memref<16x128xf32, #tpu.memory_space<hbm>>
      tpu.enqueue_dma source(%dma_start3A_375 : memref<16x128xf32, #tpu.memory_space<hbm>>) target(%dma_start3A_373 : memref<16x128xf32, #tpu.memory_space<vmem>>) target_semaphore(%arg19 : memref<!tpu.dma_semaphore, #tpu.memory_space<semaphore_mem>>)
      %slice3A_376 = vector.extract_strided_slice %get3A_303 {offsets = [2], sizes = [1], strides = [1]} : vector<16xi32> to vector<1xi32>
      %squeeze3A_377 = vector.extract %slice3A_376[0] : i32 from vector<1xi32>
      %shift_right_arithmetic3A_378 = arith.constant 7 : i32
      %shift_right_arithmetic3A_379 = arith.shrsi %squeeze3A_377, %shift_right_arithmetic3A_378 : i32
      %mul3A_380 = arith.constant 128 : i32
      %mul3A_381 = arith.muli %shift_right_arithmetic3A_379, %mul3A_380 : i32
      %multiple_of3A_382 = tpu.assume_multiple %mul3A_381, 128 : i32
      %slice3A_383 = vector.extract_strided_slice %get3A_307 {offsets = [2], sizes = [1], strides = [1]} : vector<16xi32> to vector<1xi32>
      %squeeze3A_384 = vector.extract %slice3A_383[0] : i32 from vector<1xi32>
      %shift_right_arithmetic3A_385 = arith.constant 7 : i32
      %shift_right_arithmetic3A_386 = arith.shrsi %squeeze3A_384, %shift_right_arithmetic3A_385 : i32
      %mul3A_387 = arith.constant 128 : i32
      %mul3A_388 = arith.muli %shift_right_arithmetic3A_386, %mul3A_387 : i32
      %multiple_of3A_389 = tpu.assume_multiple %mul3A_388, 128 : i32
      %dma_start3A_390 = arith.constant 32 : i32
      %dma_start3A_391 = arith.constant 0 : i32
      %dma_start3A_392 = tpu.memref_slice %arg12[%dma_start3A_390, %dma_start3A_391] : memref<128x128xf32, #tpu.memory_space<vmem>> -> memref<16x128xf32, #tpu.memory_space<vmem>>
      %dma_start3A_393 = arith.constant 0 : i32
      %dma_start3A_394 = tpu.memref_slice %arg4[%dma_start3A_393, %multiple_of3A_382] : memref<16x1000000xf32, #tpu.memory_space<hbm>> -> memref<16x128xf32, #tpu.memory_space<hbm>>
      %dma_start3A_395 = arith.constant 32 : i32
      %dma_start3A_396 = arith.constant 0 : i32
      %dma_start3A_397 = tpu.memref_slice %arg12[%dma_start3A_395, %dma_start3A_396] : memref<128x128xf32, #tpu.memory_space<vmem>> -> memref<16x128xf32, #tpu.memory_space<vmem>>
      %dma_start3A_398 = arith.constant 0 : i32
      %dma_start3A_399 = tpu.memref_slice %arg4[%dma_start3A_398, %multiple_of3A_382] : memref<16x1000000xf32, #tpu.memory_space<hbm>> -> memref<16x128xf32, #tpu.memory_space<hbm>>
      tpu.enqueue_dma source(%dma_start3A_399 : memref<16x128xf32, #tpu.memory_space<hbm>>) target(%dma_start3A_397 : memref<16x128xf32, #tpu.memory_space<vmem>>) target_semaphore(%arg19 : memref<!tpu.dma_semaphore, #tpu.memory_space<semaphore_mem>>)
      %dma_start3A_400 = arith.constant 32 : i32
      %dma_start3A_401 = arith.constant 0 : i32
      %dma_start3A_402 = tpu.memref_slice %arg14[%dma_start3A_400, %dma_start3A_401] : memref<128x128xf32, #tpu.memory_space<vmem>> -> memref<16x128xf32, #tpu.memory_space<vmem>>
      %dma_start3A_403 = arith.constant 0 : i32
      %dma_start3A_404 = tpu.memref_slice %arg5[%dma_start3A_403, %multiple_of3A_389] : memref<16x1000000xf32, #tpu.memory_space<hbm>> -> memref<16x128xf32, #tpu.memory_space<hbm>>
      %dma_start3A_405 = arith.constant 32 : i32
      %dma_start3A_406 = arith.constant 0 : i32
      %dma_start3A_407 = tpu.memref_slice %arg14[%dma_start3A_405, %dma_start3A_406] : memref<128x128xf32, #tpu.memory_space<vmem>> -> memref<16x128xf32, #tpu.memory_space<vmem>>
      %dma_start3A_408 = arith.constant 0 : i32
      %dma_start3A_409 = tpu.memref_slice %arg5[%dma_start3A_408, %multiple_of3A_389] : memref<16x1000000xf32, #tpu.memory_space<hbm>> -> memref<16x128xf32, #tpu.memory_space<hbm>>
      tpu.enqueue_dma source(%dma_start3A_409 : memref<16x128xf32, #tpu.memory_space<hbm>>) target(%dma_start3A_407 : memref<16x128xf32, #tpu.memory_space<vmem>>) target_semaphore(%arg19 : memref<!tpu.dma_semaphore, #tpu.memory_space<semaphore_mem>>)
      %slice3A_410 = vector.extract_strided_slice %get3A_303 {offsets = [3], sizes = [1], strides = [1]} : vector<16xi32> to vector<1xi32>
      %squeeze3A_411 = vector.extract %slice3A_410[0] : i32 from vector<1xi32>
      %shift_right_arithmetic3A_412 = arith.constant 7 : i32
      %shift_right_arithmetic3A_413 = arith.shrsi %squeeze3A_411, %shift_right_arithmetic3A_412 : i32
      %mul3A_414 = arith.constant 128 : i32
      %mul3A_415 = arith.muli %shift_right_arithmetic3A_413, %mul3A_414 : i32
      %multiple_of3A_416 = tpu.assume_multiple %mul3A_415, 128 : i32
      %slice3A_417 = vector.extract_strided_slice %get3A_307 {offsets = [3], sizes = [1], strides = [1]} : vector<16xi32> to vector<1xi32>
      %squeeze3A_418 = vector.extract %slice3A_417[0] : i32 from vector<1xi32>
      %shift_right_arithmetic3A_419 = arith.constant 7 : i32
      %shift_right_arithmetic3A_420 = arith.shrsi %squeeze3A_418, %shift_right_arithmetic3A_419 : i32
      %mul3A_421 = arith.constant 128 : i32
      %mul3A_422 = arith.muli %shift_right_arithmetic3A_420, %mul3A_421 : i32
      %multiple_of3A_423 = tpu.assume_multiple %mul3A_422, 128 : i32
      %dma_start3A_424 = arith.constant 48 : i32
      %dma_start3A_425 = arith.constant 0 : i32
      %dma_start3A_426 = tpu.memref_slice %arg12[%dma_start3A_424, %dma_start3A_425] : memref<128x128xf32, #tpu.memory_space<vmem>> -> memref<16x128xf32, #tpu.memory_space<vmem>>
      %dma_start3A_427 = arith.constant 0 : i32
      %dma_start3A_428 = tpu.memref_slice %arg4[%dma_start3A_427, %multiple_of3A_416] : memref<16x1000000xf32, #tpu.memory_space<hbm>> -> memref<16x128xf32, #tpu.memory_space<hbm>>
      %dma_start3A_429 = arith.constant 48 : i32
      %dma_start3A_430 = arith.constant 0 : i32
      %dma_start3A_431 = tpu.memref_slice %arg12[%dma_start3A_429, %dma_start3A_430] : memref<128x128xf32, #tpu.memory_space<vmem>> -> memref<16x128xf32, #tpu.memory_space<vmem>>
      %dma_start3A_432 = arith.constant 0 : i32
      %dma_start3A_433 = tpu.memref_slice %arg4[%dma_start3A_432, %multiple_of3A_416] : memref<16x1000000xf32, #tpu.memory_space<hbm>> -> memref<16x128xf32, #tpu.memory_space<hbm>>
      tpu.enqueue_dma source(%dma_start3A_433 : memref<16x128xf32, #tpu.memory_space<hbm>>) target(%dma_start3A_431 : memref<16x128xf32, #tpu.memory_space<vmem>>) target_semaphore(%arg19 : memref<!tpu.dma_semaphore, #tpu.memory_space<semaphore_mem>>)
      %dma_start3A_434 = arith.constant 48 : i32
      %dma_start3A_435 = arith.constant 0 : i32
      %dma_start3A_436 = tpu.memref_slice %arg14[%dma_start3A_434, %dma_start3A_435] : memref<128x128xf32, #tpu.memory_space<vmem>> -> memref<16x128xf32, #tpu.memory_space<vmem>>
      %dma_start3A_437 = arith.constant 0 : i32
      %dma_start3A_438 = tpu.memref_slice %arg5[%dma_start3A_437, %multiple_of3A_423] : memref<16x1000000xf32, #tpu.memory_space<hbm>> -> memref<16x128xf32, #tpu.memory_space<hbm>>
      %dma_start3A_439 = arith.constant 48 : i32
      %dma_start3A_440 = arith.constant 0 : i32
      %dma_start3A_441 = tpu.memref_slice %arg14[%dma_start3A_439, %dma_start3A_440] : memref<128x128xf32, #tpu.memory_space<vmem>> -> memref<16x128xf32, #tpu.memory_space<vmem>>
      %dma_start3A_442 = arith.constant 0 : i32
      %dma_start3A_443 = tpu.memref_slice %arg5[%dma_start3A_442, %multiple_of3A_423] : memref<16x1000000xf32, #tpu.memory_space<hbm>> -> memref<16x128xf32, #tpu.memory_space<hbm>>
      tpu.enqueue_dma source(%dma_start3A_443 : memref<16x128xf32, #tpu.memory_space<hbm>>) target(%dma_start3A_441 : memref<16x128xf32, #tpu.memory_space<vmem>>) target_semaphore(%arg19 : memref<!tpu.dma_semaphore, #tpu.memory_space<semaphore_mem>>)
      %slice3A_444 = vector.extract_strided_slice %get3A_303 {offsets = [4], sizes = [1], strides = [1]} : vector<16xi32> to vector<1xi32>
      %squeeze3A_445 = vector.extract %slice3A_444[0] : i32 from vector<1xi32>
      %shift_right_arithmetic3A_446 = arith.constant 7 : i32
      %shift_right_arithmetic3A_447 = arith.shrsi %squeeze3A_445, %shift_right_arithmetic3A_446 : i32
      %mul3A_448 = arith.constant 128 : i32
      %mul3A_449 = arith.muli %shift_right_arithmetic3A_447, %mul3A_448 : i32
      %multiple_of3A_450 = tpu.assume_multiple %mul3A_449, 128 : i32
      %slice3A_451 = vector.extract_strided_slice %get3A_307 {offsets = [4], sizes = [1], strides = [1]} : vector<16xi32> to vector<1xi32>
      %squeeze3A_452 = vector.extract %slice3A_451[0] : i32 from vector<1xi32>
      %shift_right_arithmetic3A_453 = arith.constant 7 : i32
      %shift_right_arithmetic3A_454 = arith.shrsi %squeeze3A_452, %shift_right_arithmetic3A_453 : i32
      %mul3A_455 = arith.constant 128 : i32
      %mul3A_456 = arith.muli %shift_right_arithmetic3A_454, %mul3A_455 : i32
      %multiple_of3A_457 = tpu.assume_multiple %mul3A_456, 128 : i32
      %dma_start3A_458 = arith.constant 64 : i32
      %dma_start3A_459 = arith.constant 0 : i32
      %dma_start3A_460 = tpu.memref_slice %arg12[%dma_start3A_458, %dma_start3A_459] : memref<128x128xf32, #tpu.memory_space<vmem>> -> memref<16x128xf32, #tpu.memory_space<vmem>>
      %dma_start3A_461 = arith.constant 0 : i32
      %dma_start3A_462 = tpu.memref_slice %arg4[%dma_start3A_461, %multiple_of3A_450] : memref<16x1000000xf32, #tpu.memory_space<hbm>> -> memref<16x128xf32, #tpu.memory_space<hbm>>
      %dma_start3A_463 = arith.constant 64 : i32
      %dma_start3A_464 = arith.constant 0 : i32
      %dma_start3A_465 = tpu.memref_slice %arg12[%dma_start3A_463, %dma_start3A_464] : memref<128x128xf32, #tpu.memory_space<vmem>> -> memref<16x128xf32, #tpu.memory_space<vmem>>
      %dma_start3A_466 = arith.constant 0 : i32
      %dma_start3A_467 = tpu.memref_slice %arg4[%dma_start3A_466, %multiple_of3A_450] : memref<16x1000000xf32, #tpu.memory_space<hbm>> -> memref<16x128xf32, #tpu.memory_space<hbm>>
      tpu.enqueue_dma source(%dma_start3A_467 : memref<16x128xf32, #tpu.memory_space<hbm>>) target(%dma_start3A_465 : memref<16x128xf32, #tpu.memory_space<vmem>>) target_semaphore(%arg19 : memref<!tpu.dma_semaphore, #tpu.memory_space<semaphore_mem>>)
      %dma_start3A_468 = arith.constant 64 : i32
      %dma_start3A_469 = arith.constant 0 : i32
      %dma_start3A_470 = tpu.memref_slice %arg14[%dma_start3A_468, %dma_start3A_469] : memref<128x128xf32, #tpu.memory_space<vmem>> -> memref<16x128xf32, #tpu.memory_space<vmem>>
      %dma_start3A_471 = arith.constant 0 : i32
      %dma_start3A_472 = tpu.memref_slice %arg5[%dma_start3A_471, %multiple_of3A_457] : memref<16x1000000xf32, #tpu.memory_space<hbm>> -> memref<16x128xf32, #tpu.memory_space<hbm>>
      %dma_start3A_473 = arith.constant 64 : i32
      %dma_start3A_474 = arith.constant 0 : i32
      %dma_start3A_475 = tpu.memref_slice %arg14[%dma_start3A_473, %dma_start3A_474] : memref<128x128xf32, #tpu.memory_space<vmem>> -> memref<16x128xf32, #tpu.memory_space<vmem>>
      %dma_start3A_476 = arith.constant 0 : i32
      %dma_start3A_477 = tpu.memref_slice %arg5[%dma_start3A_476, %multiple_of3A_457] : memref<16x1000000xf32, #tpu.memory_space<hbm>> -> memref<16x128xf32, #tpu.memory_space<hbm>>
      tpu.enqueue_dma source(%dma_start3A_477 : memref<16x128xf32, #tpu.memory_space<hbm>>) target(%dma_start3A_475 : memref<16x128xf32, #tpu.memory_space<vmem>>) target_semaphore(%arg19 : memref<!tpu.dma_semaphore, #tpu.memory_space<semaphore_mem>>)
      %slice3A_478 = vector.extract_strided_slice %get3A_303 {offsets = [5], sizes = [1], strides = [1]} : vector<16xi32> to vector<1xi32>
      %squeeze3A_479 = vector.extract %slice3A_478[0] : i32 from vector<1xi32>
      %shift_right_arithmetic3A_480 = arith.constant 7 : i32
      %shift_right_arithmetic3A_481 = arith.shrsi %squeeze3A_479, %shift_right_arithmetic3A_480 : i32
      %mul3A_482 = arith.constant 128 : i32
      %mul3A_483 = arith.muli %shift_right_arithmetic3A_481, %mul3A_482 : i32
      %multiple_of3A_484 = tpu.assume_multiple %mul3A_483, 128 : i32
      %slice3A_485 = vector.extract_strided_slice %get3A_307 {offsets = [5], sizes = [1], strides = [1]} : vector<16xi32> to vector<1xi32>
      %squeeze3A_486 = vector.extract %slice3A_485[0] : i32 from vector<1xi32>
      %shift_right_arithmetic3A_487 = arith.constant 7 : i32
      %shift_right_arithmetic3A_488 = arith.shrsi %squeeze3A_486, %shift_right_arithmetic3A_487 : i32
      %mul3A_489 = arith.constant 128 : i32
      %mul3A_490 = arith.muli %shift_right_arithmetic3A_488, %mul3A_489 : i32
      %multiple_of3A_491 = tpu.assume_multiple %mul3A_490, 128 : i32
      %dma_start3A_492 = arith.constant 80 : i32
      %dma_start3A_493 = arith.constant 0 : i32
      %dma_start3A_494 = tpu.memref_slice %arg12[%dma_start3A_492, %dma_start3A_493] : memref<128x128xf32, #tpu.memory_space<vmem>> -> memref<16x128xf32, #tpu.memory_space<vmem>>
      %dma_start3A_495 = arith.constant 0 : i32
      %dma_start3A_496 = tpu.memref_slice %arg4[%dma_start3A_495, %multiple_of3A_484] : memref<16x1000000xf32, #tpu.memory_space<hbm>> -> memref<16x128xf32, #tpu.memory_space<hbm>>
      %dma_start3A_497 = arith.constant 80 : i32
      %dma_start3A_498 = arith.constant 0 : i32
      %dma_start3A_499 = tpu.memref_slice %arg12[%dma_start3A_497, %dma_start3A_498] : memref<128x128xf32, #tpu.memory_space<vmem>> -> memref<16x128xf32, #tpu.memory_space<vmem>>
      %dma_start3A_500 = arith.constant 0 : i32
      %dma_start3A_501 = tpu.memref_slice %arg4[%dma_start3A_500, %multiple_of3A_484] : memref<16x1000000xf32, #tpu.memory_space<hbm>> -> memref<16x128xf32, #tpu.memory_space<hbm>>
      tpu.enqueue_dma source(%dma_start3A_501 : memref<16x128xf32, #tpu.memory_space<hbm>>) target(%dma_start3A_499 : memref<16x128xf32, #tpu.memory_space<vmem>>) target_semaphore(%arg19 : memref<!tpu.dma_semaphore, #tpu.memory_space<semaphore_mem>>)
      %dma_start3A_502 = arith.constant 80 : i32
      %dma_start3A_503 = arith.constant 0 : i32
      %dma_start3A_504 = tpu.memref_slice %arg14[%dma_start3A_502, %dma_start3A_503] : memref<128x128xf32, #tpu.memory_space<vmem>> -> memref<16x128xf32, #tpu.memory_space<vmem>>
      %dma_start3A_505 = arith.constant 0 : i32
      %dma_start3A_506 = tpu.memref_slice %arg5[%dma_start3A_505, %multiple_of3A_491] : memref<16x1000000xf32, #tpu.memory_space<hbm>> -> memref<16x128xf32, #tpu.memory_space<hbm>>
      %dma_start3A_507 = arith.constant 80 : i32
      %dma_start3A_508 = arith.constant 0 : i32
      %dma_start3A_509 = tpu.memref_slice %arg14[%dma_start3A_507, %dma_start3A_508] : memref<128x128xf32, #tpu.memory_space<vmem>> -> memref<16x128xf32, #tpu.memory_space<vmem>>
      %dma_start3A_510 = arith.constant 0 : i32
      %dma_start3A_511 = tpu.memref_slice %arg5[%dma_start3A_510, %multiple_of3A_491] : memref<16x1000000xf32, #tpu.memory_space<hbm>> -> memref<16x128xf32, #tpu.memory_space<hbm>>
      tpu.enqueue_dma source(%dma_start3A_511 : memref<16x128xf32, #tpu.memory_space<hbm>>) target(%dma_start3A_509 : memref<16x128xf32, #tpu.memory_space<vmem>>) target_semaphore(%arg19 : memref<!tpu.dma_semaphore, #tpu.memory_space<semaphore_mem>>)
      %slice3A_512 = vector.extract_strided_slice %get3A_303 {offsets = [6], sizes = [1], strides = [1]} : vector<16xi32> to vector<1xi32>
      %squeeze3A_513 = vector.extract %slice3A_512[0] : i32 from vector<1xi32>
      %shift_right_arithmetic3A_514 = arith.constant 7 : i32
      %shift_right_arithmetic3A_515 = arith.shrsi %squeeze3A_513, %shift_right_arithmetic3A_514 : i32
      %mul3A_516 = arith.constant 128 : i32
      %mul3A_517 = arith.muli %shift_right_arithmetic3A_515, %mul3A_516 : i32
      %multiple_of3A_518 = tpu.assume_multiple %mul3A_517, 128 : i32
      %slice3A_519 = vector.extract_strided_slice %get3A_307 {offsets = [6], sizes = [1], strides = [1]} : vector<16xi32> to vector<1xi32>
      %squeeze3A_520 = vector.extract %slice3A_519[0] : i32 from vector<1xi32>
      %shift_right_arithmetic3A_521 = arith.constant 7 : i32
      %shift_right_arithmetic3A_522 = arith.shrsi %squeeze3A_520, %shift_right_arithmetic3A_521 : i32
      %mul3A_523 = arith.constant 128 : i32
      %mul3A_524 = arith.muli %shift_right_arithmetic3A_522, %mul3A_523 : i32
      %multiple_of3A_525 = tpu.assume_multiple %mul3A_524, 128 : i32
      %dma_start3A_526 = arith.constant 96 : i32
      %dma_start3A_527 = arith.constant 0 : i32
      %dma_start3A_528 = tpu.memref_slice %arg12[%dma_start3A_526, %dma_start3A_527] : memref<128x128xf32, #tpu.memory_space<vmem>> -> memref<16x128xf32, #tpu.memory_space<vmem>>
      %dma_start3A_529 = arith.constant 0 : i32
      %dma_start3A_530 = tpu.memref_slice %arg4[%dma_start3A_529, %multiple_of3A_518] : memref<16x1000000xf32, #tpu.memory_space<hbm>> -> memref<16x128xf32, #tpu.memory_space<hbm>>
      %dma_start3A_531 = arith.constant 96 : i32
      %dma_start3A_532 = arith.constant 0 : i32
      %dma_start3A_533 = tpu.memref_slice %arg12[%dma_start3A_531, %dma_start3A_532] : memref<128x128xf32, #tpu.memory_space<vmem>> -> memref<16x128xf32, #tpu.memory_space<vmem>>
      %dma_start3A_534 = arith.constant 0 : i32
      %dma_start3A_535 = tpu.memref_slice %arg4[%dma_start3A_534, %multiple_of3A_518] : memref<16x1000000xf32, #tpu.memory_space<hbm>> -> memref<16x128xf32, #tpu.memory_space<hbm>>
      tpu.enqueue_dma source(%dma_start3A_535 : memref<16x128xf32, #tpu.memory_space<hbm>>) target(%dma_start3A_533 : memref<16x128xf32, #tpu.memory_space<vmem>>) target_semaphore(%arg19 : memref<!tpu.dma_semaphore, #tpu.memory_space<semaphore_mem>>)
      %dma_start3A_536 = arith.constant 96 : i32
      %dma_start3A_537 = arith.constant 0 : i32
      %dma_start3A_538 = tpu.memref_slice %arg14[%dma_start3A_536, %dma_start3A_537] : memref<128x128xf32, #tpu.memory_space<vmem>> -> memref<16x128xf32, #tpu.memory_space<vmem>>
      %dma_start3A_539 = arith.constant 0 : i32
      %dma_start3A_540 = tpu.memref_slice %arg5[%dma_start3A_539, %multiple_of3A_525] : memref<16x1000000xf32, #tpu.memory_space<hbm>> -> memref<16x128xf32, #tpu.memory_space<hbm>>
      %dma_start3A_541 = arith.constant 96 : i32
      %dma_start3A_542 = arith.constant 0 : i32
      %dma_start3A_543 = tpu.memref_slice %arg14[%dma_start3A_541, %dma_start3A_542] : memref<128x128xf32, #tpu.memory_space<vmem>> -> memref<16x128xf32, #tpu.memory_space<vmem>>
      %dma_start3A_544 = arith.constant 0 : i32
      %dma_start3A_545 = tpu.memref_slice %arg5[%dma_start3A_544, %multiple_of3A_525] : memref<16x1000000xf32, #tpu.memory_space<hbm>> -> memref<16x128xf32, #tpu.memory_space<hbm>>
      tpu.enqueue_dma source(%dma_start3A_545 : memref<16x128xf32, #tpu.memory_space<hbm>>) target(%dma_start3A_543 : memref<16x128xf32, #tpu.memory_space<vmem>>) target_semaphore(%arg19 : memref<!tpu.dma_semaphore, #tpu.memory_space<semaphore_mem>>)
      %slice3A_546 = vector.extract_strided_slice %get3A_303 {offsets = [7], sizes = [1], strides = [1]} : vector<16xi32> to vector<1xi32>
      %squeeze3A_547 = vector.extract %slice3A_546[0] : i32 from vector<1xi32>
      %shift_right_arithmetic3A_548 = arith.constant 7 : i32
      %shift_right_arithmetic3A_549 = arith.shrsi %squeeze3A_547, %shift_right_arithmetic3A_548 : i32
      %mul3A_550 = arith.constant 128 : i32
      %mul3A_551 = arith.muli %shift_right_arithmetic3A_549, %mul3A_550 : i32
      %multiple_of3A_552 = tpu.assume_multiple %mul3A_551, 128 : i32
      %slice3A_553 = vector.extract_strided_slice %get3A_307 {offsets = [7], sizes = [1], strides = [1]} : vector<16xi32> to vector<1xi32>
      %squeeze3A_554 = vector.extract %slice3A_553[0] : i32 from vector<1xi32>
      %shift_right_arithmetic3A_555 = arith.constant 7 : i32
      %shift_right_arithmetic3A_556 = arith.shrsi %squeeze3A_554, %shift_right_arithmetic3A_555 : i32
      %mul3A_557 = arith.constant 128 : i32
      %mul3A_558 = arith.muli %shift_right_arithmetic3A_556, %mul3A_557 : i32
      %multiple_of3A_559 = tpu.assume_multiple %mul3A_558, 128 : i32
      %dma_start3A_560 = arith.constant 112 : i32
      %dma_start3A_561 = arith.constant 0 : i32
      %dma_start3A_562 = tpu.memref_slice %arg12[%dma_start3A_560, %dma_start3A_561] : memref<128x128xf32, #tpu.memory_space<vmem>> -> memref<16x128xf32, #tpu.memory_space<vmem>>
      %dma_start3A_563 = arith.constant 0 : i32
      %dma_start3A_564 = tpu.memref_slice %arg4[%dma_start3A_563, %multiple_of3A_552] : memref<16x1000000xf32, #tpu.memory_space<hbm>> -> memref<16x128xf32, #tpu.memory_space<hbm>>
      %dma_start3A_565 = arith.constant 112 : i32
      %dma_start3A_566 = arith.constant 0 : i32
      %dma_start3A_567 = tpu.memref_slice %arg12[%dma_start3A_565, %dma_start3A_566] : memref<128x128xf32, #tpu.memory_space<vmem>> -> memref<16x128xf32, #tpu.memory_space<vmem>>
      %dma_start3A_568 = arith.constant 0 : i32
      %dma_start3A_569 = tpu.memref_slice %arg4[%dma_start3A_568, %multiple_of3A_552] : memref<16x1000000xf32, #tpu.memory_space<hbm>> -> memref<16x128xf32, #tpu.memory_space<hbm>>
      tpu.enqueue_dma source(%dma_start3A_569 : memref<16x128xf32, #tpu.memory_space<hbm>>) target(%dma_start3A_567 : memref<16x128xf32, #tpu.memory_space<vmem>>) target_semaphore(%arg19 : memref<!tpu.dma_semaphore, #tpu.memory_space<semaphore_mem>>)
      %dma_start3A_570 = arith.constant 112 : i32
      %dma_start3A_571 = arith.constant 0 : i32
      %dma_start3A_572 = tpu.memref_slice %arg14[%dma_start3A_570, %dma_start3A_571] : memref<128x128xf32, #tpu.memory_space<vmem>> -> memref<16x128xf32, #tpu.memory_space<vmem>>
      %dma_start3A_573 = arith.constant 0 : i32
      %dma_start3A_574 = tpu.memref_slice %arg5[%dma_start3A_573, %multiple_of3A_559] : memref<16x1000000xf32, #tpu.memory_space<hbm>> -> memref<16x128xf32, #tpu.memory_space<hbm>>
      %dma_start3A_575 = arith.constant 112 : i32
      %dma_start3A_576 = arith.constant 0 : i32
      %dma_start3A_577 = tpu.memref_slice %arg14[%dma_start3A_575, %dma_start3A_576] : memref<128x128xf32, #tpu.memory_space<vmem>> -> memref<16x128xf32, #tpu.memory_space<vmem>>
      %dma_start3A_578 = arith.constant 0 : i32
      %dma_start3A_579 = tpu.memref_slice %arg5[%dma_start3A_578, %multiple_of3A_559] : memref<16x1000000xf32, #tpu.memory_space<hbm>> -> memref<16x128xf32, #tpu.memory_space<hbm>>
      tpu.enqueue_dma source(%dma_start3A_579 : memref<16x128xf32, #tpu.memory_space<hbm>>) target(%dma_start3A_577 : memref<16x128xf32, #tpu.memory_space<vmem>>) target_semaphore(%arg19 : memref<!tpu.dma_semaphore, #tpu.memory_space<semaphore_mem>>)
      %dma_wait3A = arith.constant 0 : i32
      %dma_wait3A_580 = arith.constant 0 : i32
      %dma_wait3A_581 = tpu.memref_slice %arg11[%dma_wait3A, %dma_wait3A_580] : memref<128x128xf32, #tpu.memory_space<vmem>> -> memref<16x128xf32, #tpu.memory_space<vmem>>
      %dma_wait3A_582 = arith.constant 0 : i32
      %dma_wait3A_583 = arith.constant 0 : i32
      %dma_wait3A_584 = tpu.memref_slice %arg4[%dma_wait3A_582, %dma_wait3A_583] : memref<16x1000000xf32, #tpu.memory_space<hbm>> -> memref<16x128xf32, #tpu.memory_space<hbm>>
      %dma_wait3A_585 = arith.constant 0 : i32
      %dma_wait3A_586 = arith.constant 0 : i32
      %dma_wait3A_587 = tpu.memref_slice %arg11[%dma_wait3A_585, %dma_wait3A_586] : memref<128x128xf32, #tpu.memory_space<vmem>> -> memref<16x128xf32, #tpu.memory_space<vmem>>
      %dma_wait3A_588 = arith.constant 0 : i32
      %dma_wait3A_589 = arith.constant 0 : i32
      %dma_wait3A_590 = tpu.memref_slice %arg4[%dma_wait3A_588, %dma_wait3A_589] : memref<16x1000000xf32, #tpu.memory_space<hbm>> -> memref<16x128xf32, #tpu.memory_space<hbm>>
      tpu.wait_dma2 semaphore(%arg18 : memref<!tpu.dma_semaphore, #tpu.memory_space<semaphore_mem>>) src(%dma_wait3A_590 : memref<16x128xf32, #tpu.memory_space<hbm>>) dst(%dma_wait3A_587 : memref<16x128xf32, #tpu.memory_space<vmem>>)
      %dma_wait3A_591 = arith.constant 0 : i32
      %dma_wait3A_592 = arith.constant 0 : i32
      %dma_wait3A_593 = tpu.memref_slice %arg13[%dma_wait3A_591, %dma_wait3A_592] : memref<128x128xf32, #tpu.memory_space<vmem>> -> memref<16x128xf32, #tpu.memory_space<vmem>>
      %dma_wait3A_594 = arith.constant 0 : i32
      %dma_wait3A_595 = arith.constant 0 : i32
      %dma_wait3A_596 = tpu.memref_slice %arg5[%dma_wait3A_594, %dma_wait3A_595] : memref<16x1000000xf32, #tpu.memory_space<hbm>> -> memref<16x128xf32, #tpu.memory_space<hbm>>
      %dma_wait3A_597 = arith.constant 0 : i32
      %dma_wait3A_598 = arith.constant 0 : i32
      %dma_wait3A_599 = tpu.memref_slice %arg13[%dma_wait3A_597, %dma_wait3A_598] : memref<128x128xf32, #tpu.memory_space<vmem>> -> memref<16x128xf32, #tpu.memory_space<vmem>>
      %dma_wait3A_600 = arith.constant 0 : i32
      %dma_wait3A_601 = arith.constant 0 : i32
      %dma_wait3A_602 = tpu.memref_slice %arg5[%dma_wait3A_600, %dma_wait3A_601] : memref<16x1000000xf32, #tpu.memory_space<hbm>> -> memref<16x128xf32, #tpu.memory_space<hbm>>
      tpu.wait_dma2 semaphore(%arg18 : memref<!tpu.dma_semaphore, #tpu.memory_space<semaphore_mem>>) src(%dma_wait3A_602 : memref<16x128xf32, #tpu.memory_space<hbm>>) dst(%dma_wait3A_599 : memref<16x128xf32, #tpu.memory_space<vmem>>)
      %dma_wait3A_603 = arith.constant 16 : i32
      %dma_wait3A_604 = arith.constant 0 : i32
      %dma_wait3A_605 = tpu.memref_slice %arg11[%dma_wait3A_603, %dma_wait3A_604] : memref<128x128xf32, #tpu.memory_space<vmem>> -> memref<16x128xf32, #tpu.memory_space<vmem>>
      %dma_wait3A_606 = arith.constant 0 : i32
      %dma_wait3A_607 = arith.constant 0 : i32
      %dma_wait3A_608 = tpu.memref_slice %arg4[%dma_wait3A_606, %dma_wait3A_607] : memref<16x1000000xf32, #tpu.memory_space<hbm>> -> memref<16x128xf32, #tpu.memory_space<hbm>>
      %dma_wait3A_609 = arith.constant 16 : i32
      %dma_wait3A_610 = arith.constant 0 : i32
      %dma_wait3A_611 = tpu.memref_slice %arg11[%dma_wait3A_609, %dma_wait3A_610] : memref<128x128xf32, #tpu.memory_space<vmem>> -> memref<16x128xf32, #tpu.memory_space<vmem>>
      %dma_wait3A_612 = arith.constant 0 : i32
      %dma_wait3A_613 = arith.constant 0 : i32
      %dma_wait3A_614 = tpu.memref_slice %arg4[%dma_wait3A_612, %dma_wait3A_613] : memref<16x1000000xf32, #tpu.memory_space<hbm>> -> memref<16x128xf32, #tpu.memory_space<hbm>>
      tpu.wait_dma2 semaphore(%arg18 : memref<!tpu.dma_semaphore, #tpu.memory_space<semaphore_mem>>) src(%dma_wait3A_614 : memref<16x128xf32, #tpu.memory_space<hbm>>) dst(%dma_wait3A_611 : memref<16x128xf32, #tpu.memory_space<vmem>>)
      %dma_wait3A_615 = arith.constant 16 : i32
      %dma_wait3A_616 = arith.constant 0 : i32
      %dma_wait3A_617 = tpu.memref_slice %arg13[%dma_wait3A_615, %dma_wait3A_616] : memref<128x128xf32, #tpu.memory_space<vmem>> -> memref<16x128xf32, #tpu.memory_space<vmem>>
      %dma_wait3A_618 = arith.constant 0 : i32
      %dma_wait3A_619 = arith.constant 0 : i32
      %dma_wait3A_620 = tpu.memref_slice %arg5[%dma_wait3A_618, %dma_wait3A_619] : memref<16x1000000xf32, #tpu.memory_space<hbm>> -> memref<16x128xf32, #tpu.memory_space<hbm>>
      %dma_wait3A_621 = arith.constant 16 : i32
      %dma_wait3A_622 = arith.constant 0 : i32
      %dma_wait3A_623 = tpu.memref_slice %arg13[%dma_wait3A_621, %dma_wait3A_622] : memref<128x128xf32, #tpu.memory_space<vmem>> -> memref<16x128xf32, #tpu.memory_space<vmem>>
      %dma_wait3A_624 = arith.constant 0 : i32
      %dma_wait3A_625 = arith.constant 0 : i32
      %dma_wait3A_626 = tpu.memref_slice %arg5[%dma_wait3A_624, %dma_wait3A_625] : memref<16x1000000xf32, #tpu.memory_space<hbm>> -> memref<16x128xf32, #tpu.memory_space<hbm>>
      tpu.wait_dma2 semaphore(%arg18 : memref<!tpu.dma_semaphore, #tpu.memory_space<semaphore_mem>>) src(%dma_wait3A_626 : memref<16x128xf32, #tpu.memory_space<hbm>>) dst(%dma_wait3A_623 : memref<16x128xf32, #tpu.memory_space<vmem>>)
      %dma_wait3A_627 = arith.constant 32 : i32
      %dma_wait3A_628 = arith.constant 0 : i32
      %dma_wait3A_629 = tpu.memref_slice %arg11[%dma_wait3A_627, %dma_wait3A_628] : memref<128x128xf32, #tpu.memory_space<vmem>> -> memref<16x128xf32, #tpu.memory_space<vmem>>
      %dma_wait3A_630 = arith.constant 0 : i32
      %dma_wait3A_631 = arith.constant 0 : i32
      %dma_wait3A_632 = tpu.memref_slice %arg4[%dma_wait3A_630, %dma_wait3A_631] : memref<16x1000000xf32, #tpu.memory_space<hbm>> -> memref<16x128xf32, #tpu.memory_space<hbm>>
      %dma_wait3A_633 = arith.constant 32 : i32
      %dma_wait3A_634 = arith.constant 0 : i32
      %dma_wait3A_635 = tpu.memref_slice %arg11[%dma_wait3A_633, %dma_wait3A_634] : memref<128x128xf32, #tpu.memory_space<vmem>> -> memref<16x128xf32, #tpu.memory_space<vmem>>
      %dma_wait3A_636 = arith.constant 0 : i32
      %dma_wait3A_637 = arith.constant 0 : i32
      %dma_wait3A_638 = tpu.memref_slice %arg4[%dma_wait3A_636, %dma_wait3A_637] : memref<16x1000000xf32, #tpu.memory_space<hbm>> -> memref<16x128xf32, #tpu.memory_space<hbm>>
      tpu.wait_dma2 semaphore(%arg18 : memref<!tpu.dma_semaphore, #tpu.memory_space<semaphore_mem>>) src(%dma_wait3A_638 : memref<16x128xf32, #tpu.memory_space<hbm>>) dst(%dma_wait3A_635 : memref<16x128xf32, #tpu.memory_space<vmem>>)
      %dma_wait3A_639 = arith.constant 32 : i32
      %dma_wait3A_640 = arith.constant 0 : i32
      %dma_wait3A_641 = tpu.memref_slice %arg13[%dma_wait3A_639, %dma_wait3A_640] : memref<128x128xf32, #tpu.memory_space<vmem>> -> memref<16x128xf32, #tpu.memory_space<vmem>>
      %dma_wait3A_642 = arith.constant 0 : i32
      %dma_wait3A_643 = arith.constant 0 : i32
      %dma_wait3A_644 = tpu.memref_slice %arg5[%dma_wait3A_642, %dma_wait3A_643] : memref<16x1000000xf32, #tpu.memory_space<hbm>> -> memref<16x128xf32, #tpu.memory_space<hbm>>
      %dma_wait3A_645 = arith.constant 32 : i32
      %dma_wait3A_646 = arith.constant 0 : i32
      %dma_wait3A_647 = tpu.memref_slice %arg13[%dma_wait3A_645, %dma_wait3A_646] : memref<128x128xf32, #tpu.memory_space<vmem>> -> memref<16x128xf32, #tpu.memory_space<vmem>>
      %dma_wait3A_648 = arith.constant 0 : i32
      %dma_wait3A_649 = arith.constant 0 : i32
      %dma_wait3A_650 = tpu.memref_slice %arg5[%dma_wait3A_648, %dma_wait3A_649] : memref<16x1000000xf32, #tpu.memory_space<hbm>> -> memref<16x128xf32, #tpu.memory_space<hbm>>
      tpu.wait_dma2 semaphore(%arg18 : memref<!tpu.dma_semaphore, #tpu.memory_space<semaphore_mem>>) src(%dma_wait3A_650 : memref<16x128xf32, #tpu.memory_space<hbm>>) dst(%dma_wait3A_647 : memref<16x128xf32, #tpu.memory_space<vmem>>)
      %dma_wait3A_651 = arith.constant 48 : i32
      %dma_wait3A_652 = arith.constant 0 : i32
      %dma_wait3A_653 = tpu.memref_slice %arg11[%dma_wait3A_651, %dma_wait3A_652] : memref<128x128xf32, #tpu.memory_space<vmem>> -> memref<16x128xf32, #tpu.memory_space<vmem>>
      %dma_wait3A_654 = arith.constant 0 : i32
      %dma_wait3A_655 = arith.constant 0 : i32
      %dma_wait3A_656 = tpu.memref_slice %arg4[%dma_wait3A_654, %dma_wait3A_655] : memref<16x1000000xf32, #tpu.memory_space<hbm>> -> memref<16x128xf32, #tpu.memory_space<hbm>>
      %dma_wait3A_657 = arith.constant 48 : i32
      %dma_wait3A_658 = arith.constant 0 : i32
      %dma_wait3A_659 = tpu.memref_slice %arg11[%dma_wait3A_657, %dma_wait3A_658] : memref<128x128xf32, #tpu.memory_space<vmem>> -> memref<16x128xf32, #tpu.memory_space<vmem>>
      %dma_wait3A_660 = arith.constant 0 : i32
      %dma_wait3A_661 = arith.constant 0 : i32
      %dma_wait3A_662 = tpu.memref_slice %arg4[%dma_wait3A_660, %dma_wait3A_661] : memref<16x1000000xf32, #tpu.memory_space<hbm>> -> memref<16x128xf32, #tpu.memory_space<hbm>>
      tpu.wait_dma2 semaphore(%arg18 : memref<!tpu.dma_semaphore, #tpu.memory_space<semaphore_mem>>) src(%dma_wait3A_662 : memref<16x128xf32, #tpu.memory_space<hbm>>) dst(%dma_wait3A_659 : memref<16x128xf32, #tpu.memory_space<vmem>>)
      %dma_wait3A_663 = arith.constant 48 : i32
      %dma_wait3A_664 = arith.constant 0 : i32
      %dma_wait3A_665 = tpu.memref_slice %arg13[%dma_wait3A_663, %dma_wait3A_664] : memref<128x128xf32, #tpu.memory_space<vmem>> -> memref<16x128xf32, #tpu.memory_space<vmem>>
      %dma_wait3A_666 = arith.constant 0 : i32
      %dma_wait3A_667 = arith.constant 0 : i32
      %dma_wait3A_668 = tpu.memref_slice %arg5[%dma_wait3A_666, %dma_wait3A_667] : memref<16x1000000xf32, #tpu.memory_space<hbm>> -> memref<16x128xf32, #tpu.memory_space<hbm>>
      %dma_wait3A_669 = arith.constant 48 : i32
      %dma_wait3A_670 = arith.constant 0 : i32
      %dma_wait3A_671 = tpu.memref_slice %arg13[%dma_wait3A_669, %dma_wait3A_670] : memref<128x128xf32, #tpu.memory_space<vmem>> -> memref<16x128xf32, #tpu.memory_space<vmem>>
      %dma_wait3A_672 = arith.constant 0 : i32
      %dma_wait3A_673 = arith.constant 0 : i32
      %dma_wait3A_674 = tpu.memref_slice %arg5[%dma_wait3A_672, %dma_wait3A_673] : memref<16x1000000xf32, #tpu.memory_space<hbm>> -> memref<16x128xf32, #tpu.memory_space<hbm>>
      tpu.wait_dma2 semaphore(%arg18 : memref<!tpu.dma_semaphore, #tpu.memory_space<semaphore_mem>>) src(%dma_wait3A_674 : memref<16x128xf32, #tpu.memory_space<hbm>>) dst(%dma_wait3A_671 : memref<16x128xf32, #tpu.memory_space<vmem>>)
      %dma_wait3A_675 = arith.constant 64 : i32
      %dma_wait3A_676 = arith.constant 0 : i32
      %dma_wait3A_677 = tpu.memref_slice %arg11[%dma_wait3A_675, %dma_wait3A_676] : memref<128x128xf32, #tpu.memory_space<vmem>> -> memref<16x128xf32, #tpu.memory_space<vmem>>
      %dma_wait3A_678 = arith.constant 0 : i32
      %dma_wait3A_679 = arith.constant 0 : i32
      %dma_wait3A_680 = tpu.memref_slice %arg4[%dma_wait3A_678, %dma_wait3A_679] : memref<16x1000000xf32, #tpu.memory_space<hbm>> -> memref<16x128xf32, #tpu.memory_space<hbm>>
      %dma_wait3A_681 = arith.constant 64 : i32
      %dma_wait3A_682 = arith.constant 0 : i32
      %dma_wait3A_683 = tpu.memref_slice %arg11[%dma_wait3A_681, %dma_wait3A_682] : memref<128x128xf32, #tpu.memory_space<vmem>> -> memref<16x128xf32, #tpu.memory_space<vmem>>
      %dma_wait3A_684 = arith.constant 0 : i32
      %dma_wait3A_685 = arith.constant 0 : i32
      %dma_wait3A_686 = tpu.memref_slice %arg4[%dma_wait3A_684, %dma_wait3A_685] : memref<16x1000000xf32, #tpu.memory_space<hbm>> -> memref<16x128xf32, #tpu.memory_space<hbm>>
      tpu.wait_dma2 semaphore(%arg18 : memref<!tpu.dma_semaphore, #tpu.memory_space<semaphore_mem>>) src(%dma_wait3A_686 : memref<16x128xf32, #tpu.memory_space<hbm>>) dst(%dma_wait3A_683 : memref<16x128xf32, #tpu.memory_space<vmem>>)
      %dma_wait3A_687 = arith.constant 64 : i32
      %dma_wait3A_688 = arith.constant 0 : i32
      %dma_wait3A_689 = tpu.memref_slice %arg13[%dma_wait3A_687, %dma_wait3A_688] : memref<128x128xf32, #tpu.memory_space<vmem>> -> memref<16x128xf32, #tpu.memory_space<vmem>>
      %dma_wait3A_690 = arith.constant 0 : i32
      %dma_wait3A_691 = arith.constant 0 : i32
      %dma_wait3A_692 = tpu.memref_slice %arg5[%dma_wait3A_690, %dma_wait3A_691] : memref<16x1000000xf32, #tpu.memory_space<hbm>> -> memref<16x128xf32, #tpu.memory_space<hbm>>
      %dma_wait3A_693 = arith.constant 64 : i32
      %dma_wait3A_694 = arith.constant 0 : i32
      %dma_wait3A_695 = tpu.memref_slice %arg13[%dma_wait3A_693, %dma_wait3A_694] : memref<128x128xf32, #tpu.memory_space<vmem>> -> memref<16x128xf32, #tpu.memory_space<vmem>>
      %dma_wait3A_696 = arith.constant 0 : i32
      %dma_wait3A_697 = arith.constant 0 : i32
      %dma_wait3A_698 = tpu.memref_slice %arg5[%dma_wait3A_696, %dma_wait3A_697] : memref<16x1000000xf32, #tpu.memory_space<hbm>> -> memref<16x128xf32, #tpu.memory_space<hbm>>
      tpu.wait_dma2 semaphore(%arg18 : memref<!tpu.dma_semaphore, #tpu.memory_space<semaphore_mem>>) src(%dma_wait3A_698 : memref<16x128xf32, #tpu.memory_space<hbm>>) dst(%dma_wait3A_695 : memref<16x128xf32, #tpu.memory_space<vmem>>)
      %dma_wait3A_699 = arith.constant 80 : i32
      %dma_wait3A_700 = arith.constant 0 : i32
      %dma_wait3A_701 = tpu.memref_slice %arg11[%dma_wait3A_699, %dma_wait3A_700] : memref<128x128xf32, #tpu.memory_space<vmem>> -> memref<16x128xf32, #tpu.memory_space<vmem>>
      %dma_wait3A_702 = arith.constant 0 : i32
      %dma_wait3A_703 = arith.constant 0 : i32
      %dma_wait3A_704 = tpu.memref_slice %arg4[%dma_wait3A_702, %dma_wait3A_703] : memref<16x1000000xf32, #tpu.memory_space<hbm>> -> memref<16x128xf32, #tpu.memory_space<hbm>>
      %dma_wait3A_705 = arith.constant 80 : i32
      %dma_wait3A_706 = arith.constant 0 : i32
      %dma_wait3A_707 = tpu.memref_slice %arg11[%dma_wait3A_705, %dma_wait3A_706] : memref<128x128xf32, #tpu.memory_space<vmem>> -> memref<16x128xf32, #tpu.memory_space<vmem>>
      %dma_wait3A_708 = arith.constant 0 : i32
      %dma_wait3A_709 = arith.constant 0 : i32
      %dma_wait3A_710 = tpu.memref_slice %arg4[%dma_wait3A_708, %dma_wait3A_709] : memref<16x1000000xf32, #tpu.memory_space<hbm>> -> memref<16x128xf32, #tpu.memory_space<hbm>>
      tpu.wait_dma2 semaphore(%arg18 : memref<!tpu.dma_semaphore, #tpu.memory_space<semaphore_mem>>) src(%dma_wait3A_710 : memref<16x128xf32, #tpu.memory_space<hbm>>) dst(%dma_wait3A_707 : memref<16x128xf32, #tpu.memory_space<vmem>>)
      %dma_wait3A_711 = arith.constant 80 : i32
      %dma_wait3A_712 = arith.constant 0 : i32
      %dma_wait3A_713 = tpu.memref_slice %arg13[%dma_wait3A_711, %dma_wait3A_712] : memref<128x128xf32, #tpu.memory_space<vmem>> -> memref<16x128xf32, #tpu.memory_space<vmem>>
      %dma_wait3A_714 = arith.constant 0 : i32
      %dma_wait3A_715 = arith.constant 0 : i32
      %dma_wait3A_716 = tpu.memref_slice %arg5[%dma_wait3A_714, %dma_wait3A_715] : memref<16x1000000xf32, #tpu.memory_space<hbm>> -> memref<16x128xf32, #tpu.memory_space<hbm>>
      %dma_wait3A_717 = arith.constant 80 : i32
      %dma_wait3A_718 = arith.constant 0 : i32
      %dma_wait3A_719 = tpu.memref_slice %arg13[%dma_wait3A_717, %dma_wait3A_718] : memref<128x128xf32, #tpu.memory_space<vmem>> -> memref<16x128xf32, #tpu.memory_space<vmem>>
      %dma_wait3A_720 = arith.constant 0 : i32
      %dma_wait3A_721 = arith.constant 0 : i32
      %dma_wait3A_722 = tpu.memref_slice %arg5[%dma_wait3A_720, %dma_wait3A_721] : memref<16x1000000xf32, #tpu.memory_space<hbm>> -> memref<16x128xf32, #tpu.memory_space<hbm>>
      tpu.wait_dma2 semaphore(%arg18 : memref<!tpu.dma_semaphore, #tpu.memory_space<semaphore_mem>>) src(%dma_wait3A_722 : memref<16x128xf32, #tpu.memory_space<hbm>>) dst(%dma_wait3A_719 : memref<16x128xf32, #tpu.memory_space<vmem>>)
      %dma_wait3A_723 = arith.constant 96 : i32
      %dma_wait3A_724 = arith.constant 0 : i32
      %dma_wait3A_725 = tpu.memref_slice %arg11[%dma_wait3A_723, %dma_wait3A_724] : memref<128x128xf32, #tpu.memory_space<vmem>> -> memref<16x128xf32, #tpu.memory_space<vmem>>
      %dma_wait3A_726 = arith.constant 0 : i32
      %dma_wait3A_727 = arith.constant 0 : i32
      %dma_wait3A_728 = tpu.memref_slice %arg4[%dma_wait3A_726, %dma_wait3A_727] : memref<16x1000000xf32, #tpu.memory_space<hbm>> -> memref<16x128xf32, #tpu.memory_space<hbm>>
      %dma_wait3A_729 = arith.constant 96 : i32
      %dma_wait3A_730 = arith.constant 0 : i32
      %dma_wait3A_731 = tpu.memref_slice %arg11[%dma_wait3A_729, %dma_wait3A_730] : memref<128x128xf32, #tpu.memory_space<vmem>> -> memref<16x128xf32, #tpu.memory_space<vmem>>
      %dma_wait3A_732 = arith.constant 0 : i32
      %dma_wait3A_733 = arith.constant 0 : i32
      %dma_wait3A_734 = tpu.memref_slice %arg4[%dma_wait3A_732, %dma_wait3A_733] : memref<16x1000000xf32, #tpu.memory_space<hbm>> -> memref<16x128xf32, #tpu.memory_space<hbm>>
      tpu.wait_dma2 semaphore(%arg18 : memref<!tpu.dma_semaphore, #tpu.memory_space<semaphore_mem>>) src(%dma_wait3A_734 : memref<16x128xf32, #tpu.memory_space<hbm>>) dst(%dma_wait3A_731 : memref<16x128xf32, #tpu.memory_space<vmem>>)
      %dma_wait3A_735 = arith.constant 96 : i32
      %dma_wait3A_736 = arith.constant 0 : i32
      %dma_wait3A_737 = tpu.memref_slice %arg13[%dma_wait3A_735, %dma_wait3A_736] : memref<128x128xf32, #tpu.memory_space<vmem>> -> memref<16x128xf32, #tpu.memory_space<vmem>>
      %dma_wait3A_738 = arith.constant 0 : i32
      %dma_wait3A_739 = arith.constant 0 : i32
      %dma_wait3A_740 = tpu.memref_slice %arg5[%dma_wait3A_738, %dma_wait3A_739] : memref<16x1000000xf32, #tpu.memory_space<hbm>> -> memref<16x128xf32, #tpu.memory_space<hbm>>
      %dma_wait3A_741 = arith.constant 96 : i32
      %dma_wait3A_742 = arith.constant 0 : i32
      %dma_wait3A_743 = tpu.memref_slice %arg13[%dma_wait3A_741, %dma_wait3A_742] : memref<128x128xf32, #tpu.memory_space<vmem>> -> memref<16x128xf32, #tpu.memory_space<vmem>>
      %dma_wait3A_744 = arith.constant 0 : i32
      %dma_wait3A_745 = arith.constant 0 : i32
      %dma_wait3A_746 = tpu.memref_slice %arg5[%dma_wait3A_744, %dma_wait3A_745] : memref<16x1000000xf32, #tpu.memory_space<hbm>> -> memref<16x128xf32, #tpu.memory_space<hbm>>
      tpu.wait_dma2 semaphore(%arg18 : memref<!tpu.dma_semaphore, #tpu.memory_space<semaphore_mem>>) src(%dma_wait3A_746 : memref<16x128xf32, #tpu.memory_space<hbm>>) dst(%dma_wait3A_743 : memref<16x128xf32, #tpu.memory_space<vmem>>)
      %dma_wait3A_747 = arith.constant 112 : i32
      %dma_wait3A_748 = arith.constant 0 : i32
      %dma_wait3A_749 = tpu.memref_slice %arg11[%dma_wait3A_747, %dma_wait3A_748] : memref<128x128xf32, #tpu.memory_space<vmem>> -> memref<16x128xf32, #tpu.memory_space<vmem>>
      %dma_wait3A_750 = arith.constant 0 : i32
      %dma_wait3A_751 = arith.constant 0 : i32
      %dma_wait3A_752 = tpu.memref_slice %arg4[%dma_wait3A_750, %dma_wait3A_751] : memref<16x1000000xf32, #tpu.memory_space<hbm>> -> memref<16x128xf32, #tpu.memory_space<hbm>>
      %dma_wait3A_753 = arith.constant 112 : i32
      %dma_wait3A_754 = arith.constant 0 : i32
      %dma_wait3A_755 = tpu.memref_slice %arg11[%dma_wait3A_753, %dma_wait3A_754] : memref<128x128xf32, #tpu.memory_space<vmem>> -> memref<16x128xf32, #tpu.memory_space<vmem>>
      %dma_wait3A_756 = arith.constant 0 : i32
      %dma_wait3A_757 = arith.constant 0 : i32
      %dma_wait3A_758 = tpu.memref_slice %arg4[%dma_wait3A_756, %dma_wait3A_757] : memref<16x1000000xf32, #tpu.memory_space<hbm>> -> memref<16x128xf32, #tpu.memory_space<hbm>>
      tpu.wait_dma2 semaphore(%arg18 : memref<!tpu.dma_semaphore, #tpu.memory_space<semaphore_mem>>) src(%dma_wait3A_758 : memref<16x128xf32, #tpu.memory_space<hbm>>) dst(%dma_wait3A_755 : memref<16x128xf32, #tpu.memory_space<vmem>>)
      %dma_wait3A_759 = arith.constant 112 : i32
      %dma_wait3A_760 = arith.constant 0 : i32
      %dma_wait3A_761 = tpu.memref_slice %arg13[%dma_wait3A_759, %dma_wait3A_760] : memref<128x128xf32, #tpu.memory_space<vmem>> -> memref<16x128xf32, #tpu.memory_space<vmem>>
      %dma_wait3A_762 = arith.constant 0 : i32
      %dma_wait3A_763 = arith.constant 0 : i32
      %dma_wait3A_764 = tpu.memref_slice %arg5[%dma_wait3A_762, %dma_wait3A_763] : memref<16x1000000xf32, #tpu.memory_space<hbm>> -> memref<16x128xf32, #tpu.memory_space<hbm>>
      %dma_wait3A_765 = arith.constant 112 : i32
      %dma_wait3A_766 = arith.constant 0 : i32
      %dma_wait3A_767 = tpu.memref_slice %arg13[%dma_wait3A_765, %dma_wait3A_766] : memref<128x128xf32, #tpu.memory_space<vmem>> -> memref<16x128xf32, #tpu.memory_space<vmem>>
      %dma_wait3A_768 = arith.constant 0 : i32
      %dma_wait3A_769 = arith.constant 0 : i32
      %dma_wait3A_770 = tpu.memref_slice %arg5[%dma_wait3A_768, %dma_wait3A_769] : memref<16x1000000xf32, #tpu.memory_space<hbm>> -> memref<16x128xf32, #tpu.memory_space<hbm>>
      tpu.wait_dma2 semaphore(%arg18 : memref<!tpu.dma_semaphore, #tpu.memory_space<semaphore_mem>>) src(%dma_wait3A_770 : memref<16x128xf32, #tpu.memory_space<hbm>>) dst(%dma_wait3A_767 : memref<16x128xf32, #tpu.memory_space<vmem>>)
      %mul3A_771 = arith.constant 16 : i32
      %mul3A_772 = arith.muli %scan3A_294, %mul3A_771 : i32
      %get3A_773 = arith.index_cast %mul3A_772 : i32 to index
      %get3A_774 = tpu.vector_load %arg9[%get3A_773] {strides = array<i32>} : memref<528xi32, #tpu.memory_space<vmem>>, vector<16xi32>,
      %mul3A_775 = arith.constant 16 : i32
      %mul3A_776 = arith.muli %scan3A_294, %mul3A_775 : i32
      %get3A_777 = arith.index_cast %mul3A_776 : i32 to index
      %get3A_778 = tpu.vector_load %arg10[%get3A_777] {strides = array<i32>} : memref<528xi32, #tpu.memory_space<vmem>>, vector<16xi32>,
      %and3A_779 = arith.constant 127 : i32
      %and3A_780 = vector.broadcast %and3A_779 : i32 to vector<16xi32>
      %and3A_781 = arith.andi %get3A_774, %and3A_780 : vector<16xi32>
      %and3A_782 = arith.constant 127 : i32
      %and3A_783 = vector.broadcast %and3A_782 : i32 to vector<16xi32>
      %and3A_784 = arith.andi %get3A_778, %and3A_783 : vector<16xi32>
      %add3A_785 = arith.constant 0 : i32
      %add3A_786 = vector.broadcast %add3A_785 : i32 to vector<16xi32>
      %add3A_787 = arith.addi %mul3A_16, %add3A_786 : vector<16xi32>
      %gather3A = tpu.vector_load_idx %arg11[%add3A_787, %and3A_781] : memref<128x128xf32, #tpu.memory_space<vmem>>[vector<16xi32>, vector<16xi32>], vector<16xf32>,
      %gather3A_788 = tpu.vector_load_idx %arg13[%add3A_787, %and3A_784] : memref<128x128xf32, #tpu.memory_space<vmem>>[vector<16xi32>, vector<16xi32>], vector<16xf32>,
      %mul3A_789 = arith.mulf %gather3A, %gather3A_788 : vector<16xf32>
      %add3A_790 = arith.constant 1 : i32
      %add3A_791 = vector.broadcast %add3A_790 : i32 to vector<16xi32>
      %add3A_792 = arith.addi %mul3A_16, %add3A_791 : vector<16xi32>
      %gather3A_793 = tpu.vector_load_idx %arg11[%add3A_792, %and3A_781] : memref<128x128xf32, #tpu.memory_space<vmem>>[vector<16xi32>, vector<16xi32>], vector<16xf32>,
      %gather3A_794 = tpu.vector_load_idx %arg13[%add3A_792, %and3A_784] : memref<128x128xf32, #tpu.memory_space<vmem>>[vector<16xi32>, vector<16xi32>], vector<16xf32>,
      %mul3A_795 = arith.mulf %gather3A_793, %gather3A_794 : vector<16xf32>
      %add3A_796 = arith.addf %mul3A_789, %mul3A_795 : vector<16xf32>
      %add3A_797 = arith.constant 2 : i32
      %add3A_798 = vector.broadcast %add3A_797 : i32 to vector<16xi32>
      %add3A_799 = arith.addi %mul3A_16, %add3A_798 : vector<16xi32>
      %gather3A_800 = tpu.vector_load_idx %arg11[%add3A_799, %and3A_781] : memref<128x128xf32, #tpu.memory_space<vmem>>[vector<16xi32>, vector<16xi32>], vector<16xf32>,
      %gather3A_801 = tpu.vector_load_idx %arg13[%add3A_799, %and3A_784] : memref<128x128xf32, #tpu.memory_space<vmem>>[vector<16xi32>, vector<16xi32>], vector<16xf32>,
      %mul3A_802 = arith.mulf %gather3A_800, %gather3A_801 : vector<16xf32>
      %add3A_803 = arith.addf %add3A_796, %mul3A_802 : vector<16xf32>
      %add3A_804 = arith.constant 3 : i32
      %add3A_805 = vector.broadcast %add3A_804 : i32 to vector<16xi32>
      %add3A_806 = arith.addi %mul3A_16, %add3A_805 : vector<16xi32>
      %gather3A_807 = tpu.vector_load_idx %arg11[%add3A_806, %and3A_781] : memref<128x128xf32, #tpu.memory_space<vmem>>[vector<16xi32>, vector<16xi32>], vector<16xf32>,
      %gather3A_808 = tpu.vector_load_idx %arg13[%add3A_806, %and3A_784] : memref<128x128xf32, #tpu.memory_space<vmem>>[vector<16xi32>, vector<16xi32>], vector<16xf32>,
      %mul3A_809 = arith.mulf %gather3A_807, %gather3A_808 : vector<16xf32>
      %add3A_810 = arith.addf %add3A_803, %mul3A_809 : vector<16xf32>
      %add3A_811 = arith.constant 4 : i32
      %add3A_812 = vector.broadcast %add3A_811 : i32 to vector<16xi32>
      %add3A_813 = arith.addi %mul3A_16, %add3A_812 : vector<16xi32>
      %gather3A_814 = tpu.vector_load_idx %arg11[%add3A_813, %and3A_781] : memref<128x128xf32, #tpu.memory_space<vmem>>[vector<16xi32>, vector<16xi32>], vector<16xf32>,
      %gather3A_815 = tpu.vector_load_idx %arg13[%add3A_813, %and3A_784] : memref<128x128xf32, #tpu.memory_space<vmem>>[vector<16xi32>, vector<16xi32>], vector<16xf32>,
      %mul3A_816 = arith.mulf %gather3A_814, %gather3A_815 : vector<16xf32>
      %add3A_817 = arith.addf %add3A_810, %mul3A_816 : vector<16xf32>
      %add3A_818 = arith.constant 5 : i32
      %add3A_819 = vector.broadcast %add3A_818 : i32 to vector<16xi32>
      %add3A_820 = arith.addi %mul3A_16, %add3A_819 : vector<16xi32>
      %gather3A_821 = tpu.vector_load_idx %arg11[%add3A_820, %and3A_781] : memref<128x128xf32, #tpu.memory_space<vmem>>[vector<16xi32>, vector<16xi32>], vector<16xf32>,
      %gather3A_822 = tpu.vector_load_idx %arg13[%add3A_820, %and3A_784] : memref<128x128xf32, #tpu.memory_space<vmem>>[vector<16xi32>, vector<16xi32>], vector<16xf32>,
      %mul3A_823 = arith.mulf %gather3A_821, %gather3A_822 : vector<16xf32>
      %add3A_824 = arith.addf %add3A_817, %mul3A_823 : vector<16xf32>
      %add3A_825 = arith.constant 6 : i32
      %add3A_826 = vector.broadcast %add3A_825 : i32 to vector<16xi32>
      %add3A_827 = arith.addi %mul3A_16, %add3A_826 : vector<16xi32>
      %gather3A_828 = tpu.vector_load_idx %arg11[%add3A_827, %and3A_781] : memref<128x128xf32, #tpu.memory_space<vmem>>[vector<16xi32>, vector<16xi32>], vector<16xf32>,
      %gather3A_829 = tpu.vector_load_idx %arg13[%add3A_827, %and3A_784] : memref<128x128xf32, #tpu.memory_space<vmem>>[vector<16xi32>, vector<16xi32>], vector<16xf32>,
      %mul3A_830 = arith.mulf %gather3A_828, %gather3A_829 : vector<16xf32>
      %add3A_831 = arith.addf %add3A_824, %mul3A_830 : vector<16xf32>
      %add3A_832 = arith.constant 7 : i32
      %add3A_833 = vector.broadcast %add3A_832 : i32 to vector<16xi32>
      %add3A_834 = arith.addi %mul3A_16, %add3A_833 : vector<16xi32>
      %gather3A_835 = tpu.vector_load_idx %arg11[%add3A_834, %and3A_781] : memref<128x128xf32, #tpu.memory_space<vmem>>[vector<16xi32>, vector<16xi32>], vector<16xf32>,
      %gather3A_836 = tpu.vector_load_idx %arg13[%add3A_834, %and3A_784] : memref<128x128xf32, #tpu.memory_space<vmem>>[vector<16xi32>, vector<16xi32>], vector<16xf32>,
      %mul3A_837 = arith.mulf %gather3A_835, %gather3A_836 : vector<16xf32>
      %add3A_838 = arith.addf %add3A_831, %mul3A_837 : vector<16xf32>
      %add3A_839 = arith.constant 8 : i32
      %add3A_840 = vector.broadcast %add3A_839 : i32 to vector<16xi32>
      %add3A_841 = arith.addi %mul3A_16, %add3A_840 : vector<16xi32>
      %gather3A_842 = tpu.vector_load_idx %arg11[%add3A_841, %and3A_781] : memref<128x128xf32, #tpu.memory_space<vmem>>[vector<16xi32>, vector<16xi32>], vector<16xf32>,
      %gather3A_843 = tpu.vector_load_idx %arg13[%add3A_841, %and3A_784] : memref<128x128xf32, #tpu.memory_space<vmem>>[vector<16xi32>, vector<16xi32>], vector<16xf32>,
      %mul3A_844 = arith.mulf %gather3A_842, %gather3A_843 : vector<16xf32>
      %add3A_845 = arith.addf %add3A_838, %mul3A_844 : vector<16xf32>
      %add3A_846 = arith.constant 9 : i32
      %add3A_847 = vector.broadcast %add3A_846 : i32 to vector<16xi32>
      %add3A_848 = arith.addi %mul3A_16, %add3A_847 : vector<16xi32>
      %gather3A_849 = tpu.vector_load_idx %arg11[%add3A_848, %and3A_781] : memref<128x128xf32, #tpu.memory_space<vmem>>[vector<16xi32>, vector<16xi32>], vector<16xf32>,
      %gather3A_850 = tpu.vector_load_idx %arg13[%add3A_848, %and3A_784] : memref<128x128xf32, #tpu.memory_space<vmem>>[vector<16xi32>, vector<16xi32>], vector<16xf32>,
      %mul3A_851 = arith.mulf %gather3A_849, %gather3A_850 : vector<16xf32>
      %add3A_852 = arith.addf %add3A_845, %mul3A_851 : vector<16xf32>
      %add3A_853 = arith.constant 10 : i32
      %add3A_854 = vector.broadcast %add3A_853 : i32 to vector<16xi32>
      %add3A_855 = arith.addi %mul3A_16, %add3A_854 : vector<16xi32>
      %gather3A_856 = tpu.vector_load_idx %arg11[%add3A_855, %and3A_781] : memref<128x128xf32, #tpu.memory_space<vmem>>[vector<16xi32>, vector<16xi32>], vector<16xf32>,
      %gather3A_857 = tpu.vector_load_idx %arg13[%add3A_855, %and3A_784] : memref<128x128xf32, #tpu.memory_space<vmem>>[vector<16xi32>, vector<16xi32>], vector<16xf32>,
      %mul3A_858 = arith.mulf %gather3A_856, %gather3A_857 : vector<16xf32>
      %add3A_859 = arith.addf %add3A_852, %mul3A_858 : vector<16xf32>
      %add3A_860 = arith.constant 11 : i32
      %add3A_861 = vector.broadcast %add3A_860 : i32 to vector<16xi32>
      %add3A_862 = arith.addi %mul3A_16, %add3A_861 : vector<16xi32>
      %gather3A_863 = tpu.vector_load_idx %arg11[%add3A_862, %and3A_781] : memref<128x128xf32, #tpu.memory_space<vmem>>[vector<16xi32>, vector<16xi32>], vector<16xf32>,
      %gather3A_864 = tpu.vector_load_idx %arg13[%add3A_862, %and3A_784] : memref<128x128xf32, #tpu.memory_space<vmem>>[vector<16xi32>, vector<16xi32>], vector<16xf32>,
      %mul3A_865 = arith.mulf %gather3A_863, %gather3A_864 : vector<16xf32>
      %add3A_866 = arith.addf %add3A_859, %mul3A_865 : vector<16xf32>
      %add3A_867 = arith.constant 12 : i32
      %add3A_868 = vector.broadcast %add3A_867 : i32 to vector<16xi32>
      %add3A_869 = arith.addi %mul3A_16, %add3A_868 : vector<16xi32>
      %gather3A_870 = tpu.vector_load_idx %arg11[%add3A_869, %and3A_781] : memref<128x128xf32, #tpu.memory_space<vmem>>[vector<16xi32>, vector<16xi32>], vector<16xf32>,
      %gather3A_871 = tpu.vector_load_idx %arg13[%add3A_869, %and3A_784] : memref<128x128xf32, #tpu.memory_space<vmem>>[vector<16xi32>, vector<16xi32>], vector<16xf32>,
      %mul3A_872 = arith.mulf %gather3A_870, %gather3A_871 : vector<16xf32>
      %add3A_873 = arith.addf %add3A_866, %mul3A_872 : vector<16xf32>
      %add3A_874 = arith.constant 13 : i32
      %add3A_875 = vector.broadcast %add3A_874 : i32 to vector<16xi32>
      %add3A_876 = arith.addi %mul3A_16, %add3A_875 : vector<16xi32>
      %gather3A_877 = tpu.vector_load_idx %arg11[%add3A_876, %and3A_781] : memref<128x128xf32, #tpu.memory_space<vmem>>[vector<16xi32>, vector<16xi32>], vector<16xf32>,
      %gather3A_878 = tpu.vector_load_idx %arg13[%add3A_876, %and3A_784] : memref<128x128xf32, #tpu.memory_space<vmem>>[vector<16xi32>, vector<16xi32>], vector<16xf32>,
      %mul3A_879 = arith.mulf %gather3A_877, %gather3A_878 : vector<16xf32>
      %add3A_880 = arith.addf %add3A_873, %mul3A_879 : vector<16xf32>
      %add3A_881 = arith.constant 14 : i32
      %add3A_882 = vector.broadcast %add3A_881 : i32 to vector<16xi32>
      %add3A_883 = arith.addi %mul3A_16, %add3A_882 : vector<16xi32>
      %gather3A_884 = tpu.vector_load_idx %arg11[%add3A_883, %and3A_781] : memref<128x128xf32, #tpu.memory_space<vmem>>[vector<16xi32>, vector<16xi32>], vector<16xf32>,
      %gather3A_885 = tpu.vector_load_idx %arg13[%add3A_883, %and3A_784] : memref<128x128xf32, #tpu.memory_space<vmem>>[vector<16xi32>, vector<16xi32>], vector<16xf32>,
      %mul3A_886 = arith.mulf %gather3A_884, %gather3A_885 : vector<16xf32>
      %add3A_887 = arith.addf %add3A_880, %mul3A_886 : vector<16xf32>
      %add3A_888 = arith.constant 15 : i32
      %add3A_889 = vector.broadcast %add3A_888 : i32 to vector<16xi32>
      %add3A_890 = arith.addi %mul3A_16, %add3A_889 : vector<16xi32>
      %gather3A_891 = tpu.vector_load_idx %arg11[%add3A_890, %and3A_781] : memref<128x128xf32, #tpu.memory_space<vmem>>[vector<16xi32>, vector<16xi32>], vector<16xf32>,
      %gather3A_892 = tpu.vector_load_idx %arg13[%add3A_890, %and3A_784] : memref<128x128xf32, #tpu.memory_space<vmem>>[vector<16xi32>, vector<16xi32>], vector<16xf32>,
      %mul3A_893 = arith.mulf %gather3A_891, %gather3A_892 : vector<16xf32>
      %add3A_894 = arith.addf %add3A_887, %mul3A_893 : vector<16xf32>
      %lt3A = arith.constant 31 : i32
      %lt3A_895 = arith.cmpi slt, %scan3A_294, %lt3A : i32
      %convert_element_type3A = arith.extui %lt3A_895 : i1 to i32
      %cond3A = arith.constant 0 : i32
      %cond3A_896 = arith.cmpi ne, %convert_element_type3A, %cond3A : i32
      scf.if %cond3A_896 {
        %mul3A_1224 = arith.constant 2 : i32
        %mul3A_1225 = arith.muli %mul3A_1224, %scan3A_294 : i32
        %add3A_1226 = arith.constant 2 : i32
        %add3A_1227 = arith.addi %mul3A_1225, %add3A_1226 : i32
        %mul3A_1228 = arith.constant 8 : i32
        %mul3A_1229 = arith.muli %add3A_1227, %mul3A_1228 : i32
        %get3A_1230 = arith.index_cast %mul3A_1229 : i32 to index
        %get3A_1231 = tpu.vector_load %arg9[%get3A_1230] {strides = array<i32>} : memref<528xi32, #tpu.memory_space<vmem>>, vector<16xi32>,
        %mul3A_1232 = arith.constant 8 : i32
        %mul3A_1233 = arith.muli %add3A_1227, %mul3A_1232 : i32
        %get3A_1234 = arith.index_cast %mul3A_1233 : i32 to index
        %get3A_1235 = tpu.vector_load %arg10[%get3A_1234] {strides = array<i32>} : memref<528xi32, #tpu.memory_space<vmem>>, vector<16xi32>,
        %slice3A_1236 = vector.extract_strided_slice %get3A_1231 {offsets = [0], sizes = [1], strides = [1]} : vector<16xi32> to vector<1xi32>
        %squeeze3A_1237 = vector.extract %slice3A_1236[0] : i32 from vector<1xi32>
        %shift_right_arithmetic3A_1238 = arith.constant 7 : i32
        %shift_right_arithmetic3A_1239 = arith.shrsi %squeeze3A_1237, %shift_right_arithmetic3A_1238 : i32
        %mul3A_1240 = arith.constant 128 : i32
        %mul3A_1241 = arith.muli %shift_right_arithmetic3A_1239, %mul3A_1240 : i32
        %multiple_of3A_1242 = tpu.assume_multiple %mul3A_1241, 128 : i32
        %slice3A_1243 = vector.extract_strided_slice %get3A_1235 {offsets = [0], sizes = [1], strides = [1]} : vector<16xi32> to vector<1xi32>
        %squeeze3A_1244 = vector.extract %slice3A_1243[0] : i32 from vector<1xi32>
        %shift_right_arithmetic3A_1245 = arith.constant 7 : i32
        %shift_right_arithmetic3A_1246 = arith.shrsi %squeeze3A_1244, %shift_right_arithmetic3A_1245 : i32
        %mul3A_1247 = arith.constant 128 : i32
        %mul3A_1248 = arith.muli %shift_right_arithmetic3A_1246, %mul3A_1247 : i32
        %multiple_of3A_1249 = tpu.assume_multiple %mul3A_1248, 128 : i32
        %dma_start3A_1250 = arith.constant 0 : i32
        %dma_start3A_1251 = arith.constant 0 : i32
        %dma_start3A_1252 = tpu.memref_slice %arg11[%dma_start3A_1250, %dma_start3A_1251] : memref<128x128xf32, #tpu.memory_space<vmem>> -> memref<16x128xf32, #tpu.memory_space<vmem>>
        %dma_start3A_1253 = arith.constant 0 : i32
        %dma_start3A_1254 = tpu.memref_slice %arg4[%dma_start3A_1253, %multiple_of3A_1242] : memref<16x1000000xf32, #tpu.memory_space<hbm>> -> memref<16x128xf32, #tpu.memory_space<hbm>>
        %dma_start3A_1255 = arith.constant 0 : i32
        %dma_start3A_1256 = arith.constant 0 : i32
        %dma_start3A_1257 = tpu.memref_slice %arg11[%dma_start3A_1255, %dma_start3A_1256] : memref<128x128xf32, #tpu.memory_space<vmem>> -> memref<16x128xf32, #tpu.memory_space<vmem>>
        %dma_start3A_1258 = arith.constant 0 : i32
        %dma_start3A_1259 = tpu.memref_slice %arg4[%dma_start3A_1258, %multiple_of3A_1242] : memref<16x1000000xf32, #tpu.memory_space<hbm>> -> memref<16x128xf32, #tpu.memory_space<hbm>>
        tpu.enqueue_dma source(%dma_start3A_1259 : memref<16x128xf32, #tpu.memory_space<hbm>>) target(%dma_start3A_1257 : memref<16x128xf32, #tpu.memory_space<vmem>>) target_semaphore(%arg18 : memref<!tpu.dma_semaphore, #tpu.memory_space<semaphore_mem>>)
        %dma_start3A_1260 = arith.constant 0 : i32
        %dma_start3A_1261 = arith.constant 0 : i32
        %dma_start3A_1262 = tpu.memref_slice %arg13[%dma_start3A_1260, %dma_start3A_1261] : memref<128x128xf32, #tpu.memory_space<vmem>> -> memref<16x128xf32, #tpu.memory_space<vmem>>
        %dma_start3A_1263 = arith.constant 0 : i32
        %dma_start3A_1264 = tpu.memref_slice %arg5[%dma_start3A_1263, %multiple_of3A_1249] : memref<16x1000000xf32, #tpu.memory_space<hbm>> -> memref<16x128xf32, #tpu.memory_space<hbm>>
        %dma_start3A_1265 = arith.constant 0 : i32
        %dma_start3A_1266 = arith.constant 0 : i32
        %dma_start3A_1267 = tpu.memref_slice %arg13[%dma_start3A_1265, %dma_start3A_1266] : memref<128x128xf32, #tpu.memory_space<vmem>> -> memref<16x128xf32, #tpu.memory_space<vmem>>
        %dma_start3A_1268 = arith.constant 0 : i32
        %dma_start3A_1269 = tpu.memref_slice %arg5[%dma_start3A_1268, %multiple_of3A_1249] : memref<16x1000000xf32, #tpu.memory_space<hbm>> -> memref<16x128xf32, #tpu.memory_space<hbm>>
        tpu.enqueue_dma source(%dma_start3A_1269 : memref<16x128xf32, #tpu.memory_space<hbm>>) target(%dma_start3A_1267 : memref<16x128xf32, #tpu.memory_space<vmem>>) target_semaphore(%arg18 : memref<!tpu.dma_semaphore, #tpu.memory_space<semaphore_mem>>)
        %slice3A_1270 = vector.extract_strided_slice %get3A_1231 {offsets = [1], sizes = [1], strides = [1]} : vector<16xi32> to vector<1xi32>
        %squeeze3A_1271 = vector.extract %slice3A_1270[0] : i32 from vector<1xi32>
        %shift_right_arithmetic3A_1272 = arith.constant 7 : i32
        %shift_right_arithmetic3A_1273 = arith.shrsi %squeeze3A_1271, %shift_right_arithmetic3A_1272 : i32
        %mul3A_1274 = arith.constant 128 : i32
        %mul3A_1275 = arith.muli %shift_right_arithmetic3A_1273, %mul3A_1274 : i32
        %multiple_of3A_1276 = tpu.assume_multiple %mul3A_1275, 128 : i32
        %slice3A_1277 = vector.extract_strided_slice %get3A_1235 {offsets = [1], sizes = [1], strides = [1]} : vector<16xi32> to vector<1xi32>
        %squeeze3A_1278 = vector.extract %slice3A_1277[0] : i32 from vector<1xi32>
        %shift_right_arithmetic3A_1279 = arith.constant 7 : i32
        %shift_right_arithmetic3A_1280 = arith.shrsi %squeeze3A_1278, %shift_right_arithmetic3A_1279 : i32
        %mul3A_1281 = arith.constant 128 : i32
        %mul3A_1282 = arith.muli %shift_right_arithmetic3A_1280, %mul3A_1281 : i32
        %multiple_of3A_1283 = tpu.assume_multiple %mul3A_1282, 128 : i32
        %dma_start3A_1284 = arith.constant 16 : i32
        %dma_start3A_1285 = arith.constant 0 : i32
        %dma_start3A_1286 = tpu.memref_slice %arg11[%dma_start3A_1284, %dma_start3A_1285] : memref<128x128xf32, #tpu.memory_space<vmem>> -> memref<16x128xf32, #tpu.memory_space<vmem>>
        %dma_start3A_1287 = arith.constant 0 : i32
        %dma_start3A_1288 = tpu.memref_slice %arg4[%dma_start3A_1287, %multiple_of3A_1276] : memref<16x1000000xf32, #tpu.memory_space<hbm>> -> memref<16x128xf32, #tpu.memory_space<hbm>>
        %dma_start3A_1289 = arith.constant 16 : i32
        %dma_start3A_1290 = arith.constant 0 : i32
        %dma_start3A_1291 = tpu.memref_slice %arg11[%dma_start3A_1289, %dma_start3A_1290] : memref<128x128xf32, #tpu.memory_space<vmem>> -> memref<16x128xf32, #tpu.memory_space<vmem>>
        %dma_start3A_1292 = arith.constant 0 : i32
        %dma_start3A_1293 = tpu.memref_slice %arg4[%dma_start3A_1292, %multiple_of3A_1276] : memref<16x1000000xf32, #tpu.memory_space<hbm>> -> memref<16x128xf32, #tpu.memory_space<hbm>>
        tpu.enqueue_dma source(%dma_start3A_1293 : memref<16x128xf32, #tpu.memory_space<hbm>>) target(%dma_start3A_1291 : memref<16x128xf32, #tpu.memory_space<vmem>>) target_semaphore(%arg18 : memref<!tpu.dma_semaphore, #tpu.memory_space<semaphore_mem>>)
        %dma_start3A_1294 = arith.constant 16 : i32
        %dma_start3A_1295 = arith.constant 0 : i32
        %dma_start3A_1296 = tpu.memref_slice %arg13[%dma_start3A_1294, %dma_start3A_1295] : memref<128x128xf32, #tpu.memory_space<vmem>> -> memref<16x128xf32, #tpu.memory_space<vmem>>
        %dma_start3A_1297 = arith.constant 0 : i32
        %dma_start3A_1298 = tpu.memref_slice %arg5[%dma_start3A_1297, %multiple_of3A_1283] : memref<16x1000000xf32, #tpu.memory_space<hbm>> -> memref<16x128xf32, #tpu.memory_space<hbm>>
        %dma_start3A_1299 = arith.constant 16 : i32
        %dma_start3A_1300 = arith.constant 0 : i32
        %dma_start3A_1301 = tpu.memref_slice %arg13[%dma_start3A_1299, %dma_start3A_1300] : memref<128x128xf32, #tpu.memory_space<vmem>> -> memref<16x128xf32, #tpu.memory_space<vmem>>
        %dma_start3A_1302 = arith.constant 0 : i32
        %dma_start3A_1303 = tpu.memref_slice %arg5[%dma_start3A_1302, %multiple_of3A_1283] : memref<16x1000000xf32, #tpu.memory_space<hbm>> -> memref<16x128xf32, #tpu.memory_space<hbm>>
        tpu.enqueue_dma source(%dma_start3A_1303 : memref<16x128xf32, #tpu.memory_space<hbm>>) target(%dma_start3A_1301 : memref<16x128xf32, #tpu.memory_space<vmem>>) target_semaphore(%arg18 : memref<!tpu.dma_semaphore, #tpu.memory_space<semaphore_mem>>)
        %slice3A_1304 = vector.extract_strided_slice %get3A_1231 {offsets = [2], sizes = [1], strides = [1]} : vector<16xi32> to vector<1xi32>
        %squeeze3A_1305 = vector.extract %slice3A_1304[0] : i32 from vector<1xi32>
        %shift_right_arithmetic3A_1306 = arith.constant 7 : i32
        %shift_right_arithmetic3A_1307 = arith.shrsi %squeeze3A_1305, %shift_right_arithmetic3A_1306 : i32
        %mul3A_1308 = arith.constant 128 : i32
        %mul3A_1309 = arith.muli %shift_right_arithmetic3A_1307, %mul3A_1308 : i32
        %multiple_of3A_1310 = tpu.assume_multiple %mul3A_1309, 128 : i32
        %slice3A_1311 = vector.extract_strided_slice %get3A_1235 {offsets = [2], sizes = [1], strides = [1]} : vector<16xi32> to vector<1xi32>
        %squeeze3A_1312 = vector.extract %slice3A_1311[0] : i32 from vector<1xi32>
        %shift_right_arithmetic3A_1313 = arith.constant 7 : i32
        %shift_right_arithmetic3A_1314 = arith.shrsi %squeeze3A_1312, %shift_right_arithmetic3A_1313 : i32
        %mul3A_1315 = arith.constant 128 : i32
        %mul3A_1316 = arith.muli %shift_right_arithmetic3A_1314, %mul3A_1315 : i32
        %multiple_of3A_1317 = tpu.assume_multiple %mul3A_1316, 128 : i32
        %dma_start3A_1318 = arith.constant 32 : i32
        %dma_start3A_1319 = arith.constant 0 : i32
        %dma_start3A_1320 = tpu.memref_slice %arg11[%dma_start3A_1318, %dma_start3A_1319] : memref<128x128xf32, #tpu.memory_space<vmem>> -> memref<16x128xf32, #tpu.memory_space<vmem>>
        %dma_start3A_1321 = arith.constant 0 : i32
        %dma_start3A_1322 = tpu.memref_slice %arg4[%dma_start3A_1321, %multiple_of3A_1310] : memref<16x1000000xf32, #tpu.memory_space<hbm>> -> memref<16x128xf32, #tpu.memory_space<hbm>>
        %dma_start3A_1323 = arith.constant 32 : i32
        %dma_start3A_1324 = arith.constant 0 : i32
        %dma_start3A_1325 = tpu.memref_slice %arg11[%dma_start3A_1323, %dma_start3A_1324] : memref<128x128xf32, #tpu.memory_space<vmem>> -> memref<16x128xf32, #tpu.memory_space<vmem>>
        %dma_start3A_1326 = arith.constant 0 : i32
        %dma_start3A_1327 = tpu.memref_slice %arg4[%dma_start3A_1326, %multiple_of3A_1310] : memref<16x1000000xf32, #tpu.memory_space<hbm>> -> memref<16x128xf32, #tpu.memory_space<hbm>>
        tpu.enqueue_dma source(%dma_start3A_1327 : memref<16x128xf32, #tpu.memory_space<hbm>>) target(%dma_start3A_1325 : memref<16x128xf32, #tpu.memory_space<vmem>>) target_semaphore(%arg18 : memref<!tpu.dma_semaphore, #tpu.memory_space<semaphore_mem>>)
        %dma_start3A_1328 = arith.constant 32 : i32
        %dma_start3A_1329 = arith.constant 0 : i32
        %dma_start3A_1330 = tpu.memref_slice %arg13[%dma_start3A_1328, %dma_start3A_1329] : memref<128x128xf32, #tpu.memory_space<vmem>> -> memref<16x128xf32, #tpu.memory_space<vmem>>
        %dma_start3A_1331 = arith.constant 0 : i32
        %dma_start3A_1332 = tpu.memref_slice %arg5[%dma_start3A_1331, %multiple_of3A_1317] : memref<16x1000000xf32, #tpu.memory_space<hbm>> -> memref<16x128xf32, #tpu.memory_space<hbm>>
        %dma_start3A_1333 = arith.constant 32 : i32
        %dma_start3A_1334 = arith.constant 0 : i32
        %dma_start3A_1335 = tpu.memref_slice %arg13[%dma_start3A_1333, %dma_start3A_1334] : memref<128x128xf32, #tpu.memory_space<vmem>> -> memref<16x128xf32, #tpu.memory_space<vmem>>
        %dma_start3A_1336 = arith.constant 0 : i32
        %dma_start3A_1337 = tpu.memref_slice %arg5[%dma_start3A_1336, %multiple_of3A_1317] : memref<16x1000000xf32, #tpu.memory_space<hbm>> -> memref<16x128xf32, #tpu.memory_space<hbm>>
        tpu.enqueue_dma source(%dma_start3A_1337 : memref<16x128xf32, #tpu.memory_space<hbm>>) target(%dma_start3A_1335 : memref<16x128xf32, #tpu.memory_space<vmem>>) target_semaphore(%arg18 : memref<!tpu.dma_semaphore, #tpu.memory_space<semaphore_mem>>)
        %slice3A_1338 = vector.extract_strided_slice %get3A_1231 {offsets = [3], sizes = [1], strides = [1]} : vector<16xi32> to vector<1xi32>
        %squeeze3A_1339 = vector.extract %slice3A_1338[0] : i32 from vector<1xi32>
        %shift_right_arithmetic3A_1340 = arith.constant 7 : i32
        %shift_right_arithmetic3A_1341 = arith.shrsi %squeeze3A_1339, %shift_right_arithmetic3A_1340 : i32
        %mul3A_1342 = arith.constant 128 : i32
        %mul3A_1343 = arith.muli %shift_right_arithmetic3A_1341, %mul3A_1342 : i32
        %multiple_of3A_1344 = tpu.assume_multiple %mul3A_1343, 128 : i32
        %slice3A_1345 = vector.extract_strided_slice %get3A_1235 {offsets = [3], sizes = [1], strides = [1]} : vector<16xi32> to vector<1xi32>
        %squeeze3A_1346 = vector.extract %slice3A_1345[0] : i32 from vector<1xi32>
        %shift_right_arithmetic3A_1347 = arith.constant 7 : i32
        %shift_right_arithmetic3A_1348 = arith.shrsi %squeeze3A_1346, %shift_right_arithmetic3A_1347 : i32
        %mul3A_1349 = arith.constant 128 : i32
        %mul3A_1350 = arith.muli %shift_right_arithmetic3A_1348, %mul3A_1349 : i32
        %multiple_of3A_1351 = tpu.assume_multiple %mul3A_1350, 128 : i32
        %dma_start3A_1352 = arith.constant 48 : i32
        %dma_start3A_1353 = arith.constant 0 : i32
        %dma_start3A_1354 = tpu.memref_slice %arg11[%dma_start3A_1352, %dma_start3A_1353] : memref<128x128xf32, #tpu.memory_space<vmem>> -> memref<16x128xf32, #tpu.memory_space<vmem>>
        %dma_start3A_1355 = arith.constant 0 : i32
        %dma_start3A_1356 = tpu.memref_slice %arg4[%dma_start3A_1355, %multiple_of3A_1344] : memref<16x1000000xf32, #tpu.memory_space<hbm>> -> memref<16x128xf32, #tpu.memory_space<hbm>>
        %dma_start3A_1357 = arith.constant 48 : i32
        %dma_start3A_1358 = arith.constant 0 : i32
        %dma_start3A_1359 = tpu.memref_slice %arg11[%dma_start3A_1357, %dma_start3A_1358] : memref<128x128xf32, #tpu.memory_space<vmem>> -> memref<16x128xf32, #tpu.memory_space<vmem>>
        %dma_start3A_1360 = arith.constant 0 : i32
        %dma_start3A_1361 = tpu.memref_slice %arg4[%dma_start3A_1360, %multiple_of3A_1344] : memref<16x1000000xf32, #tpu.memory_space<hbm>> -> memref<16x128xf32, #tpu.memory_space<hbm>>
        tpu.enqueue_dma source(%dma_start3A_1361 : memref<16x128xf32, #tpu.memory_space<hbm>>) target(%dma_start3A_1359 : memref<16x128xf32, #tpu.memory_space<vmem>>) target_semaphore(%arg18 : memref<!tpu.dma_semaphore, #tpu.memory_space<semaphore_mem>>)
        %dma_start3A_1362 = arith.constant 48 : i32
        %dma_start3A_1363 = arith.constant 0 : i32
        %dma_start3A_1364 = tpu.memref_slice %arg13[%dma_start3A_1362, %dma_start3A_1363] : memref<128x128xf32, #tpu.memory_space<vmem>> -> memref<16x128xf32, #tpu.memory_space<vmem>>
        %dma_start3A_1365 = arith.constant 0 : i32
        %dma_start3A_1366 = tpu.memref_slice %arg5[%dma_start3A_1365, %multiple_of3A_1351] : memref<16x1000000xf32, #tpu.memory_space<hbm>> -> memref<16x128xf32, #tpu.memory_space<hbm>>
        %dma_start3A_1367 = arith.constant 48 : i32
        %dma_start3A_1368 = arith.constant 0 : i32
        %dma_start3A_1369 = tpu.memref_slice %arg13[%dma_start3A_1367, %dma_start3A_1368] : memref<128x128xf32, #tpu.memory_space<vmem>> -> memref<16x128xf32, #tpu.memory_space<vmem>>
        %dma_start3A_1370 = arith.constant 0 : i32
        %dma_start3A_1371 = tpu.memref_slice %arg5[%dma_start3A_1370, %multiple_of3A_1351] : memref<16x1000000xf32, #tpu.memory_space<hbm>> -> memref<16x128xf32, #tpu.memory_space<hbm>>
        tpu.enqueue_dma source(%dma_start3A_1371 : memref<16x128xf32, #tpu.memory_space<hbm>>) target(%dma_start3A_1369 : memref<16x128xf32, #tpu.memory_space<vmem>>) target_semaphore(%arg18 : memref<!tpu.dma_semaphore, #tpu.memory_space<semaphore_mem>>)
        %slice3A_1372 = vector.extract_strided_slice %get3A_1231 {offsets = [4], sizes = [1], strides = [1]} : vector<16xi32> to vector<1xi32>
        %squeeze3A_1373 = vector.extract %slice3A_1372[0] : i32 from vector<1xi32>
        %shift_right_arithmetic3A_1374 = arith.constant 7 : i32
        %shift_right_arithmetic3A_1375 = arith.shrsi %squeeze3A_1373, %shift_right_arithmetic3A_1374 : i32
        %mul3A_1376 = arith.constant 128 : i32
        %mul3A_1377 = arith.muli %shift_right_arithmetic3A_1375, %mul3A_1376 : i32
        %multiple_of3A_1378 = tpu.assume_multiple %mul3A_1377, 128 : i32
        %slice3A_1379 = vector.extract_strided_slice %get3A_1235 {offsets = [4], sizes = [1], strides = [1]} : vector<16xi32> to vector<1xi32>
        %squeeze3A_1380 = vector.extract %slice3A_1379[0] : i32 from vector<1xi32>
        %shift_right_arithmetic3A_1381 = arith.constant 7 : i32
        %shift_right_arithmetic3A_1382 = arith.shrsi %squeeze3A_1380, %shift_right_arithmetic3A_1381 : i32
        %mul3A_1383 = arith.constant 128 : i32
        %mul3A_1384 = arith.muli %shift_right_arithmetic3A_1382, %mul3A_1383 : i32
        %multiple_of3A_1385 = tpu.assume_multiple %mul3A_1384, 128 : i32
        %dma_start3A_1386 = arith.constant 64 : i32
        %dma_start3A_1387 = arith.constant 0 : i32
        %dma_start3A_1388 = tpu.memref_slice %arg11[%dma_start3A_1386, %dma_start3A_1387] : memref<128x128xf32, #tpu.memory_space<vmem>> -> memref<16x128xf32, #tpu.memory_space<vmem>>
        %dma_start3A_1389 = arith.constant 0 : i32
        %dma_start3A_1390 = tpu.memref_slice %arg4[%dma_start3A_1389, %multiple_of3A_1378] : memref<16x1000000xf32, #tpu.memory_space<hbm>> -> memref<16x128xf32, #tpu.memory_space<hbm>>
        %dma_start3A_1391 = arith.constant 64 : i32
        %dma_start3A_1392 = arith.constant 0 : i32
        %dma_start3A_1393 = tpu.memref_slice %arg11[%dma_start3A_1391, %dma_start3A_1392] : memref<128x128xf32, #tpu.memory_space<vmem>> -> memref<16x128xf32, #tpu.memory_space<vmem>>
        %dma_start3A_1394 = arith.constant 0 : i32
        %dma_start3A_1395 = tpu.memref_slice %arg4[%dma_start3A_1394, %multiple_of3A_1378] : memref<16x1000000xf32, #tpu.memory_space<hbm>> -> memref<16x128xf32, #tpu.memory_space<hbm>>
        tpu.enqueue_dma source(%dma_start3A_1395 : memref<16x128xf32, #tpu.memory_space<hbm>>) target(%dma_start3A_1393 : memref<16x128xf32, #tpu.memory_space<vmem>>) target_semaphore(%arg18 : memref<!tpu.dma_semaphore, #tpu.memory_space<semaphore_mem>>)
        %dma_start3A_1396 = arith.constant 64 : i32
        %dma_start3A_1397 = arith.constant 0 : i32
        %dma_start3A_1398 = tpu.memref_slice %arg13[%dma_start3A_1396, %dma_start3A_1397] : memref<128x128xf32, #tpu.memory_space<vmem>> -> memref<16x128xf32, #tpu.memory_space<vmem>>
        %dma_start3A_1399 = arith.constant 0 : i32
        %dma_start3A_1400 = tpu.memref_slice %arg5[%dma_start3A_1399, %multiple_of3A_1385] : memref<16x1000000xf32, #tpu.memory_space<hbm>> -> memref<16x128xf32, #tpu.memory_space<hbm>>
        %dma_start3A_1401 = arith.constant 64 : i32
        %dma_start3A_1402 = arith.constant 0 : i32
        %dma_start3A_1403 = tpu.memref_slice %arg13[%dma_start3A_1401, %dma_start3A_1402] : memref<128x128xf32, #tpu.memory_space<vmem>> -> memref<16x128xf32, #tpu.memory_space<vmem>>
        %dma_start3A_1404 = arith.constant 0 : i32
        %dma_start3A_1405 = tpu.memref_slice %arg5[%dma_start3A_1404, %multiple_of3A_1385] : memref<16x1000000xf32, #tpu.memory_space<hbm>> -> memref<16x128xf32, #tpu.memory_space<hbm>>
        tpu.enqueue_dma source(%dma_start3A_1405 : memref<16x128xf32, #tpu.memory_space<hbm>>) target(%dma_start3A_1403 : memref<16x128xf32, #tpu.memory_space<vmem>>) target_semaphore(%arg18 : memref<!tpu.dma_semaphore, #tpu.memory_space<semaphore_mem>>)
        %slice3A_1406 = vector.extract_strided_slice %get3A_1231 {offsets = [5], sizes = [1], strides = [1]} : vector<16xi32> to vector<1xi32>
        %squeeze3A_1407 = vector.extract %slice3A_1406[0] : i32 from vector<1xi32>
        %shift_right_arithmetic3A_1408 = arith.constant 7 : i32
        %shift_right_arithmetic3A_1409 = arith.shrsi %squeeze3A_1407, %shift_right_arithmetic3A_1408 : i32
        %mul3A_1410 = arith.constant 128 : i32
        %mul3A_1411 = arith.muli %shift_right_arithmetic3A_1409, %mul3A_1410 : i32
        %multiple_of3A_1412 = tpu.assume_multiple %mul3A_1411, 128 : i32
        %slice3A_1413 = vector.extract_strided_slice %get3A_1235 {offsets = [5], sizes = [1], strides = [1]} : vector<16xi32> to vector<1xi32>
        %squeeze3A_1414 = vector.extract %slice3A_1413[0] : i32 from vector<1xi32>
        %shift_right_arithmetic3A_1415 = arith.constant 7 : i32
        %shift_right_arithmetic3A_1416 = arith.shrsi %squeeze3A_1414, %shift_right_arithmetic3A_1415 : i32
        %mul3A_1417 = arith.constant 128 : i32
        %mul3A_1418 = arith.muli %shift_right_arithmetic3A_1416, %mul3A_1417 : i32
        %multiple_of3A_1419 = tpu.assume_multiple %mul3A_1418, 128 : i32
        %dma_start3A_1420 = arith.constant 80 : i32
        %dma_start3A_1421 = arith.constant 0 : i32
        %dma_start3A_1422 = tpu.memref_slice %arg11[%dma_start3A_1420, %dma_start3A_1421] : memref<128x128xf32, #tpu.memory_space<vmem>> -> memref<16x128xf32, #tpu.memory_space<vmem>>
        %dma_start3A_1423 = arith.constant 0 : i32
        %dma_start3A_1424 = tpu.memref_slice %arg4[%dma_start3A_1423, %multiple_of3A_1412] : memref<16x1000000xf32, #tpu.memory_space<hbm>> -> memref<16x128xf32, #tpu.memory_space<hbm>>
        %dma_start3A_1425 = arith.constant 80 : i32
        %dma_start3A_1426 = arith.constant 0 : i32
        %dma_start3A_1427 = tpu.memref_slice %arg11[%dma_start3A_1425, %dma_start3A_1426] : memref<128x128xf32, #tpu.memory_space<vmem>> -> memref<16x128xf32, #tpu.memory_space<vmem>>
        %dma_start3A_1428 = arith.constant 0 : i32
        %dma_start3A_1429 = tpu.memref_slice %arg4[%dma_start3A_1428, %multiple_of3A_1412] : memref<16x1000000xf32, #tpu.memory_space<hbm>> -> memref<16x128xf32, #tpu.memory_space<hbm>>
        tpu.enqueue_dma source(%dma_start3A_1429 : memref<16x128xf32, #tpu.memory_space<hbm>>) target(%dma_start3A_1427 : memref<16x128xf32, #tpu.memory_space<vmem>>) target_semaphore(%arg18 : memref<!tpu.dma_semaphore, #tpu.memory_space<semaphore_mem>>)
        %dma_start3A_1430 = arith.constant 80 : i32
        %dma_start3A_1431 = arith.constant 0 : i32
        %dma_start3A_1432 = tpu.memref_slice %arg13[%dma_start3A_1430, %dma_start3A_1431] : memref<128x128xf32, #tpu.memory_space<vmem>> -> memref<16x128xf32, #tpu.memory_space<vmem>>
        %dma_start3A_1433 = arith.constant 0 : i32
        %dma_start3A_1434 = tpu.memref_slice %arg5[%dma_start3A_1433, %multiple_of3A_1419] : memref<16x1000000xf32, #tpu.memory_space<hbm>> -> memref<16x128xf32, #tpu.memory_space<hbm>>
        %dma_start3A_1435 = arith.constant 80 : i32
        %dma_start3A_1436 = arith.constant 0 : i32
        %dma_start3A_1437 = tpu.memref_slice %arg13[%dma_start3A_1435, %dma_start3A_1436] : memref<128x128xf32, #tpu.memory_space<vmem>> -> memref<16x128xf32, #tpu.memory_space<vmem>>
        %dma_start3A_1438 = arith.constant 0 : i32
        %dma_start3A_1439 = tpu.memref_slice %arg5[%dma_start3A_1438, %multiple_of3A_1419] : memref<16x1000000xf32, #tpu.memory_space<hbm>> -> memref<16x128xf32, #tpu.memory_space<hbm>>
        tpu.enqueue_dma source(%dma_start3A_1439 : memref<16x128xf32, #tpu.memory_space<hbm>>) target(%dma_start3A_1437 : memref<16x128xf32, #tpu.memory_space<vmem>>) target_semaphore(%arg18 : memref<!tpu.dma_semaphore, #tpu.memory_space<semaphore_mem>>)
        %slice3A_1440 = vector.extract_strided_slice %get3A_1231 {offsets = [6], sizes = [1], strides = [1]} : vector<16xi32> to vector<1xi32>
        %squeeze3A_1441 = vector.extract %slice3A_1440[0] : i32 from vector<1xi32>
        %shift_right_arithmetic3A_1442 = arith.constant 7 : i32
        %shift_right_arithmetic3A_1443 = arith.shrsi %squeeze3A_1441, %shift_right_arithmetic3A_1442 : i32
        %mul3A_1444 = arith.constant 128 : i32
        %mul3A_1445 = arith.muli %shift_right_arithmetic3A_1443, %mul3A_1444 : i32
        %multiple_of3A_1446 = tpu.assume_multiple %mul3A_1445, 128 : i32
        %slice3A_1447 = vector.extract_strided_slice %get3A_1235 {offsets = [6], sizes = [1], strides = [1]} : vector<16xi32> to vector<1xi32>
        %squeeze3A_1448 = vector.extract %slice3A_1447[0] : i32 from vector<1xi32>
        %shift_right_arithmetic3A_1449 = arith.constant 7 : i32
        %shift_right_arithmetic3A_1450 = arith.shrsi %squeeze3A_1448, %shift_right_arithmetic3A_1449 : i32
        %mul3A_1451 = arith.constant 128 : i32
        %mul3A_1452 = arith.muli %shift_right_arithmetic3A_1450, %mul3A_1451 : i32
        %multiple_of3A_1453 = tpu.assume_multiple %mul3A_1452, 128 : i32
        %dma_start3A_1454 = arith.constant 96 : i32
        %dma_start3A_1455 = arith.constant 0 : i32
        %dma_start3A_1456 = tpu.memref_slice %arg11[%dma_start3A_1454, %dma_start3A_1455] : memref<128x128xf32, #tpu.memory_space<vmem>> -> memref<16x128xf32, #tpu.memory_space<vmem>>
        %dma_start3A_1457 = arith.constant 0 : i32
        %dma_start3A_1458 = tpu.memref_slice %arg4[%dma_start3A_1457, %multiple_of3A_1446] : memref<16x1000000xf32, #tpu.memory_space<hbm>> -> memref<16x128xf32, #tpu.memory_space<hbm>>
        %dma_start3A_1459 = arith.constant 96 : i32
        %dma_start3A_1460 = arith.constant 0 : i32
        %dma_start3A_1461 = tpu.memref_slice %arg11[%dma_start3A_1459, %dma_start3A_1460] : memref<128x128xf32, #tpu.memory_space<vmem>> -> memref<16x128xf32, #tpu.memory_space<vmem>>
        %dma_start3A_1462 = arith.constant 0 : i32
        %dma_start3A_1463 = tpu.memref_slice %arg4[%dma_start3A_1462, %multiple_of3A_1446] : memref<16x1000000xf32, #tpu.memory_space<hbm>> -> memref<16x128xf32, #tpu.memory_space<hbm>>
        tpu.enqueue_dma source(%dma_start3A_1463 : memref<16x128xf32, #tpu.memory_space<hbm>>) target(%dma_start3A_1461 : memref<16x128xf32, #tpu.memory_space<vmem>>) target_semaphore(%arg18 : memref<!tpu.dma_semaphore, #tpu.memory_space<semaphore_mem>>)
        %dma_start3A_1464 = arith.constant 96 : i32
        %dma_start3A_1465 = arith.constant 0 : i32
        %dma_start3A_1466 = tpu.memref_slice %arg13[%dma_start3A_1464, %dma_start3A_1465] : memref<128x128xf32, #tpu.memory_space<vmem>> -> memref<16x128xf32, #tpu.memory_space<vmem>>
        %dma_start3A_1467 = arith.constant 0 : i32
        %dma_start3A_1468 = tpu.memref_slice %arg5[%dma_start3A_1467, %multiple_of3A_1453] : memref<16x1000000xf32, #tpu.memory_space<hbm>> -> memref<16x128xf32, #tpu.memory_space<hbm>>
        %dma_start3A_1469 = arith.constant 96 : i32
        %dma_start3A_1470 = arith.constant 0 : i32
        %dma_start3A_1471 = tpu.memref_slice %arg13[%dma_start3A_1469, %dma_start3A_1470] : memref<128x128xf32, #tpu.memory_space<vmem>> -> memref<16x128xf32, #tpu.memory_space<vmem>>
        %dma_start3A_1472 = arith.constant 0 : i32
        %dma_start3A_1473 = tpu.memref_slice %arg5[%dma_start3A_1472, %multiple_of3A_1453] : memref<16x1000000xf32, #tpu.memory_space<hbm>> -> memref<16x128xf32, #tpu.memory_space<hbm>>
        tpu.enqueue_dma source(%dma_start3A_1473 : memref<16x128xf32, #tpu.memory_space<hbm>>) target(%dma_start3A_1471 : memref<16x128xf32, #tpu.memory_space<vmem>>) target_semaphore(%arg18 : memref<!tpu.dma_semaphore, #tpu.memory_space<semaphore_mem>>)
        %slice3A_1474 = vector.extract_strided_slice %get3A_1231 {offsets = [7], sizes = [1], strides = [1]} : vector<16xi32> to vector<1xi32>
        %squeeze3A_1475 = vector.extract %slice3A_1474[0] : i32 from vector<1xi32>
        %shift_right_arithmetic3A_1476 = arith.constant 7 : i32
        %shift_right_arithmetic3A_1477 = arith.shrsi %squeeze3A_1475, %shift_right_arithmetic3A_1476 : i32
        %mul3A_1478 = arith.constant 128 : i32
        %mul3A_1479 = arith.muli %shift_right_arithmetic3A_1477, %mul3A_1478 : i32
        %multiple_of3A_1480 = tpu.assume_multiple %mul3A_1479, 128 : i32
        %slice3A_1481 = vector.extract_strided_slice %get3A_1235 {offsets = [7], sizes = [1], strides = [1]} : vector<16xi32> to vector<1xi32>
        %squeeze3A_1482 = vector.extract %slice3A_1481[0] : i32 from vector<1xi32>
        %shift_right_arithmetic3A_1483 = arith.constant 7 : i32
        %shift_right_arithmetic3A_1484 = arith.shrsi %squeeze3A_1482, %shift_right_arithmetic3A_1483 : i32
        %mul3A_1485 = arith.constant 128 : i32
        %mul3A_1486 = arith.muli %shift_right_arithmetic3A_1484, %mul3A_1485 : i32
        %multiple_of3A_1487 = tpu.assume_multiple %mul3A_1486, 128 : i32
        %dma_start3A_1488 = arith.constant 112 : i32
        %dma_start3A_1489 = arith.constant 0 : i32
        %dma_start3A_1490 = tpu.memref_slice %arg11[%dma_start3A_1488, %dma_start3A_1489] : memref<128x128xf32, #tpu.memory_space<vmem>> -> memref<16x128xf32, #tpu.memory_space<vmem>>
        %dma_start3A_1491 = arith.constant 0 : i32
        %dma_start3A_1492 = tpu.memref_slice %arg4[%dma_start3A_1491, %multiple_of3A_1480] : memref<16x1000000xf32, #tpu.memory_space<hbm>> -> memref<16x128xf32, #tpu.memory_space<hbm>>
        %dma_start3A_1493 = arith.constant 112 : i32
        %dma_start3A_1494 = arith.constant 0 : i32
        %dma_start3A_1495 = tpu.memref_slice %arg11[%dma_start3A_1493, %dma_start3A_1494] : memref<128x128xf32, #tpu.memory_space<vmem>> -> memref<16x128xf32, #tpu.memory_space<vmem>>
        %dma_start3A_1496 = arith.constant 0 : i32
        %dma_start3A_1497 = tpu.memref_slice %arg4[%dma_start3A_1496, %multiple_of3A_1480] : memref<16x1000000xf32, #tpu.memory_space<hbm>> -> memref<16x128xf32, #tpu.memory_space<hbm>>
        tpu.enqueue_dma source(%dma_start3A_1497 : memref<16x128xf32, #tpu.memory_space<hbm>>) target(%dma_start3A_1495 : memref<16x128xf32, #tpu.memory_space<vmem>>) target_semaphore(%arg18 : memref<!tpu.dma_semaphore, #tpu.memory_space<semaphore_mem>>)
        %dma_start3A_1498 = arith.constant 112 : i32
        %dma_start3A_1499 = arith.constant 0 : i32
        %dma_start3A_1500 = tpu.memref_slice %arg13[%dma_start3A_1498, %dma_start3A_1499] : memref<128x128xf32, #tpu.memory_space<vmem>> -> memref<16x128xf32, #tpu.memory_space<vmem>>
        %dma_start3A_1501 = arith.constant 0 : i32
        %dma_start3A_1502 = tpu.memref_slice %arg5[%dma_start3A_1501, %multiple_of3A_1487] : memref<16x1000000xf32, #tpu.memory_space<hbm>> -> memref<16x128xf32, #tpu.memory_space<hbm>>
        %dma_start3A_1503 = arith.constant 112 : i32
        %dma_start3A_1504 = arith.constant 0 : i32
        %dma_start3A_1505 = tpu.memref_slice %arg13[%dma_start3A_1503, %dma_start3A_1504] : memref<128x128xf32, #tpu.memory_space<vmem>> -> memref<16x128xf32, #tpu.memory_space<vmem>>
        %dma_start3A_1506 = arith.constant 0 : i32
        %dma_start3A_1507 = tpu.memref_slice %arg5[%dma_start3A_1506, %multiple_of3A_1487] : memref<16x1000000xf32, #tpu.memory_space<hbm>> -> memref<16x128xf32, #tpu.memory_space<hbm>>
        tpu.enqueue_dma source(%dma_start3A_1507 : memref<16x128xf32, #tpu.memory_space<hbm>>) target(%dma_start3A_1505 : memref<16x128xf32, #tpu.memory_space<vmem>>) target_semaphore(%arg18 : memref<!tpu.dma_semaphore, #tpu.memory_space<semaphore_mem>>)
      } else {
      }
      %dma_wait3A_897 = arith.constant 0 : i32
      %dma_wait3A_898 = arith.constant 0 : i32
      %dma_wait3A_899 = tpu.memref_slice %arg12[%dma_wait3A_897, %dma_wait3A_898] : memref<128x128xf32, #tpu.memory_space<vmem>> -> memref<16x128xf32, #tpu.memory_space<vmem>>
      %dma_wait3A_900 = arith.constant 0 : i32
      %dma_wait3A_901 = arith.constant 0 : i32
      %dma_wait3A_902 = tpu.memref_slice %arg4[%dma_wait3A_900, %dma_wait3A_901] : memref<16x1000000xf32, #tpu.memory_space<hbm>> -> memref<16x128xf32, #tpu.memory_space<hbm>>
      %dma_wait3A_903 = arith.constant 0 : i32
      %dma_wait3A_904 = arith.constant 0 : i32
      %dma_wait3A_905 = tpu.memref_slice %arg12[%dma_wait3A_903, %dma_wait3A_904] : memref<128x128xf32, #tpu.memory_space<vmem>> -> memref<16x128xf32, #tpu.memory_space<vmem>>
      %dma_wait3A_906 = arith.constant 0 : i32
      %dma_wait3A_907 = arith.constant 0 : i32
      %dma_wait3A_908 = tpu.memref_slice %arg4[%dma_wait3A_906, %dma_wait3A_907] : memref<16x1000000xf32, #tpu.memory_space<hbm>> -> memref<16x128xf32, #tpu.memory_space<hbm>>
      tpu.wait_dma2 semaphore(%arg19 : memref<!tpu.dma_semaphore, #tpu.memory_space<semaphore_mem>>) src(%dma_wait3A_908 : memref<16x128xf32, #tpu.memory_space<hbm>>) dst(%dma_wait3A_905 : memref<16x128xf32, #tpu.memory_space<vmem>>)
      %dma_wait3A_909 = arith.constant 0 : i32
      %dma_wait3A_910 = arith.constant 0 : i32
      %dma_wait3A_911 = tpu.memref_slice %arg14[%dma_wait3A_909, %dma_wait3A_910] : memref<128x128xf32, #tpu.memory_space<vmem>> -> memref<16x128xf32, #tpu.memory_space<vmem>>
      %dma_wait3A_912 = arith.constant 0 : i32
      %dma_wait3A_913 = arith.constant 0 : i32
      %dma_wait3A_914 = tpu.memref_slice %arg5[%dma_wait3A_912, %dma_wait3A_913] : memref<16x1000000xf32, #tpu.memory_space<hbm>> -> memref<16x128xf32, #tpu.memory_space<hbm>>
      %dma_wait3A_915 = arith.constant 0 : i32
      %dma_wait3A_916 = arith.constant 0 : i32
      %dma_wait3A_917 = tpu.memref_slice %arg14[%dma_wait3A_915, %dma_wait3A_916] : memref<128x128xf32, #tpu.memory_space<vmem>> -> memref<16x128xf32, #tpu.memory_space<vmem>>
      %dma_wait3A_918 = arith.constant 0 : i32
      %dma_wait3A_919 = arith.constant 0 : i32
      %dma_wait3A_920 = tpu.memref_slice %arg5[%dma_wait3A_918, %dma_wait3A_919] : memref<16x1000000xf32, #tpu.memory_space<hbm>> -> memref<16x128xf32, #tpu.memory_space<hbm>>
      tpu.wait_dma2 semaphore(%arg19 : memref<!tpu.dma_semaphore, #tpu.memory_space<semaphore_mem>>) src(%dma_wait3A_920 : memref<16x128xf32, #tpu.memory_space<hbm>>) dst(%dma_wait3A_917 : memref<16x128xf32, #tpu.memory_space<vmem>>)
      %dma_wait3A_921 = arith.constant 16 : i32
      %dma_wait3A_922 = arith.constant 0 : i32
      %dma_wait3A_923 = tpu.memref_slice %arg12[%dma_wait3A_921, %dma_wait3A_922] : memref<128x128xf32, #tpu.memory_space<vmem>> -> memref<16x128xf32, #tpu.memory_space<vmem>>
      %dma_wait3A_924 = arith.constant 0 : i32
      %dma_wait3A_925 = arith.constant 0 : i32
      %dma_wait3A_926 = tpu.memref_slice %arg4[%dma_wait3A_924, %dma_wait3A_925] : memref<16x1000000xf32, #tpu.memory_space<hbm>> -> memref<16x128xf32, #tpu.memory_space<hbm>>
      %dma_wait3A_927 = arith.constant 16 : i32
      %dma_wait3A_928 = arith.constant 0 : i32
      %dma_wait3A_929 = tpu.memref_slice %arg12[%dma_wait3A_927, %dma_wait3A_928] : memref<128x128xf32, #tpu.memory_space<vmem>> -> memref<16x128xf32, #tpu.memory_space<vmem>>
      %dma_wait3A_930 = arith.constant 0 : i32
      %dma_wait3A_931 = arith.constant 0 : i32
      %dma_wait3A_932 = tpu.memref_slice %arg4[%dma_wait3A_930, %dma_wait3A_931] : memref<16x1000000xf32, #tpu.memory_space<hbm>> -> memref<16x128xf32, #tpu.memory_space<hbm>>
      tpu.wait_dma2 semaphore(%arg19 : memref<!tpu.dma_semaphore, #tpu.memory_space<semaphore_mem>>) src(%dma_wait3A_932 : memref<16x128xf32, #tpu.memory_space<hbm>>) dst(%dma_wait3A_929 : memref<16x128xf32, #tpu.memory_space<vmem>>)
      %dma_wait3A_933 = arith.constant 16 : i32
      %dma_wait3A_934 = arith.constant 0 : i32
      %dma_wait3A_935 = tpu.memref_slice %arg14[%dma_wait3A_933, %dma_wait3A_934] : memref<128x128xf32, #tpu.memory_space<vmem>> -> memref<16x128xf32, #tpu.memory_space<vmem>>
      %dma_wait3A_936 = arith.constant 0 : i32
      %dma_wait3A_937 = arith.constant 0 : i32
      %dma_wait3A_938 = tpu.memref_slice %arg5[%dma_wait3A_936, %dma_wait3A_937] : memref<16x1000000xf32, #tpu.memory_space<hbm>> -> memref<16x128xf32, #tpu.memory_space<hbm>>
      %dma_wait3A_939 = arith.constant 16 : i32
      %dma_wait3A_940 = arith.constant 0 : i32
      %dma_wait3A_941 = tpu.memref_slice %arg14[%dma_wait3A_939, %dma_wait3A_940] : memref<128x128xf32, #tpu.memory_space<vmem>> -> memref<16x128xf32, #tpu.memory_space<vmem>>
      %dma_wait3A_942 = arith.constant 0 : i32
      %dma_wait3A_943 = arith.constant 0 : i32
      %dma_wait3A_944 = tpu.memref_slice %arg5[%dma_wait3A_942, %dma_wait3A_943] : memref<16x1000000xf32, #tpu.memory_space<hbm>> -> memref<16x128xf32, #tpu.memory_space<hbm>>
      tpu.wait_dma2 semaphore(%arg19 : memref<!tpu.dma_semaphore, #tpu.memory_space<semaphore_mem>>) src(%dma_wait3A_944 : memref<16x128xf32, #tpu.memory_space<hbm>>) dst(%dma_wait3A_941 : memref<16x128xf32, #tpu.memory_space<vmem>>)
      %dma_wait3A_945 = arith.constant 32 : i32
      %dma_wait3A_946 = arith.constant 0 : i32
      %dma_wait3A_947 = tpu.memref_slice %arg12[%dma_wait3A_945, %dma_wait3A_946] : memref<128x128xf32, #tpu.memory_space<vmem>> -> memref<16x128xf32, #tpu.memory_space<vmem>>
      %dma_wait3A_948 = arith.constant 0 : i32
      %dma_wait3A_949 = arith.constant 0 : i32
      %dma_wait3A_950 = tpu.memref_slice %arg4[%dma_wait3A_948, %dma_wait3A_949] : memref<16x1000000xf32, #tpu.memory_space<hbm>> -> memref<16x128xf32, #tpu.memory_space<hbm>>
      %dma_wait3A_951 = arith.constant 32 : i32
      %dma_wait3A_952 = arith.constant 0 : i32
      %dma_wait3A_953 = tpu.memref_slice %arg12[%dma_wait3A_951, %dma_wait3A_952] : memref<128x128xf32, #tpu.memory_space<vmem>> -> memref<16x128xf32, #tpu.memory_space<vmem>>
      %dma_wait3A_954 = arith.constant 0 : i32
      %dma_wait3A_955 = arith.constant 0 : i32
      %dma_wait3A_956 = tpu.memref_slice %arg4[%dma_wait3A_954, %dma_wait3A_955] : memref<16x1000000xf32, #tpu.memory_space<hbm>> -> memref<16x128xf32, #tpu.memory_space<hbm>>
      tpu.wait_dma2 semaphore(%arg19 : memref<!tpu.dma_semaphore, #tpu.memory_space<semaphore_mem>>) src(%dma_wait3A_956 : memref<16x128xf32, #tpu.memory_space<hbm>>) dst(%dma_wait3A_953 : memref<16x128xf32, #tpu.memory_space<vmem>>)
      %dma_wait3A_957 = arith.constant 32 : i32
      %dma_wait3A_958 = arith.constant 0 : i32
      %dma_wait3A_959 = tpu.memref_slice %arg14[%dma_wait3A_957, %dma_wait3A_958] : memref<128x128xf32, #tpu.memory_space<vmem>> -> memref<16x128xf32, #tpu.memory_space<vmem>>
      %dma_wait3A_960 = arith.constant 0 : i32
      %dma_wait3A_961 = arith.constant 0 : i32
      %dma_wait3A_962 = tpu.memref_slice %arg5[%dma_wait3A_960, %dma_wait3A_961] : memref<16x1000000xf32, #tpu.memory_space<hbm>> -> memref<16x128xf32, #tpu.memory_space<hbm>>
      %dma_wait3A_963 = arith.constant 32 : i32
      %dma_wait3A_964 = arith.constant 0 : i32
      %dma_wait3A_965 = tpu.memref_slice %arg14[%dma_wait3A_963, %dma_wait3A_964] : memref<128x128xf32, #tpu.memory_space<vmem>> -> memref<16x128xf32, #tpu.memory_space<vmem>>
      %dma_wait3A_966 = arith.constant 0 : i32
      %dma_wait3A_967 = arith.constant 0 : i32
      %dma_wait3A_968 = tpu.memref_slice %arg5[%dma_wait3A_966, %dma_wait3A_967] : memref<16x1000000xf32, #tpu.memory_space<hbm>> -> memref<16x128xf32, #tpu.memory_space<hbm>>
      tpu.wait_dma2 semaphore(%arg19 : memref<!tpu.dma_semaphore, #tpu.memory_space<semaphore_mem>>) src(%dma_wait3A_968 : memref<16x128xf32, #tpu.memory_space<hbm>>) dst(%dma_wait3A_965 : memref<16x128xf32, #tpu.memory_space<vmem>>)
      %dma_wait3A_969 = arith.constant 48 : i32
      %dma_wait3A_970 = arith.constant 0 : i32
      %dma_wait3A_971 = tpu.memref_slice %arg12[%dma_wait3A_969, %dma_wait3A_970] : memref<128x128xf32, #tpu.memory_space<vmem>> -> memref<16x128xf32, #tpu.memory_space<vmem>>
      %dma_wait3A_972 = arith.constant 0 : i32
      %dma_wait3A_973 = arith.constant 0 : i32
      %dma_wait3A_974 = tpu.memref_slice %arg4[%dma_wait3A_972, %dma_wait3A_973] : memref<16x1000000xf32, #tpu.memory_space<hbm>> -> memref<16x128xf32, #tpu.memory_space<hbm>>
      %dma_wait3A_975 = arith.constant 48 : i32
      %dma_wait3A_976 = arith.constant 0 : i32
      %dma_wait3A_977 = tpu.memref_slice %arg12[%dma_wait3A_975, %dma_wait3A_976] : memref<128x128xf32, #tpu.memory_space<vmem>> -> memref<16x128xf32, #tpu.memory_space<vmem>>
      %dma_wait3A_978 = arith.constant 0 : i32
      %dma_wait3A_979 = arith.constant 0 : i32
      %dma_wait3A_980 = tpu.memref_slice %arg4[%dma_wait3A_978, %dma_wait3A_979] : memref<16x1000000xf32, #tpu.memory_space<hbm>> -> memref<16x128xf32, #tpu.memory_space<hbm>>
      tpu.wait_dma2 semaphore(%arg19 : memref<!tpu.dma_semaphore, #tpu.memory_space<semaphore_mem>>) src(%dma_wait3A_980 : memref<16x128xf32, #tpu.memory_space<hbm>>) dst(%dma_wait3A_977 : memref<16x128xf32, #tpu.memory_space<vmem>>)
      %dma_wait3A_981 = arith.constant 48 : i32
      %dma_wait3A_982 = arith.constant 0 : i32
      %dma_wait3A_983 = tpu.memref_slice %arg14[%dma_wait3A_981, %dma_wait3A_982] : memref<128x128xf32, #tpu.memory_space<vmem>> -> memref<16x128xf32, #tpu.memory_space<vmem>>
      %dma_wait3A_984 = arith.constant 0 : i32
      %dma_wait3A_985 = arith.constant 0 : i32
      %dma_wait3A_986 = tpu.memref_slice %arg5[%dma_wait3A_984, %dma_wait3A_985] : memref<16x1000000xf32, #tpu.memory_space<hbm>> -> memref<16x128xf32, #tpu.memory_space<hbm>>
      %dma_wait3A_987 = arith.constant 48 : i32
      %dma_wait3A_988 = arith.constant 0 : i32
      %dma_wait3A_989 = tpu.memref_slice %arg14[%dma_wait3A_987, %dma_wait3A_988] : memref<128x128xf32, #tpu.memory_space<vmem>> -> memref<16x128xf32, #tpu.memory_space<vmem>>
      %dma_wait3A_990 = arith.constant 0 : i32
      %dma_wait3A_991 = arith.constant 0 : i32
      %dma_wait3A_992 = tpu.memref_slice %arg5[%dma_wait3A_990, %dma_wait3A_991] : memref<16x1000000xf32, #tpu.memory_space<hbm>> -> memref<16x128xf32, #tpu.memory_space<hbm>>
      tpu.wait_dma2 semaphore(%arg19 : memref<!tpu.dma_semaphore, #tpu.memory_space<semaphore_mem>>) src(%dma_wait3A_992 : memref<16x128xf32, #tpu.memory_space<hbm>>) dst(%dma_wait3A_989 : memref<16x128xf32, #tpu.memory_space<vmem>>)
      %dma_wait3A_993 = arith.constant 64 : i32
      %dma_wait3A_994 = arith.constant 0 : i32
      %dma_wait3A_995 = tpu.memref_slice %arg12[%dma_wait3A_993, %dma_wait3A_994] : memref<128x128xf32, #tpu.memory_space<vmem>> -> memref<16x128xf32, #tpu.memory_space<vmem>>
      %dma_wait3A_996 = arith.constant 0 : i32
      %dma_wait3A_997 = arith.constant 0 : i32
      %dma_wait3A_998 = tpu.memref_slice %arg4[%dma_wait3A_996, %dma_wait3A_997] : memref<16x1000000xf32, #tpu.memory_space<hbm>> -> memref<16x128xf32, #tpu.memory_space<hbm>>
      %dma_wait3A_999 = arith.constant 64 : i32
      %dma_wait3A_1000 = arith.constant 0 : i32
      %dma_wait3A_1001 = tpu.memref_slice %arg12[%dma_wait3A_999, %dma_wait3A_1000] : memref<128x128xf32, #tpu.memory_space<vmem>> -> memref<16x128xf32, #tpu.memory_space<vmem>>
      %dma_wait3A_1002 = arith.constant 0 : i32
      %dma_wait3A_1003 = arith.constant 0 : i32
      %dma_wait3A_1004 = tpu.memref_slice %arg4[%dma_wait3A_1002, %dma_wait3A_1003] : memref<16x1000000xf32, #tpu.memory_space<hbm>> -> memref<16x128xf32, #tpu.memory_space<hbm>>
      tpu.wait_dma2 semaphore(%arg19 : memref<!tpu.dma_semaphore, #tpu.memory_space<semaphore_mem>>) src(%dma_wait3A_1004 : memref<16x128xf32, #tpu.memory_space<hbm>>) dst(%dma_wait3A_1001 : memref<16x128xf32, #tpu.memory_space<vmem>>)
      %dma_wait3A_1005 = arith.constant 64 : i32
      %dma_wait3A_1006 = arith.constant 0 : i32
      %dma_wait3A_1007 = tpu.memref_slice %arg14[%dma_wait3A_1005, %dma_wait3A_1006] : memref<128x128xf32, #tpu.memory_space<vmem>> -> memref<16x128xf32, #tpu.memory_space<vmem>>
      %dma_wait3A_1008 = arith.constant 0 : i32
      %dma_wait3A_1009 = arith.constant 0 : i32
      %dma_wait3A_1010 = tpu.memref_slice %arg5[%dma_wait3A_1008, %dma_wait3A_1009] : memref<16x1000000xf32, #tpu.memory_space<hbm>> -> memref<16x128xf32, #tpu.memory_space<hbm>>
      %dma_wait3A_1011 = arith.constant 64 : i32
      %dma_wait3A_1012 = arith.constant 0 : i32
      %dma_wait3A_1013 = tpu.memref_slice %arg14[%dma_wait3A_1011, %dma_wait3A_1012] : memref<128x128xf32, #tpu.memory_space<vmem>> -> memref<16x128xf32, #tpu.memory_space<vmem>>
      %dma_wait3A_1014 = arith.constant 0 : i32
      %dma_wait3A_1015 = arith.constant 0 : i32
      %dma_wait3A_1016 = tpu.memref_slice %arg5[%dma_wait3A_1014, %dma_wait3A_1015] : memref<16x1000000xf32, #tpu.memory_space<hbm>> -> memref<16x128xf32, #tpu.memory_space<hbm>>
      tpu.wait_dma2 semaphore(%arg19 : memref<!tpu.dma_semaphore, #tpu.memory_space<semaphore_mem>>) src(%dma_wait3A_1016 : memref<16x128xf32, #tpu.memory_space<hbm>>) dst(%dma_wait3A_1013 : memref<16x128xf32, #tpu.memory_space<vmem>>)
      %dma_wait3A_1017 = arith.constant 80 : i32
      %dma_wait3A_1018 = arith.constant 0 : i32
      %dma_wait3A_1019 = tpu.memref_slice %arg12[%dma_wait3A_1017, %dma_wait3A_1018] : memref<128x128xf32, #tpu.memory_space<vmem>> -> memref<16x128xf32, #tpu.memory_space<vmem>>
      %dma_wait3A_1020 = arith.constant 0 : i32
      %dma_wait3A_1021 = arith.constant 0 : i32
      %dma_wait3A_1022 = tpu.memref_slice %arg4[%dma_wait3A_1020, %dma_wait3A_1021] : memref<16x1000000xf32, #tpu.memory_space<hbm>> -> memref<16x128xf32, #tpu.memory_space<hbm>>
      %dma_wait3A_1023 = arith.constant 80 : i32
      %dma_wait3A_1024 = arith.constant 0 : i32
      %dma_wait3A_1025 = tpu.memref_slice %arg12[%dma_wait3A_1023, %dma_wait3A_1024] : memref<128x128xf32, #tpu.memory_space<vmem>> -> memref<16x128xf32, #tpu.memory_space<vmem>>
      %dma_wait3A_1026 = arith.constant 0 : i32
      %dma_wait3A_1027 = arith.constant 0 : i32
      %dma_wait3A_1028 = tpu.memref_slice %arg4[%dma_wait3A_1026, %dma_wait3A_1027] : memref<16x1000000xf32, #tpu.memory_space<hbm>> -> memref<16x128xf32, #tpu.memory_space<hbm>>
      tpu.wait_dma2 semaphore(%arg19 : memref<!tpu.dma_semaphore, #tpu.memory_space<semaphore_mem>>) src(%dma_wait3A_1028 : memref<16x128xf32, #tpu.memory_space<hbm>>) dst(%dma_wait3A_1025 : memref<16x128xf32, #tpu.memory_space<vmem>>)
      %dma_wait3A_1029 = arith.constant 80 : i32
      %dma_wait3A_1030 = arith.constant 0 : i32
      %dma_wait3A_1031 = tpu.memref_slice %arg14[%dma_wait3A_1029, %dma_wait3A_1030] : memref<128x128xf32, #tpu.memory_space<vmem>> -> memref<16x128xf32, #tpu.memory_space<vmem>>
      %dma_wait3A_1032 = arith.constant 0 : i32
      %dma_wait3A_1033 = arith.constant 0 : i32
      %dma_wait3A_1034 = tpu.memref_slice %arg5[%dma_wait3A_1032, %dma_wait3A_1033] : memref<16x1000000xf32, #tpu.memory_space<hbm>> -> memref<16x128xf32, #tpu.memory_space<hbm>>
      %dma_wait3A_1035 = arith.constant 80 : i32
      %dma_wait3A_1036 = arith.constant 0 : i32
      %dma_wait3A_1037 = tpu.memref_slice %arg14[%dma_wait3A_1035, %dma_wait3A_1036] : memref<128x128xf32, #tpu.memory_space<vmem>> -> memref<16x128xf32, #tpu.memory_space<vmem>>
      %dma_wait3A_1038 = arith.constant 0 : i32
      %dma_wait3A_1039 = arith.constant 0 : i32
      %dma_wait3A_1040 = tpu.memref_slice %arg5[%dma_wait3A_1038, %dma_wait3A_1039] : memref<16x1000000xf32, #tpu.memory_space<hbm>> -> memref<16x128xf32, #tpu.memory_space<hbm>>
      tpu.wait_dma2 semaphore(%arg19 : memref<!tpu.dma_semaphore, #tpu.memory_space<semaphore_mem>>) src(%dma_wait3A_1040 : memref<16x128xf32, #tpu.memory_space<hbm>>) dst(%dma_wait3A_1037 : memref<16x128xf32, #tpu.memory_space<vmem>>)
      %dma_wait3A_1041 = arith.constant 96 : i32
      %dma_wait3A_1042 = arith.constant 0 : i32
      %dma_wait3A_1043 = tpu.memref_slice %arg12[%dma_wait3A_1041, %dma_wait3A_1042] : memref<128x128xf32, #tpu.memory_space<vmem>> -> memref<16x128xf32, #tpu.memory_space<vmem>>
      %dma_wait3A_1044 = arith.constant 0 : i32
      %dma_wait3A_1045 = arith.constant 0 : i32
      %dma_wait3A_1046 = tpu.memref_slice %arg4[%dma_wait3A_1044, %dma_wait3A_1045] : memref<16x1000000xf32, #tpu.memory_space<hbm>> -> memref<16x128xf32, #tpu.memory_space<hbm>>
      %dma_wait3A_1047 = arith.constant 96 : i32
      %dma_wait3A_1048 = arith.constant 0 : i32
      %dma_wait3A_1049 = tpu.memref_slice %arg12[%dma_wait3A_1047, %dma_wait3A_1048] : memref<128x128xf32, #tpu.memory_space<vmem>> -> memref<16x128xf32, #tpu.memory_space<vmem>>
      %dma_wait3A_1050 = arith.constant 0 : i32
      %dma_wait3A_1051 = arith.constant 0 : i32
      %dma_wait3A_1052 = tpu.memref_slice %arg4[%dma_wait3A_1050, %dma_wait3A_1051] : memref<16x1000000xf32, #tpu.memory_space<hbm>> -> memref<16x128xf32, #tpu.memory_space<hbm>>
      tpu.wait_dma2 semaphore(%arg19 : memref<!tpu.dma_semaphore, #tpu.memory_space<semaphore_mem>>) src(%dma_wait3A_1052 : memref<16x128xf32, #tpu.memory_space<hbm>>) dst(%dma_wait3A_1049 : memref<16x128xf32, #tpu.memory_space<vmem>>)
      %dma_wait3A_1053 = arith.constant 96 : i32
      %dma_wait3A_1054 = arith.constant 0 : i32
      %dma_wait3A_1055 = tpu.memref_slice %arg14[%dma_wait3A_1053, %dma_wait3A_1054] : memref<128x128xf32, #tpu.memory_space<vmem>> -> memref<16x128xf32, #tpu.memory_space<vmem>>
      %dma_wait3A_1056 = arith.constant 0 : i32
      %dma_wait3A_1057 = arith.constant 0 : i32
      %dma_wait3A_1058 = tpu.memref_slice %arg5[%dma_wait3A_1056, %dma_wait3A_1057] : memref<16x1000000xf32, #tpu.memory_space<hbm>> -> memref<16x128xf32, #tpu.memory_space<hbm>>
      %dma_wait3A_1059 = arith.constant 96 : i32
      %dma_wait3A_1060 = arith.constant 0 : i32
      %dma_wait3A_1061 = tpu.memref_slice %arg14[%dma_wait3A_1059, %dma_wait3A_1060] : memref<128x128xf32, #tpu.memory_space<vmem>> -> memref<16x128xf32, #tpu.memory_space<vmem>>
      %dma_wait3A_1062 = arith.constant 0 : i32
      %dma_wait3A_1063 = arith.constant 0 : i32
      %dma_wait3A_1064 = tpu.memref_slice %arg5[%dma_wait3A_1062, %dma_wait3A_1063] : memref<16x1000000xf32, #tpu.memory_space<hbm>> -> memref<16x128xf32, #tpu.memory_space<hbm>>
      tpu.wait_dma2 semaphore(%arg19 : memref<!tpu.dma_semaphore, #tpu.memory_space<semaphore_mem>>) src(%dma_wait3A_1064 : memref<16x128xf32, #tpu.memory_space<hbm>>) dst(%dma_wait3A_1061 : memref<16x128xf32, #tpu.memory_space<vmem>>)
      %dma_wait3A_1065 = arith.constant 112 : i32
      %dma_wait3A_1066 = arith.constant 0 : i32
      %dma_wait3A_1067 = tpu.memref_slice %arg12[%dma_wait3A_1065, %dma_wait3A_1066] : memref<128x128xf32, #tpu.memory_space<vmem>> -> memref<16x128xf32, #tpu.memory_space<vmem>>
      %dma_wait3A_1068 = arith.constant 0 : i32
      %dma_wait3A_1069 = arith.constant 0 : i32
      %dma_wait3A_1070 = tpu.memref_slice %arg4[%dma_wait3A_1068, %dma_wait3A_1069] : memref<16x1000000xf32, #tpu.memory_space<hbm>> -> memref<16x128xf32, #tpu.memory_space<hbm>>
      %dma_wait3A_1071 = arith.constant 112 : i32
      %dma_wait3A_1072 = arith.constant 0 : i32
      %dma_wait3A_1073 = tpu.memref_slice %arg12[%dma_wait3A_1071, %dma_wait3A_1072] : memref<128x128xf32, #tpu.memory_space<vmem>> -> memref<16x128xf32, #tpu.memory_space<vmem>>
      %dma_wait3A_1074 = arith.constant 0 : i32
      %dma_wait3A_1075 = arith.constant 0 : i32
      %dma_wait3A_1076 = tpu.memref_slice %arg4[%dma_wait3A_1074, %dma_wait3A_1075] : memref<16x1000000xf32, #tpu.memory_space<hbm>> -> memref<16x128xf32, #tpu.memory_space<hbm>>
      tpu.wait_dma2 semaphore(%arg19 : memref<!tpu.dma_semaphore, #tpu.memory_space<semaphore_mem>>) src(%dma_wait3A_1076 : memref<16x128xf32, #tpu.memory_space<hbm>>) dst(%dma_wait3A_1073 : memref<16x128xf32, #tpu.memory_space<vmem>>)
      %dma_wait3A_1077 = arith.constant 112 : i32
      %dma_wait3A_1078 = arith.constant 0 : i32
      %dma_wait3A_1079 = tpu.memref_slice %arg14[%dma_wait3A_1077, %dma_wait3A_1078] : memref<128x128xf32, #tpu.memory_space<vmem>> -> memref<16x128xf32, #tpu.memory_space<vmem>>
      %dma_wait3A_1080 = arith.constant 0 : i32
      %dma_wait3A_1081 = arith.constant 0 : i32
      %dma_wait3A_1082 = tpu.memref_slice %arg5[%dma_wait3A_1080, %dma_wait3A_1081] : memref<16x1000000xf32, #tpu.memory_space<hbm>> -> memref<16x128xf32, #tpu.memory_space<hbm>>
      %dma_wait3A_1083 = arith.constant 112 : i32
      %dma_wait3A_1084 = arith.constant 0 : i32
      %dma_wait3A_1085 = tpu.memref_slice %arg14[%dma_wait3A_1083, %dma_wait3A_1084] : memref<128x128xf32, #tpu.memory_space<vmem>> -> memref<16x128xf32, #tpu.memory_space<vmem>>
      %dma_wait3A_1086 = arith.constant 0 : i32
      %dma_wait3A_1087 = arith.constant 0 : i32
      %dma_wait3A_1088 = tpu.memref_slice %arg5[%dma_wait3A_1086, %dma_wait3A_1087] : memref<16x1000000xf32, #tpu.memory_space<hbm>> -> memref<16x128xf32, #tpu.memory_space<hbm>>
      tpu.wait_dma2 semaphore(%arg19 : memref<!tpu.dma_semaphore, #tpu.memory_space<semaphore_mem>>) src(%dma_wait3A_1088 : memref<16x128xf32, #tpu.memory_space<hbm>>) dst(%dma_wait3A_1085 : memref<16x128xf32, #tpu.memory_space<vmem>>)
      %mul3A_1089 = arith.constant 16 : i32
      %mul3A_1090 = arith.muli %scan3A_294, %mul3A_1089 : i32
      %get3A_1091 = arith.index_cast %mul3A_1090 : i32 to index
      %get3A_1092 = tpu.vector_load %arg9[%get3A_1091] {strides = array<i32>} : memref<528xi32, #tpu.memory_space<vmem>>, vector<16xi32>,
      %mul3A_1093 = arith.constant 16 : i32
      %mul3A_1094 = arith.muli %scan3A_294, %mul3A_1093 : i32
      %get3A_1095 = arith.index_cast %mul3A_1094 : i32 to index
      %get3A_1096 = tpu.vector_load %arg10[%get3A_1095] {strides = array<i32>} : memref<528xi32, #tpu.memory_space<vmem>>, vector<16xi32>,
      %and3A_1097 = arith.constant 127 : i32
      %and3A_1098 = vector.broadcast %and3A_1097 : i32 to vector<16xi32>
      %and3A_1099 = arith.andi %get3A_1092, %and3A_1098 : vector<16xi32>
      %and3A_1100 = arith.constant 127 : i32
      %and3A_1101 = vector.broadcast %and3A_1100 : i32 to vector<16xi32>
      %and3A_1102 = arith.andi %get3A_1096, %and3A_1101 : vector<16xi32>
      %add3A_1103 = arith.constant 0 : i32
      %add3A_1104 = vector.broadcast %add3A_1103 : i32 to vector<16xi32>
      %add3A_1105 = arith.addi %mul3A_16, %add3A_1104 : vector<16xi32>
      %gather3A_1106 = tpu.vector_load_idx %arg12[%add3A_1105, %and3A_1099] : memref<128x128xf32, #tpu.memory_space<vmem>>[vector<16xi32>, vector<16xi32>], vector<16xf32>,
      %gather3A_1107 = tpu.vector_load_idx %arg14[%add3A_1105, %and3A_1102] : memref<128x128xf32, #tpu.memory_space<vmem>>[vector<16xi32>, vector<16xi32>], vector<16xf32>,
      %mul3A_1108 = arith.mulf %gather3A_1106, %gather3A_1107 : vector<16xf32>
      %add3A_1109 = arith.constant 1 : i32
      %add3A_1110 = vector.broadcast %add3A_1109 : i32 to vector<16xi32>
      %add3A_1111 = arith.addi %mul3A_16, %add3A_1110 : vector<16xi32>
      %gather3A_1112 = tpu.vector_load_idx %arg12[%add3A_1111, %and3A_1099] : memref<128x128xf32, #tpu.memory_space<vmem>>[vector<16xi32>, vector<16xi32>], vector<16xf32>,
      %gather3A_1113 = tpu.vector_load_idx %arg14[%add3A_1111, %and3A_1102] : memref<128x128xf32, #tpu.memory_space<vmem>>[vector<16xi32>, vector<16xi32>], vector<16xf32>,
      %mul3A_1114 = arith.mulf %gather3A_1112, %gather3A_1113 : vector<16xf32>
      %add3A_1115 = arith.addf %mul3A_1108, %mul3A_1114 : vector<16xf32>
      %add3A_1116 = arith.constant 2 : i32
      %add3A_1117 = vector.broadcast %add3A_1116 : i32 to vector<16xi32>
      %add3A_1118 = arith.addi %mul3A_16, %add3A_1117 : vector<16xi32>
      %gather3A_1119 = tpu.vector_load_idx %arg12[%add3A_1118, %and3A_1099] : memref<128x128xf32, #tpu.memory_space<vmem>>[vector<16xi32>, vector<16xi32>], vector<16xf32>,
      %gather3A_1120 = tpu.vector_load_idx %arg14[%add3A_1118, %and3A_1102] : memref<128x128xf32, #tpu.memory_space<vmem>>[vector<16xi32>, vector<16xi32>], vector<16xf32>,
      %mul3A_1121 = arith.mulf %gather3A_1119, %gather3A_1120 : vector<16xf32>
      %add3A_1122 = arith.addf %add3A_1115, %mul3A_1121 : vector<16xf32>
      %add3A_1123 = arith.constant 3 : i32
      %add3A_1124 = vector.broadcast %add3A_1123 : i32 to vector<16xi32>
      %add3A_1125 = arith.addi %mul3A_16, %add3A_1124 : vector<16xi32>
      %gather3A_1126 = tpu.vector_load_idx %arg12[%add3A_1125, %and3A_1099] : memref<128x128xf32, #tpu.memory_space<vmem>>[vector<16xi32>, vector<16xi32>], vector<16xf32>,
      %gather3A_1127 = tpu.vector_load_idx %arg14[%add3A_1125, %and3A_1102] : memref<128x128xf32, #tpu.memory_space<vmem>>[vector<16xi32>, vector<16xi32>], vector<16xf32>,
      %mul3A_1128 = arith.mulf %gather3A_1126, %gather3A_1127 : vector<16xf32>
      %add3A_1129 = arith.addf %add3A_1122, %mul3A_1128 : vector<16xf32>
      %add3A_1130 = arith.constant 4 : i32
      %add3A_1131 = vector.broadcast %add3A_1130 : i32 to vector<16xi32>
      %add3A_1132 = arith.addi %mul3A_16, %add3A_1131 : vector<16xi32>
      %gather3A_1133 = tpu.vector_load_idx %arg12[%add3A_1132, %and3A_1099] : memref<128x128xf32, #tpu.memory_space<vmem>>[vector<16xi32>, vector<16xi32>], vector<16xf32>,
      %gather3A_1134 = tpu.vector_load_idx %arg14[%add3A_1132, %and3A_1102] : memref<128x128xf32, #tpu.memory_space<vmem>>[vector<16xi32>, vector<16xi32>], vector<16xf32>,
      %mul3A_1135 = arith.mulf %gather3A_1133, %gather3A_1134 : vector<16xf32>
      %add3A_1136 = arith.addf %add3A_1129, %mul3A_1135 : vector<16xf32>
      %add3A_1137 = arith.constant 5 : i32
      %add3A_1138 = vector.broadcast %add3A_1137 : i32 to vector<16xi32>
      %add3A_1139 = arith.addi %mul3A_16, %add3A_1138 : vector<16xi32>
      %gather3A_1140 = tpu.vector_load_idx %arg12[%add3A_1139, %and3A_1099] : memref<128x128xf32, #tpu.memory_space<vmem>>[vector<16xi32>, vector<16xi32>], vector<16xf32>,
      %gather3A_1141 = tpu.vector_load_idx %arg14[%add3A_1139, %and3A_1102] : memref<128x128xf32, #tpu.memory_space<vmem>>[vector<16xi32>, vector<16xi32>], vector<16xf32>,
      %mul3A_1142 = arith.mulf %gather3A_1140, %gather3A_1141 : vector<16xf32>
      %add3A_1143 = arith.addf %add3A_1136, %mul3A_1142 : vector<16xf32>
      %add3A_1144 = arith.constant 6 : i32
      %add3A_1145 = vector.broadcast %add3A_1144 : i32 to vector<16xi32>
      %add3A_1146 = arith.addi %mul3A_16, %add3A_1145 : vector<16xi32>
      %gather3A_1147 = tpu.vector_load_idx %arg12[%add3A_1146, %and3A_1099] : memref<128x128xf32, #tpu.memory_space<vmem>>[vector<16xi32>, vector<16xi32>], vector<16xf32>,
      %gather3A_1148 = tpu.vector_load_idx %arg14[%add3A_1146, %and3A_1102] : memref<128x128xf32, #tpu.memory_space<vmem>>[vector<16xi32>, vector<16xi32>], vector<16xf32>,
      %mul3A_1149 = arith.mulf %gather3A_1147, %gather3A_1148 : vector<16xf32>
      %add3A_1150 = arith.addf %add3A_1143, %mul3A_1149 : vector<16xf32>
      %add3A_1151 = arith.constant 7 : i32
      %add3A_1152 = vector.broadcast %add3A_1151 : i32 to vector<16xi32>
      %add3A_1153 = arith.addi %mul3A_16, %add3A_1152 : vector<16xi32>
      %gather3A_1154 = tpu.vector_load_idx %arg12[%add3A_1153, %and3A_1099] : memref<128x128xf32, #tpu.memory_space<vmem>>[vector<16xi32>, vector<16xi32>], vector<16xf32>,
      %gather3A_1155 = tpu.vector_load_idx %arg14[%add3A_1153, %and3A_1102] : memref<128x128xf32, #tpu.memory_space<vmem>>[vector<16xi32>, vector<16xi32>], vector<16xf32>,
      %mul3A_1156 = arith.mulf %gather3A_1154, %gather3A_1155 : vector<16xf32>
      %add3A_1157 = arith.addf %add3A_1150, %mul3A_1156 : vector<16xf32>
      %add3A_1158 = arith.constant 8 : i32
      %add3A_1159 = vector.broadcast %add3A_1158 : i32 to vector<16xi32>
      %add3A_1160 = arith.addi %mul3A_16, %add3A_1159 : vector<16xi32>
      %gather3A_1161 = tpu.vector_load_idx %arg12[%add3A_1160, %and3A_1099] : memref<128x128xf32, #tpu.memory_space<vmem>>[vector<16xi32>, vector<16xi32>], vector<16xf32>,
      %gather3A_1162 = tpu.vector_load_idx %arg14[%add3A_1160, %and3A_1102] : memref<128x128xf32, #tpu.memory_space<vmem>>[vector<16xi32>, vector<16xi32>], vector<16xf32>,
      %mul3A_1163 = arith.mulf %gather3A_1161, %gather3A_1162 : vector<16xf32>
      %add3A_1164 = arith.addf %add3A_1157, %mul3A_1163 : vector<16xf32>
      %add3A_1165 = arith.constant 9 : i32
      %add3A_1166 = vector.broadcast %add3A_1165 : i32 to vector<16xi32>
      %add3A_1167 = arith.addi %mul3A_16, %add3A_1166 : vector<16xi32>
      %gather3A_1168 = tpu.vector_load_idx %arg12[%add3A_1167, %and3A_1099] : memref<128x128xf32, #tpu.memory_space<vmem>>[vector<16xi32>, vector<16xi32>], vector<16xf32>,
      %gather3A_1169 = tpu.vector_load_idx %arg14[%add3A_1167, %and3A_1102] : memref<128x128xf32, #tpu.memory_space<vmem>>[vector<16xi32>, vector<16xi32>], vector<16xf32>,
      %mul3A_1170 = arith.mulf %gather3A_1168, %gather3A_1169 : vector<16xf32>
      %add3A_1171 = arith.addf %add3A_1164, %mul3A_1170 : vector<16xf32>
      %add3A_1172 = arith.constant 10 : i32
      %add3A_1173 = vector.broadcast %add3A_1172 : i32 to vector<16xi32>
      %add3A_1174 = arith.addi %mul3A_16, %add3A_1173 : vector<16xi32>
      %gather3A_1175 = tpu.vector_load_idx %arg12[%add3A_1174, %and3A_1099] : memref<128x128xf32, #tpu.memory_space<vmem>>[vector<16xi32>, vector<16xi32>], vector<16xf32>,
      %gather3A_1176 = tpu.vector_load_idx %arg14[%add3A_1174, %and3A_1102] : memref<128x128xf32, #tpu.memory_space<vmem>>[vector<16xi32>, vector<16xi32>], vector<16xf32>,
      %mul3A_1177 = arith.mulf %gather3A_1175, %gather3A_1176 : vector<16xf32>
      %add3A_1178 = arith.addf %add3A_1171, %mul3A_1177 : vector<16xf32>
      %add3A_1179 = arith.constant 11 : i32
      %add3A_1180 = vector.broadcast %add3A_1179 : i32 to vector<16xi32>
      %add3A_1181 = arith.addi %mul3A_16, %add3A_1180 : vector<16xi32>
      %gather3A_1182 = tpu.vector_load_idx %arg12[%add3A_1181, %and3A_1099] : memref<128x128xf32, #tpu.memory_space<vmem>>[vector<16xi32>, vector<16xi32>], vector<16xf32>,
      %gather3A_1183 = tpu.vector_load_idx %arg14[%add3A_1181, %and3A_1102] : memref<128x128xf32, #tpu.memory_space<vmem>>[vector<16xi32>, vector<16xi32>], vector<16xf32>,
      %mul3A_1184 = arith.mulf %gather3A_1182, %gather3A_1183 : vector<16xf32>
      %add3A_1185 = arith.addf %add3A_1178, %mul3A_1184 : vector<16xf32>
      %add3A_1186 = arith.constant 12 : i32
      %add3A_1187 = vector.broadcast %add3A_1186 : i32 to vector<16xi32>
      %add3A_1188 = arith.addi %mul3A_16, %add3A_1187 : vector<16xi32>
      %gather3A_1189 = tpu.vector_load_idx %arg12[%add3A_1188, %and3A_1099] : memref<128x128xf32, #tpu.memory_space<vmem>>[vector<16xi32>, vector<16xi32>], vector<16xf32>,
      %gather3A_1190 = tpu.vector_load_idx %arg14[%add3A_1188, %and3A_1102] : memref<128x128xf32, #tpu.memory_space<vmem>>[vector<16xi32>, vector<16xi32>], vector<16xf32>,
      %mul3A_1191 = arith.mulf %gather3A_1189, %gather3A_1190 : vector<16xf32>
      %add3A_1192 = arith.addf %add3A_1185, %mul3A_1191 : vector<16xf32>
      %add3A_1193 = arith.constant 13 : i32
      %add3A_1194 = vector.broadcast %add3A_1193 : i32 to vector<16xi32>
      %add3A_1195 = arith.addi %mul3A_16, %add3A_1194 : vector<16xi32>
      %gather3A_1196 = tpu.vector_load_idx %arg12[%add3A_1195, %and3A_1099] : memref<128x128xf32, #tpu.memory_space<vmem>>[vector<16xi32>, vector<16xi32>], vector<16xf32>,
      %gather3A_1197 = tpu.vector_load_idx %arg14[%add3A_1195, %and3A_1102] : memref<128x128xf32, #tpu.memory_space<vmem>>[vector<16xi32>, vector<16xi32>], vector<16xf32>,
      %mul3A_1198 = arith.mulf %gather3A_1196, %gather3A_1197 : vector<16xf32>
      %add3A_1199 = arith.addf %add3A_1192, %mul3A_1198 : vector<16xf32>
      %add3A_1200 = arith.constant 14 : i32
      %add3A_1201 = vector.broadcast %add3A_1200 : i32 to vector<16xi32>
      %add3A_1202 = arith.addi %mul3A_16, %add3A_1201 : vector<16xi32>
      %gather3A_1203 = tpu.vector_load_idx %arg12[%add3A_1202, %and3A_1099] : memref<128x128xf32, #tpu.memory_space<vmem>>[vector<16xi32>, vector<16xi32>], vector<16xf32>,
      %gather3A_1204 = tpu.vector_load_idx %arg14[%add3A_1202, %and3A_1102] : memref<128x128xf32, #tpu.memory_space<vmem>>[vector<16xi32>, vector<16xi32>], vector<16xf32>,
      %mul3A_1205 = arith.mulf %gather3A_1203, %gather3A_1204 : vector<16xf32>
      %add3A_1206 = arith.addf %add3A_1199, %mul3A_1205 : vector<16xf32>
      %add3A_1207 = arith.constant 15 : i32
      %add3A_1208 = vector.broadcast %add3A_1207 : i32 to vector<16xi32>
      %add3A_1209 = arith.addi %mul3A_16, %add3A_1208 : vector<16xi32>
      %gather3A_1210 = tpu.vector_load_idx %arg12[%add3A_1209, %and3A_1099] : memref<128x128xf32, #tpu.memory_space<vmem>>[vector<16xi32>, vector<16xi32>], vector<16xf32>,
      %gather3A_1211 = tpu.vector_load_idx %arg14[%add3A_1209, %and3A_1102] : memref<128x128xf32, #tpu.memory_space<vmem>>[vector<16xi32>, vector<16xi32>], vector<16xf32>,
      %mul3A_1212 = arith.mulf %gather3A_1210, %gather3A_1211 : vector<16xf32>
      %add3A_1213 = arith.addf %add3A_1206, %mul3A_1212 : vector<16xf32>
      %lt3A_1214 = arith.constant 8 : i32
      %lt3A_1215 = vector.broadcast %lt3A_1214 : i32 to vector<16xi32>
      %lt3A_1216 = arith.cmpi slt, %iota3A, %lt3A_1215 : vector<16xi32>
      %select_n3A = arith.select %lt3A_1216, %add3A_894, %add3A_1213 : vector<16xi1>, vector<16xf32>
      %mul3A_1217 = arith.mulf %select_n3A, %get3A_9 : vector<16xf32>
      %add3A_1218 = arith.addf %mul3A_1217, %get3A_11 : vector<16xf32>
      %mul3A_1219 = arith.constant 16 : i32
      %mul3A_1220 = arith.muli %scan3A_294, %mul3A_1219 : i32
      %swap3A_1221 = arith.index_cast %mul3A_1220 : i32 to index
      %swap3A_1222 = tpu.vector_load %arg15[%swap3A_1221] {strides = array<i32>} : memref<512xf32, #tpu.memory_space<vmem>>, vector<16xf32>,
      tpu.vector_store %arg15[%swap3A_1221], %add3A_1218 {strides = array<i32>} : memref<512xf32, #tpu.memory_space<vmem>>, vector<16xf32>,
      %scan3A_1223 = arith.constant 0 : i32
      scf.yield %scan3A_1223 : i32
    }
    %scan3A_293 = arith.constant 32 : i32
    "tpu.region"() ({
      %run_scoped3A = tpu.sem_alloc : memref<!tpu.dma_semaphore, #tpu.memory_space<semaphore_mem>>
      %dma_start3A_294 = tpu.memref_slice %arg8[%mul3A_2] : memref<16384xf32, #tpu.memory_space<hbm>> -> memref<512xf32, #tpu.memory_space<hbm>>
      %dma_start3A_295 = tpu.memref_slice %arg8[%mul3A_2] : memref<16384xf32, #tpu.memory_space<hbm>> -> memref<512xf32, #tpu.memory_space<hbm>>
      tpu.enqueue_dma source(%arg15 : memref<512xf32, #tpu.memory_space<vmem>>) target(%dma_start3A_295 : memref<512xf32, #tpu.memory_space<hbm>>) target_semaphore(%run_scoped3A : memref<!tpu.dma_semaphore, #tpu.memory_space<semaphore_mem>>)
      %dma_wait3A = tpu.memref_slice %arg8[%mul3A_2] : memref<16384xf32, #tpu.memory_space<hbm>> -> memref<512xf32, #tpu.memory_space<hbm>>
      %dma_wait3A_296 = tpu.memref_slice %arg8[%mul3A_2] : memref<16384xf32, #tpu.memory_space<hbm>> -> memref<512xf32, #tpu.memory_space<hbm>>
      tpu.wait_dma2 semaphore(%run_scoped3A : memref<!tpu.dma_semaphore, #tpu.memory_space<semaphore_mem>>) src(%arg15 : memref<512xf32, #tpu.memory_space<vmem>>) dst(%dma_wait3A_296 : memref<512xf32, #tpu.memory_space<hbm>>)
      tpu.yield
    }) : () -> ()
    return
  }
}

</mosaic_0001>

<sc_bundles>
// kernel: _run.3.cloned.1.call-start
scs
__scs_entry_jumppad:
0x0: {  	(pc) =	sbr.rel $0x88, $3  }
0x1: {  	(tag) =	ssettag $0x0;
	lr =	simm.s32 $0x1  }
0x2: {  	[smem:$0x3F9B] =	sst lr;
	_ =	strace $0xD0000000  }
0x3: {  	_ = 	snop  }
0x4: {  	_ = 	snop  }
0x5: {  	_ = 	snop  }
0x6: {  	_ = 	snop  }
0x7: {  	_ = 	snop  }
__scs_overlays_trampoline_lowered:
0x8: {  	[smem:$0x3FAA] =	sst s0  }
0x9: {  	[smem:$0x3FAB] =	sst s1  }
0xa: {  	[smem:$0x3FAC] =	sst s2  }
0xb: {  	[smem:$0x3FAD] =	sst s3  }
0xc: {  	[smem:$0x3FAE] =	sst s4  }
0xd: {  	[smem:$0x3FAF] =	sst s5  }
0xe: {  	[smem:$0x3FB0] =	sst s6  }
0xf: {  	[smem:$0x3FB1] =	sst s7  }
0x10: {  	[smem:$0x3FB2] =	sst s8  }
0x11: {  	[smem:$0x3FB3] =	sst s9;
	s0 =	simm.s32 @!p0 $0x0  }
0x12: {  	s1 =	sld [smem:$0x3F99];
	s0 =	simm.s32 @p0 $0x1  }
0x13: {  	[smem:$0x3FB4] =	sst s0;
	s0 =	simm.s32 @!p1 $0x0  }
0x14: {  	s2 =	sld [smem:$0x3F98];
	s0 =	simm.s32 @p1 $0x1  }
0x15: {  	[smem:$0x3FB5] =	sst s0;
	s0 =	simm.s32 @!p2 $0x0  }
0x16: {  	s3 =	sld [smem:$0x3FDB];
	s0 =	simm.s32 @p2 $0x1  }
0x17: {  	s4 =	simm.s32 $0x1BF5;
	[smem:$0x3FB7] =	sst s0  }
0x18: {  	s0 =	sld [smem:$0x3F9A];
	_ =	swait.ge [sflag:s4], $0x0  }
0x19: {  	s7 =	sld [smem:$0x3F9B]  }
0x1a: {  	s8 =	sadd.s32 $0xFFFFE003, lr  }
0x1b: {  	s9 =	sadd.s32 $0xFFFFFEF7, lr;
	s5 =	simm.s32 $0xFFFFFFFF;
	p2 =	slt.u32 s8, $0xFFFFF086  }
0x1c: {  	p1 =	slt.u32 s9, $0xF7A;
	s5 =	simm.s32 @!p2 $0x0  }
0x1d: {  	s5 =	simm.s32 @p1 $0x1;
	p0 =	seq.s32 s7, s2  }
0x1e: {  	s7 =	smul.u32 @!p0 $0xF7A, s2;
	p2 =	seq.s32 @!p0 s5, $0x0  }
0x1f: {  	s9 =	smul.u32 $0xF7A, s1;
	s8 =	simm.s32 @!p0 $0x1BF5;
	p2 =	por !p2, p0  }
0x20: {  	[sflag:s8] =	ssyncset.s32 @!p0 $0xFFFFF086;
	s6 =	sadd.s32 @!p0 s3, s7;
	s7 =	simm.s32 @!p0 $0x108  }
0x21: {  	s3 =	sadd.s32 s3, s9;
	s6 =	sadd.s32 @!p0 $0x88, s6;
	s7 =	simm.s32 @p2 $0x1082  }
0x22: {  	[simem:s7], [sflag:s8] =	dma.local @!p0 [hbm:s6], $0xF7A  }
0x23: {  	s9 =	sor.u32 $0xD0000000, s2;
	s6 =	simm.s32 $0x108;
	_ =	swait.ge @!p0 [sflag:s8], $0x0  }
0x24: {  	s3 =	sadd.s32 $0x88, s3;
	s6 =	simm.s32 @!p1 $0x1082;
	[sflag:s4] =	ssyncset.s32 $0xFFFFF086  }
0x25: {  	[simem:s6], [sflag:s4] =	dma.local [hbm:s3], $0xF7A  }
0x26: {  	[smem:$0x3F9B] =	sst s1;
	(tag) =	ssettag s2;
	_ =	strace s9  }
0x27: {  	s1 =	sld [smem:$0x3FAB]  }
0x28: {  	s2 =	sld [smem:$0x3FAC]  }
0x29: {  	s4 =	sld [smem:$0x3FAE]  }
0x2a: {  	p0 =	seq.s32 s5, $0x0;
	s5 =	sld [smem:$0x3FAF]  }
0x2b: {  	s6 =	sld [smem:$0x3FB0]  }
0x2c: {  	s7 =	sld [smem:$0x3FB1]  }
0x2d: {  	s3 =	simm.s32 $0x108;
	s8 =	sld [smem:$0x3FB2]  }
0x2e: {  	s3 =	simm.s32 @!p0 $0x1082;
	s9 =	sld [smem:$0x3FB3]  }
0x2f: {  	lr =	sadd.s32 s0, s3;
	s0 =	sld [smem:$0x3FAA]  }
0x30: {  	s3 =	sld [smem:$0x3FAD]  }
0x31: {  	[smem:$0x3FB6] =	sst s10  }
0x32: {  	s10 =	sld [smem:$0x3FB4];
	_ =	sdelay $0x3  }
0x33: {  	p0 =	seq.s32 s10, $0x1;
	s10 =	sld [smem:$0x3FB6];
	_ =	sdelay $0x3  }
0x34: {  	[smem:$0x3FB6] =	sst s10  }
0x35: {  	s10 =	sld [smem:$0x3FB5];
	_ =	sdelay $0x3  }
0x36: {  	p1 =	seq.s32 s10, $0x1;
	s10 =	sld [smem:$0x3FB6];
	_ =	sdelay $0x3  }
0x37: {  	[smem:$0x3FB6] =	sst s10  }
0x38: {  	s10 =	sld [smem:$0x3FB7]  }
0x39: {  	_ = 	snop;
	(pc) =	sbr.ind lr, $3  }
0x3a: {  	_ = 	snop  }
0x3b: {  	_ = 	snop  }
0x3c: {  	p2 =	seq.s32 s10, $0x1;
	s10 =	sld [smem:$0x3FB6]  }
0x3d: {  	_ =	shalt  }
0x3e: {  	_ =	shalt  }
0x3f: {  	_ =	shalt  }
0x40: {  	_ =	shalt  }
0x41: {  	_ =	shalt  }
0x42: {  	_ =	shalt  }
0x43: {  	_ =	shalt  }
0x44: {  	_ =	shalt  }
0x45: {  	_ =	shalt  }
0x46: {  	_ =	shalt  }
0x47: {  	_ =	shalt  }
0x48: {  	_ =	shalt  }
0x49: {  	_ =	shalt  }
0x4a: {  	_ =	shalt  }
0x4b: {  	_ =	shalt  }
0x4c: {  	_ =	shalt  }
0x4d: {  	_ =	shalt  }
0x4e: {  	_ =	shalt  }
0x4f: {  	_ =	shalt  }
0x50: {  	_ =	shalt  }
0x51: {  	_ =	shalt  }
0x52: {  	_ =	shalt  }
0x53: {  	_ =	shalt  }
0x54: {  	_ =	shalt  }
0x55: {  	_ =	shalt  }
0x56: {  	_ =	shalt  }
0x57: {  	_ =	shalt  }
0x58: {  	_ =	shalt  }
0x59: {  	_ =	shalt  }
0x5a: {  	_ =	shalt  }
0x5b: {  	_ =	shalt  }
0x5c: {  	_ =	shalt  }
0x5d: {  	_ =	shalt  }
0x5e: {  	_ =	shalt  }
0x5f: {  	_ =	shalt  }
0x60: {  	_ =	shalt  }
0x61: {  	_ =	shalt  }
0x62: {  	_ =	shalt  }
0x63: {  	_ =	shalt  }
0x64: {  	_ =	shalt  }
0x65: {  	_ =	shalt  }
0x66: {  	_ =	shalt  }
0x67: {  	_ =	shalt  }
0x68: {  	_ =	shalt  }
0x69: {  	_ =	shalt  }
0x6a: {  	_ =	shalt  }
0x6b: {  	_ =	shalt  }
0x6c: {  	_ =	shalt  }
0x6d: {  	_ =	shalt  }
0x6e: {  	_ =	shalt  }
0x6f: {  	_ =	shalt  }
0x70: {  	_ =	shalt  }
0x71: {  	_ =	shalt  }
0x72: {  	_ =	shalt  }
0x73: {  	_ =	shalt  }
0x74: {  	_ =	shalt  }
0x75: {  	_ =	shalt  }
0x76: {  	_ =	shalt  }
0x77: {  	_ =	shalt  }
0x78: {  	_ =	shalt  }
0x79: {  	_ =	shalt  }
0x7a: {  	_ =	shalt  }
0x7b: {  	_ =	shalt  }
0x7c: {  	_ =	shalt  }
0x7d: {  	_ =	shalt  }
0x7e: {  	_ =	shalt  }
0x7f: {  	_ =	shalt  }
0x80: {  	_ =	shalt  }
0x81: {  	_ =	shalt  }
0x82: {  	_ =	shalt  }
0x83: {  	_ =	shalt  }
0x84: {  	_ =	shalt  }
0x85: {  	_ =	shalt  }
0x86: {  	_ =	shalt  }
0x87: {  	_ =	shalt  }
.Lfunc_end0:
.L_simem_size_0:
called_computation_lowered:
.L_overlay_start_0:
0x88: {  	s2 =	sld [smem:$0x3FD9]  }
0x89: {  	s3 =	sld [smem:$0x3FFE];
	_ =	sdelay $0x1  }
0x8a: {  	s1 =	srdreg.scid  }
0x8b: {  	s0 =	sand.u32 $0x1, s1  }
0x8c: {  	s18 =	sshll.u32 s0, $0xA;
	s2 =	sadd.s32 s3, s2  }
0x8d: {  	s2 =	sadd.s32 s2, s18  }
0x8e: {  	[smem:$0x3FC2] =	sst s2  }
0x8f: {  	_ = 	snop  }
0x90: {  	s2 =	sld [smem:$0x3FC9]  }
0x91: {  	s19 =	sld [smem:$0x3FC8]  }
0x92: {  	s4 =	sld [smem:$0x3FC7]  }
0x93: {  	s5 =	sld [smem:$0x3FC6]  }
0x94: {  	s6 =	sld [smem:$0x3FC5]  }
0x95: {  	s7 =	sld [smem:$0x3FC4]  }
0x96: {  	s8 =	sld [smem:$0x3FD0];
	(tm) =	ssettm $0x1  }
0x97: {  	s9 =	sld [smem:$0x3FFB];
	_ =	sdelay $0x3  }
0x98: {  	_ =	strace s9  }
0x99: {  	s9 =	sld [smem:$0x3FFC];
	_ =	sdelay $0x3  }
0x9a: {  	_ =	strace s9  }
0x9b: {  	s9 =	sld [smem:$0x3FFD];
	_ =	sdelay $0x3  }
0x9c: {  	_ =	strace s9  }
0x9d: {  	_ =	strace $0x8FFFFFFF  }
0x9e: {  	s20 =	sld [smem:$0x3FDB];
	_ =	sdelay $0x1  }
0x9f: {  	s10 =	simm.s32 $_scs_section_size  }
0xa0: {  	s11 =	simm.s32 $_size__tile_overlayer_lowered;
	s12 =	simm.s32 $_tile_overlayer_lowered  }
0xa1: {  	s23 =	simm.s32 $0x1BFF;
	s22 =	sshll.u32 s12, $0x1;
	s9 =	sadd.s32 s10, s20  }
0xa2: {  	s13 =	simm.s32 $0x0;
	s21 =	sshll.u32 s11, $0x1;
	s11 =	sadd.s32 s22, s9  }
0xa3: {  	[timem:s13], [sflag:s23] =	dma.local [hbm:s11], s21  }
0xa4: {  	_ =	swait.ge [sflag:s23], s21  }
0xa5: {  	s10 =	ssub.s32 $0x0, s21;
	[sflag:s23] =	ssyncset.done $0x0  }
0xa6: {  	[sflag:s23] =	ssyncadd.s32 s10;
	_ =	sdelay $0x1  }
0xa7: {  	s24 =	simm.s32 $0x1B8B  }
0xa8: {  	_ =	swait.ge [sflag:s24], $0x1  }
0xa9: {  	[sflag:s24] =	ssyncset.done $0x0  }
0xaa: {  	s25 =	simm.s32 $0x1B8E;
	[sflag:s24] =	ssyncadd.s32 $0xFFFFFFFF  }
0xab: {  	s26 =	simm.s32 $execute0_lowered;
	[smem:$0x3FD2] =	sst s25  }
0xac: {  	s10 =	sshll.u32 s26, $0x1;
	_ =	strace $0x80000046;
	[dreg:$0x1] =	wrdreg $0xFFFFFFFF  }
0xad: {  	s28 =	simm.s32 $_size_execute0_lowered;
	s9 =	sadd.s32 s9, s10;
	[dreg:$0x0] =	wrdreg $0x0  }
0xae: {  	s10 =	sshll.u32 s28, $0x1;
	[dreg:$0x2] =	wrdreg s9  }
0xaf: {  	[dreg:$0x3] =	wrdreg s10  }
0xb0: {  	[dreg:$0x4] =	wrdreg $0xC0  }
0xb1: {  	_ =	task [dreg:s13], $0x5FFFF  }
0xb2: {  	[dreg:$0x1] =	wrdreg $0xFFFFFFFF  }
0xb3: {  	[dreg:$0x0] =	wrdreg $0x60  }
0xb4: {  	[dreg:$0x2] =	wrdreg s2  }
0xb5: {  	[dreg:$0x3] =	wrdreg s19  }
0xb6: {  	[dreg:$0x4] =	wrdreg s4  }
0xb7: {  	[dreg:$0x5] =	wrdreg s5  }
0xb8: {  	[dreg:$0x6] =	wrdreg s6  }
0xb9: {  	[dreg:$0x7] =	wrdreg s7  }
0xba: {  	[dreg:$0x8] =	wrdreg s8  }
0xbb: {  	[dreg:$0x9] =	wrdreg $0x9  }
0xbc: {  	_ =	task.clear_ibuf [dreg:s13], $0xAFFFF;
	_ =	strace $0x90000046  }
0xbd: {  	s29 =	simm.s32 $0x9;
	_ =	strace $0x80000048  }
0xbe: {  	_ =	swait.ge [sflag:s29], $0x1  }
0xbf: {  	[sflag:s29] =	ssyncadd.s32 $0xFFFFFFFF  }
0xc0: {  	_ =	strace $0x90000048  }
0xc1: {  	_ =	sfence  }
0xc2: {  	s30 =	sld [smem:$0x0];
	_ =	sdelay $0x2  }
0xc3: {  	s31 =	sshll.u32 s1, $0xD;
	s1 =	sshrl.u32 s1, $0x2  }
0xc4: {  	s3 =	sand.u32 $0x4000, s31;
	s1 =	sadd.s32 s1, s30  }
0xc5: {  	s0 =	sor.u32 s3, s0;
	s1 =	sshll.u32 s1, $0x11  }
0xc6: {  	s0 =	sor.u32 s1, s0  }
0xc7: {  	s0 =	sadd.s32 $0x8F2B, s0  }
0xc8: {  	[sflag:s0] =	ssyncadd.remote.s32 $0x1  }
0xc9: {  	_ =	sfence.sel $0xFFFF  }
0xca: {  	[dreg:$0x0] =	wrdreg $0xFFFFFFFF;
	(pc) =	sbr.abs _section_cstart, $3  }
0xcb: {  	[dreg:$0x1] =	wrdreg $0xFFFFFFFF  }
0xcc: {  	_ =	task.clear_ibuf [dreg:s13], $0x2FFFF;
	_ =	strace $0x9FFFFFFF  }
0xcd: {  	(tm) =	ssettm $0x7FFFFFFF  }
tec
execute0_lowered:
.L_overlay_start_1:
0x0: {  	(tag) =	ssettag $0x1  }
0x1: {  	s0 =	rddreg [dreg:$0x0]  }
0x2: {  	s3 =	rddreg [dreg:$0x1]  }
0x3: {  	s1 =	rddreg [dreg:$0x2]  }
0x4: {  	s2 =	rddreg [dreg:$0x3]  }
0x5: {  	s4 =	rddreg [dreg:$0x6];
	s5 =	srdreg.scid;
	s28 =	simm.s32 $0x0  }
0x6: {  	s7 =	stileid.u32;
	s29 =	simm.s32 $0x3;
	s15 =	simm.s32 $0x400  }
0x7: {  	s16 =	simm.s32 $0x7A1400;
	s17 =	simm.s32 $0x500;
	s18 =	simm.s32 $0x8500  }
0x8: {  	s12 =	simm.s32 $0x4D00;
	s13 =	simm.s32 $0xCD00;
	s14 =	simm.s32 $0x5500  }
0x9: {  	s9 =	simm.s32 $0xDD00;
	s10 =	simm.s32 $0x6500;
	s11 =	simm.s32 $0x6D00  }
0xa: {  	s19 =	simm.s32 $0xED00;
	s20 =	simm.s32 $0x7500;
	s21 =	simm.s32 $0xF500  }
0xb: {  	s22 =	simm.s32 $0x7D00;
	s23 =	simm.s32 $0xFD00;
	s24 =	simm.s32 $0x1  }
0xc: {  	v0 =	vlaneseq.u32;
	s30 =	simm.s32 $0x0;
	s5 =	sand.u32 $0x1, s5;
	s7 =	sshll.u32 s7, $0x7  }
0xd: {  	[smem:$0x7FF] =	sst s28;
	v0 =	vand.u32 $0x7, v0;
	s6 =	ssub.s32 $0x2, s5;
	s5 =	sshll.u32 s5, $0x6  }
0xe: {  	_ =	strace $0x80000047;
	v0 =	vmul.u32 $0x800, v0;
	s8 =	sshrl.u32 s6, $0x1;
	s5 =	sor.u32 s5, s7  }
0xf: {  	vm0 =	vmmov $0xff;
	s7 =	simm.s32 $0xD500;
	s6 =	ssub.s32 s6, s8;
	s0 =	sadd.s32 s0, s5  }
.Ltmp0:
0x10: {  	s25 =	sadd.s32 s3, s5;
	s26 =	sadd.s32 s4, s5;
	v2 =	vor.u32 $0x80, v0;
	v3 =	vor.u32 $0x100, v0;
	v4 =	vor.u32 $0x180, v0;
	(pc) =	sbr.rel .LBB2_1-.Ltmp0, $4  }
0x11: {  	s5 =	simm.s32 $0xBD00;
	s3 =	simm.s32 $0x4500;
	v5 =	vor.u32 $0x200, v0;
	v6 =	vor.u32 $0x280, v0;
	v7 =	vor.u32 $0x300, v0;
	[dreg:$0x8] =	wrdreg s0  }
0x12: {  	s4 =	simm.s32 $0xC500;
	s8 =	simm.s32 $0x5D00;
	v8 =	vor.u32 $0x380, v0;
	v9 =	vor.u32 $0x400, v0;
	v10 =	vor.u32 $0x480, v0;
	[dreg:$0x9] =	wrdreg s25  }
0x13: {  	v11 =	vor.u32 $0x500, v0;
	v12 =	vor.u32 $0x580, v0;
	v13 =	vor.u32 $0x600, v0;
	[dreg:$0xa] =	wrdreg s26;
	s31 =	smax.u32 s6, $0x1;
	s0 =	simm.s32 $0x3D00  }
0x14: {  	v14 =	vor.u32 $0x680, v0;
	v15 =	vor.u32 $0x700, v0;
	v16 =	vor.u32 $0x780, v0;
	s6 =	simm.s32 $0xE500;
	s25 =	simm.s32 $0x2;
	[dreg:$0xb] =	wrdreg s31  }
.LBB2_5:
0x15: {  	s28 =	simm.s32 $0x0;
	s26 =	rddreg [dreg:$0xa];
	s29 =	simm.s32 $0x10500  }
0x16: {  	[hbm4b:s26+s28] =	stream.linear.scatter [tilespmem:s29], [sflag:$0x3], $0x200, $0x38;
	[tilespmem:$0x10800] =	vst v63  }
0x17: {  	s29 =	simm.s32 $0x3  }
0x18: {  	_ =	swait.ge [sflag:s29], $0x200  }
0x19: {  	s30 =	rddreg [dreg:$0xc]  }
0x1a: {  	s31 =	rddreg [dreg:$0xb];
	s30 =	sadd.s32 $0x1, s30  }
0x1b: {  	p0 =	sne.s32 s30, s31  }
.Ltmp1:
0x1c: {  	_ = 	snop;
	(pc) =	sbr.rel @!p0 .LBB2_6-.Ltmp1, $3  }
0x1d: {  	_ =	sdelay $0x1  }
0x1e: {  	[sflag:s29] =	ssyncset.done $0x0  }
0x1f: {  	[sflag:s29] =	ssyncadd.s32 $0xFFFFFE00  }
.LBB2_1:
0x20: {  	[dreg:$0xc] =	wrdreg s30  }
0x21: {  	s26 =	rddreg [dreg:$0x8]  }
0x22: {  	[tilespmem:s28], [sflag:$0x3] =	stream.linear.gather [hbm4b:s26+s28], $0x200, $0x38;
	[tilespmem:$0x10800] =	vst v63  }
0x23: {  	_ =	swait.ge [sflag:s29], $0x200  }
0x24: {  	[sflag:s29] =	ssyncset.done $0x0  }
0x25: {  	s30 =	simm.s32 $0x280;
	s31 =	rddreg [dreg:$0x9];
	[sflag:s29] =	ssyncadd.s32 $0xFFFFFE00  }
0x26: {  	[tilespmem:s30], [sflag:$0x3] =	stream.linear.gather [hbm4b:s31+s28], $0x200, $0x38;
	[tilespmem:$0x10800] =	vst v63  }
0x27: {  	_ =	swait.ge [sflag:s29], $0x200  }
0x28: {  	[sflag:s29] =	ssyncset.done $0x0  }
0x29: {  	v1 =	vimm.s32 $0x0;
	[sflag:s29] =	ssyncadd.s32 $0xFFFFFE00  }
0x2a: {  	[tilespmem:$0x200] =	vst v1  }
0x2b: {  	s30 =	simm.s32 $0x10700;
	[tilespmem:$0x480] =	vst v1;
	s31 =	rddreg [dreg:$0x4]  }
0x2c: {  	[tilespmem:s30], [sflag:$0x3] =	stream.linear.gather [hbm4b:s31+s28], $0x80, $0x38;
	[tilespmem:$0x10800] =	vst v63  }
0x2d: {  	_ =	swait.ge [sflag:s29], $0x80  }
0x2e: {  	[sflag:s29] =	ssyncset.done $0x0  }
0x2f: {  	[sflag:s29] =	ssyncadd.s32 $0xFFFFFF80  }
0x30: {  	s30 =	simm.s32 $0x10780;
	s31 =	rddreg [dreg:$0x5]  }
0x31: {  	[tilespmem:s30], [sflag:$0x3] =	stream.linear.gather [hbm4b:s31+s28], $0x80, $0x38;
	[tilespmem:$0x10800] =	vst v63  }
0x32: {  	_ =	swait.ge [sflag:s29], $0x80  }
0x33: {  	[sflag:s29] =	ssyncset.done $0x0  }
0x34: {  	[sflag:s29] =	ssyncadd.s32 $0xFFFFFF80  }
0x35: {  	v19 =	vld [tilespmem:$0x0];
	_ =	sdelay $0x1  }
0x36: {  	v20 =	vld [tilespmem:$0x280];
	_ =	sdelay $0x2  }
0x37: {  	(v2sf) =	vpush v19, $0x0;
	_ =	sdelay $0x1  }
0x38: {  	(v2sf) =	vpush v20, $0x0;
	_ =	sdelay $0x2  }
0x39: {  	(v2sf) =	vpush v19, $0x1;
	_ =	sdelay $0x3  }
0x3a: {  	(v2sf) =	vpush v20, $0x1;
	_ =	sdelay $0x5  }
0x3b: {  	s29 =	spop (v2sf);
	(v2sf) =	vpush v19, $0x2;
	_ =	sdelay $0x1  }
0x3c: {  	s31 =	spop (v2sf);
	(v2sf) =	vpush v20, $0x2;
	_ =	sdelay $0x2  }
0x3d: {  	s26 =	sand.u32 $0xFFFFF80, s29;
	s28 =	spop (v2sf);
	(v2sf) =	vpush v19, $0x3  }
0x3e: {  	v17 =	vld [tilespmem:$0x10700];
	s26 =	sadd.s32 s1, s26  }
0x3f: {  	v18 =	vld [tilespmem:$0x10780];
	[tilespmem:s17], [sflag:$0x1] =	stream.strided.gather [hbm4b:s26+s15], $0x800, s16, s15, $0x38  }
0x40: {  	s26 =	sand.u32 $0xFFFFF80, s31  }
0x41: {  	s29 =	spop (v2sf);
	s26 =	sadd.s32 s2, s26  }
0x42: {  	(v2sf) =	vpush v20, $0x3;
	[tilespmem:s18], [sflag:$0x1] =	stream.strided.gather [hbm4b:s26+s15], $0x800, s16, s15, $0x38;
	[tilespmem:$0x10800] =	vst v63  }
0x43: {  	s26 =	sand.u32 $0xFFFFF80, s28  }
0x44: {  	s30 =	simm.s32 $0xD00;
	s26 =	sadd.s32 s1, s26  }
0x45: {  	[tilespmem:s30], [sflag:$0x1] =	stream.strided.gather [hbm4b:s26+s15], $0x800, s16, s15, $0x38;
	[tilespmem:$0x10800] =	vst v63  }
0x46: {  	s26 =	sand.u32 $0xFFFFF80, s29  }
0x47: {  	s31 =	simm.s32 $0x8D00;
	s26 =	sadd.s32 s2, s26;
	s29 =	spop (v2sf);
	(v2sf) =	vpush v19, $0x4  }
0x48: {  	[tilespmem:s31], [sflag:$0x1] =	stream.strided.gather [hbm4b:s26+s15], $0x800, s16, s15, $0x38;
	[tilespmem:$0x10800] =	vst v63  }
0x49: {  	s26 =	sand.u32 $0xFFFFF80, s29;
	s29 =	spop (v2sf);
	(v2sf) =	vpush v20, $0x4  }
0x4a: {  	s31 =	simm.s32 $0x1500;
	s26 =	sadd.s32 s1, s26  }
0x4b: {  	[tilespmem:s31], [sflag:$0x1] =	stream.strided.gather [hbm4b:s26+s15], $0x800, s16, s15, $0x38;
	[tilespmem:$0x10800] =	vst v63  }
0x4c: {  	s26 =	sand.u32 $0xFFFFF80, s29;
	s29 =	spop (v2sf);
	(v2sf) =	vpush v19, $0x5;
	_ =	sdelay $0x2  }
0x4d: {  	s31 =	simm.s32 $0x9500;
	s26 =	sadd.s32 s2, s26  }
0x4e: {  	[tilespmem:s31], [sflag:$0x1] =	stream.strided.gather [hbm4b:s26+s15], $0x800, s16, s15, $0x38;
	[tilespmem:$0x10800] =	vst v63  }
0x4f: {  	s26 =	sand.u32 $0xFFFFF80, s29;
	s29 =	spop (v2sf);
	(v2sf) =	vpush v20, $0x5;
	_ =	sdelay $0x1  }
0x50: {  	s31 =	simm.s32 $0x1D00;
	s26 =	sadd.s32 s1, s26  }
0x51: {  	[tilespmem:s31], [sflag:$0x1] =	stream.strided.gather [hbm4b:s26+s15], $0x800, s16, s15, $0x38;
	[tilespmem:$0x10800] =	vst v63  }
0x52: {  	s26 =	sand.u32 $0xFFFFF80, s29  }
0x53: {  	s31 =	simm.s32 $0x9D00;
	s26 =	sadd.s32 s2, s26;
	s29 =	spop (v2sf);
	(v2sf) =	vpush v19, $0x6  }
0x54: {  	[tilespmem:s31], [sflag:$0x1] =	stream.strided.gather [hbm4b:s26+s15], $0x800, s16, s15, $0x38;
	[tilespmem:$0x10800] =	vst v63  }
0x55: {  	s26 =	sand.u32 $0xFFFFF80, s29;
	s29 =	spop (v2sf);
	(v2sf) =	vpush v20, $0x6  }
0x56: {  	s31 =	simm.s32 $0x2500;
	s26 =	sadd.s32 s1, s26  }
0x57: {  	[tilespmem:s31], [sflag:$0x1] =	stream.strided.gather [hbm4b:s26+s15], $0x800, s16, s15, $0x38;
	[tilespmem:$0x10800] =	vst v63  }
0x58: {  	s26 =	sand.u32 $0xFFFFF80, s29;
	s29 =	spop (v2sf);
	(v2sf) =	vpush v19, $0x7;
	_ =	sdelay $0x1  }
0x59: {  	s31 =	simm.s32 $0xA500;
	s26 =	sadd.s32 s2, s26  }
0x5a: {  	[tilespmem:s31], [sflag:$0x1] =	stream.strided.gather [hbm4b:s26+s15], $0x800, s16, s15, $0x38;
	[tilespmem:$0x10800] =	vst v63  }
0x5b: {  	s26 =	sand.u32 $0xFFFFF80, s29  }
0x5c: {  	s31 =	simm.s32 $0x2D00;
	s29 =	spop (v2sf);
	(v2sf) =	vpush v20, $0x7;
	s26 =	sadd.s32 s1, s26  }
0x5d: {  	[tilespmem:s31], [sflag:$0x1] =	stream.strided.gather [hbm4b:s26+s15], $0x800, s16, s15, $0x38;
	[tilespmem:$0x10800] =	vst v63  }
0x5e: {  	s26 =	sand.u32 $0xFFFFF80, s29  }
0x5f: {  	s31 =	simm.s32 $0xAD00;
	s26 =	sadd.s32 s2, s26  }
0x60: {  	[tilespmem:s31], [sflag:$0x1] =	stream.strided.gather [hbm4b:s26+s15], $0x800, s16, s15, $0x38;
	[tilespmem:$0x10800] =	vst v63  }
0x61: {  	s29 =	spop (v2sf)  }
0x62: {  	s26 =	sand.u32 $0xFFFFF80, s29  }
0x63: {  	s31 =	simm.s32 $0x3500;
	s29 =	spop (v2sf);
	s26 =	sadd.s32 s1, s26  }
0x64: {  	[tilespmem:s31], [sflag:$0x1] =	stream.strided.gather [hbm4b:s26+s15], $0x800, s16, s15, $0x38;
	[tilespmem:$0x10800] =	vst v63  }
0x65: {  	s26 =	sand.u32 $0xFFFFF80, s29  }
0x66: {  	s31 =	simm.s32 $0xB500;
	s29 =	spop (v2sf);
	s26 =	sadd.s32 s2, s26  }
0x67: {  	[tilespmem:s31], [sflag:$0x1] =	stream.strided.gather [hbm4b:s26+s15], $0x800, s16, s15, $0x38;
	[tilespmem:$0x10800] =	vst v63  }
0x68: {  	s26 =	sand.u32 $0xFFFFF80, s29  }
0x69: {  	s26 =	sadd.s32 s1, s26  }
0x6a: {  	[tilespmem:s0], [sflag:$0x1] =	stream.strided.gather [hbm4b:s26+s15], $0x800, s16, s15, $0x38;
	[tilespmem:$0x10800] =	vst v63  }
.Ltmp2:
0x6b: {  	s31 =	spop (v2sf);
	(pc) =	sbr.rel .LBB2_2-.Ltmp2, $4  }
0x6c: {  	s26 =	sand.u32 $0xFFFFF80, s31  }
0x6d: {  	s26 =	sadd.s32 s2, s26  }
0x6e: {  	[tilespmem:s5], [sflag:$0x1] =	stream.strided.gather [hbm4b:s26+s15], $0x800, s16, s15, $0x38;
	[tilespmem:$0x10800] =	vst v63  }
0x6f: {  	s26 =	simm.s32 $0x0  }
.LBB2_4:
0x70: {  	_ =	swait.ge [sflag:s25], $0x800  }
0x71: {  	[sflag:s25] =	ssyncset.done $0x0  }
0x72: {  	[sflag:s25] =	ssyncadd.s32 $0xFFFFF800  }
0x73: {  	_ =	swait.ge [sflag:s25], $0x800  }
0x74: {  	[sflag:s25] =	ssyncset.done $0x0  }
0x75: {  	[sflag:s25] =	ssyncadd.s32 $0xFFFFF800  }
0x76: {  	_ =	swait.ge [sflag:s25], $0x800  }
0x77: {  	[sflag:s25] =	ssyncset.done $0x0  }
0x78: {  	[sflag:s25] =	ssyncadd.s32 $0xFFFFF800  }
0x79: {  	_ =	swait.ge [sflag:s25], $0x800  }
0x7a: {  	[sflag:s25] =	ssyncset.done $0x0  }
0x7b: {  	[sflag:s25] =	ssyncadd.s32 $0xFFFFF800  }
0x7c: {  	_ =	swait.ge [sflag:s25], $0x800  }
0x7d: {  	[sflag:s25] =	ssyncset.done $0x0  }
0x7e: {  	[sflag:s25] =	ssyncadd.s32 $0xFFFFF800  }
0x7f: {  	_ =	swait.ge [sflag:s25], $0x800  }
0x80: {  	[sflag:s25] =	ssyncset.done $0x0  }
0x81: {  	[sflag:s25] =	ssyncadd.s32 $0xFFFFF800  }
0x82: {  	_ =	swait.ge [sflag:s25], $0x800  }
0x83: {  	[sflag:s25] =	ssyncset.done $0x0  }
0x84: {  	[sflag:s25] =	ssyncadd.s32 $0xFFFFF800  }
0x85: {  	_ =	swait.ge [sflag:s25], $0x800  }
0x86: {  	[sflag:s25] =	ssyncset.done $0x0  }
0x87: {  	[sflag:s25] =	ssyncadd.s32 $0xFFFFF800  }
0x88: {  	_ =	swait.ge [sflag:s25], $0x800  }
0x89: {  	[sflag:s25] =	ssyncset.done $0x0  }
0x8a: {  	[sflag:s25] =	ssyncadd.s32 $0xFFFFF800  }
0x8b: {  	_ =	swait.ge [sflag:s25], $0x800  }
0x8c: {  	[sflag:s25] =	ssyncset.done $0x0  }
0x8d: {  	[sflag:s25] =	ssyncadd.s32 $0xFFFFF800  }
0x8e: {  	_ =	swait.ge [sflag:s25], $0x800  }
0x8f: {  	[sflag:s25] =	ssyncset.done $0x0  }
0x90: {  	[sflag:s25] =	ssyncadd.s32 $0xFFFFF800  }
0x91: {  	_ =	swait.ge [sflag:s25], $0x800  }
0x92: {  	[sflag:s25] =	ssyncset.done $0x0  }
0x93: {  	[sflag:s25] =	ssyncadd.s32 $0xFFFFF800  }
0x94: {  	_ =	swait.ge [sflag:s25], $0x800  }
0x95: {  	[sflag:s25] =	ssyncset.done $0x0  }
0x96: {  	[sflag:s25] =	ssyncadd.s32 $0xFFFFF800  }
0x97: {  	_ =	swait.ge [sflag:s25], $0x800  }
0x98: {  	[sflag:s25] =	ssyncset.done $0x0  }
0x99: {  	[sflag:s25] =	ssyncadd.s32 $0xFFFFF800  }
0x9a: {  	_ =	swait.ge [sflag:s25], $0x800  }
0x9b: {  	[sflag:s25] =	ssyncset.done $0x0  }
0x9c: {  	[sflag:s25] =	ssyncadd.s32 $0xFFFFF800  }
0x9d: {  	_ =	swait.ge [sflag:s25], $0x800  }
0x9e: {  	[sflag:s25] =	ssyncset.done $0x0  }
0x9f: {  	[sflag:s25] =	ssyncadd.s32 $0xFFFFF800  }
0xa0: {  	v51 =	vld [tilespmem:s28+$0x0]  }
0xa1: {  	v52 =	vld [tilespmem:s28+$0x280];
	_ =	sdelay $0x3  }
0xa2: {  	v51 =	vand.u32 $0x7F, v51  }
0xa3: {  	v52 =	vand.u32 $0x7F, v52;
	v53 =	vor.u32 v0, v51  }
0xa4: {  	v54 =	vor.u32 v0, v52  }
0xa5: {  	v55 =	vor.u32 v2, v51  }
0xa6: {  	v56 =	vor.u32 v2, v52  }
0xa7: {  	v57 =	vor.u32 v3, v51  }
0xa8: {  	v58 =	vor.u32 v3, v52;
	v53 =	vld.idx.msk [tilespmem:v53+s3+$0x0], $0xffff  }
0xa9: {  	v59 =	vor.u32 v4, v51;
	v54 =	vld.idx.msk [tilespmem:v54+s4+$0x0], $0xffff  }
0xaa: {  	v60 =	vor.u32 v4, v52;
	v55 =	vld.idx.msk [tilespmem:v55+s3+$0x0], $0xffff  }
0xab: {  	v62 =	vor.u32 v5, v52;
	v56 =	vld.idx.msk [tilespmem:v56+s4+$0x0], $0xffff  }
0xac: {  	v61 =	vor.u32 v5, v51;
	v57 =	vld.idx.msk [tilespmem:v57+s3+$0x0], $0xffff  }
0xad: {  	v1 =	vor.u32 v6, v52;
	v58 =	vld.idx.msk [tilespmem:v58+s4+$0x0], $0xffff  }
0xae: {  	v46 =	vmul.f32 v48, v46;
	v63 =	vor.u32 v6, v51;
	v59 =	vld.idx.msk [tilespmem:v59+s3+$0x0], $0xffff  }
0xaf: {  	v48 =	vmul.f32 v50, v49;
	v45 =	vmul.f32 v47, v45;
	v50 =	vor.u32 v7, v51;
	v49 =	vld.idx.msk [tilespmem:v60+s4+$0x0], $0xffff  }
0xb0: {  	v47 =	vld.idx.msk [tilespmem:v62+s4+$0x0], $0xffff;
	v53 =	vmul.f32 v54, v53;
	v54 =	vmul.f32 v56, v55;
	v56 =	vor.u32 v7, v52  }
0xb1: {  	v46 =	vadd.f32 v48, v46;
	v60 =	vor.u32 v8, v51;
	v55 =	vld.idx.msk [tilespmem:v61+s3+$0x0], $0xffff  }
0xb2: {  	v62 =	vor.u32 v8, v52;
	v1 =	vld.idx.msk [tilespmem:v1+s4+$0x0], $0xffff;
	v61 =	vmul.f32 v58, v57;
	v53 =	vadd.f32 v54, v53  }
0xb3: {  	v43 =	vmul.f32 v44, v43;
	v45 =	vadd.f32 v45, v46;
	v44 =	vor.u32 v9, v51;
	v57 =	vld.idx.msk [tilespmem:v63+s3+$0x0], $0xffff  }
0xb4: {  	v50 =	vld.idx.msk [tilespmem:v50+s3+$0x0], $0xffff;
	v49 =	vmul.f32 v49, v59;
	v63 =	vadd.f32 v61, v53;
	v53 =	vor.u32 v9, v52  }
0xb5: {  	v41 =	vmul.f32 v42, v41;
	v43 =	vadd.f32 v43, v45;
	v59 =	vor.u32 v10, v51;
	v56 =	vld.idx.msk [tilespmem:v56+s4+$0x0], $0xffff  }
0xb6: {  	v48 =	vld.idx.msk [tilespmem:v60+s3+$0x0], $0xffff;
	v60 =	vor.u32 v10, v52;
	v47 =	vmul.f32 v47, v55;
	v46 =	vadd.f32 v49, v63  }
0xb7: {  	v39 =	vmul.f32 v40, v39;
	v41 =	vadd.f32 v41, v43;
	v61 =	vld.idx.msk [tilespmem:v62+s4+$0x0], $0xffff;
	v62 =	vor.u32 v11, v51  }
0xb8: {  	v44 =	vld.idx.msk [tilespmem:v44+s3+$0x0], $0xffff;
	v1 =	vmul.f32 v1, v57;
	v63 =	vor.u32 v11, v52;
	v46 =	vadd.f32 v47, v46  }
0xb9: {  	v37 =	vmul.f32 v38, v37;
	v39 =	vadd.f32 v39, v41;
	v54 =	vor.u32 v12, v51;
	v53 =	vld.idx.msk [tilespmem:v53+s4+$0x0], $0xffff  }
0xba: {  	v45 =	vld.idx.msk [tilespmem:v59+s3+$0x0], $0xffff;
	v55 =	vor.u32 v12, v52;
	v1 =	vadd.f32 v1, v46;
	v42 =	vmul.f32 v56, v50  }
0xbb: {  	v35 =	vmul.f32 v36, v35;
	v37 =	vadd.f32 v37, v39;
	v57 =	vor.u32 v13, v51;
	v56 =	vld.idx.msk [tilespmem:v60+s4+$0x0], $0xffff  }
0xbc: {  	v59 =	vor.u32 v13, v52;
	v40 =	vmul.f32 v61, v48;
	v58 =	vld.idx.msk [tilespmem:v62+s3+$0x0], $0xffff;
	v1 =	vadd.f32 v42, v1  }
0xbd: {  	v33 =	vmul.f32 v34, v33;
	v35 =	vadd.f32 v35, v37;
	v61 =	vor.u32 v14, v51;
	v60 =	vld.idx.msk [tilespmem:v63+s4+$0x0], $0xffff  }
0xbe: {  	v62 =	vld.idx.msk [tilespmem:v54+s3+$0x0], $0xffff;
	v63 =	vor.u32 v14, v52;
	v1 =	vadd.f32 v40, v1;
	v38 =	vmul.f32 v53, v44  }
0xbf: {  	v31 =	vmul.f32 v32, v31;
	v33 =	vadd.f32 v33, v35;
	v48 =	vor.u32 v15, v52;
	v44 =	vld.idx.msk [tilespmem:v55+s4+$0x0], $0xffff  }
0xc0: {  	v46 =	vor.u32 v15, v51;
	v47 =	vld.idx.msk [tilespmem:v57+s3+$0x0], $0xffff;
	v36 =	vmul.f32 v56, v45;
	v1 =	vadd.f32 v38, v1  }
0xc1: {  	v29 =	vmul.f32 v30, v29;
	v31 =	vadd.f32 v31, v33;
	v49 =	vld.idx.msk [tilespmem:v59+s4+$0x0], $0xffff;
	v50 =	vor.u32 v16, v51  }
0xc2: {  	v51 =	vld.idx.msk [tilespmem:v61+s3+$0x0], $0xffff;
	v53 =	vor.u32 v16, v52;
	v34 =	vmul.f32 v60, v58;
	v1 =	vadd.f32 v36, v1  }
0xc3: {  	v26 =	vmul.f32 v28, v26;
	v54 =	vld.idx.msk [tilespmem:v63+s4+$0x0], $0xffff  }
0xc4: {  	v29 =	vadd.f32 v29, v31;
	v57 =	vld.idx.msk [tilespmem:v48+s4+$0x0], $0xffff;
	v55 =	vmul.f32 v44, v62;
	v1 =	vadd.f32 v34, v1  }
0xc5: {  	v24 =	vmul.f32 v27, v24;
	v56 =	vld.idx.msk [tilespmem:v46+s3+$0x0], $0xffff  }
0xc6: {  	v26 =	vadd.f32 v26, v29;
	v59 =	vld.idx.msk [tilespmem:v50+s3+$0x0], $0xffff;
	v58 =	vmul.f32 v49, v47;
	v1 =	vadd.f32 v55, v1  }
0xc7: {  	v23 =	vmul.f32 v25, v23;
	v60 =	vld.idx.msk [tilespmem:v53+s4+$0x0], $0xffff  }
0xc8: {  	v24 =	vadd.f32 v24, v26;
	v61 =	vmul.f32 v54, v51;
	v1 =	vadd.f32 v58, v1  }
0xc9: {  	v20 =	vmul.f32 v22, v20  }
0xca: {  	v23 =	vadd.f32 v23, v24;
	v62 =	vmul.f32 v57, v56;
	v1 =	vadd.f32 v61, v1  }
0xcb: {  	v19 =	vmul.f32 v21, v19  }
0xcc: {  	v20 =	vadd.f32 v20, v23;
	v63 =	vmul.f32 v60, v59;
	v1 =	vadd.f32 v62, v1;
	_ =	sdelay $0x1  }
0xcd: {  	v19 =	vadd.f32 v19, v20;
	v1 =	vadd.f32 v63, v1  }
0xce: {  	s26 =	sadd.s32 $0x40, s26  }
0xcf: {  	p0 =	sne.s32 s26, $0x800;
	v1 =	vsel vm0, v19, v1  }
.Ltmp3:
0xd0: {  	v1 =	vmul.f32 v1, v17;
	(pc) =	sbr.rel @!p0 .LBB2_5-.Ltmp3, $3  }
0xd1: {  	_ = 	snop  }
0xd2: {  	v1 =	vadd.f32 v1, v18;
	_ =	sdelay $0x1  }
0xd3: {  	[tilespmem:s28+$0x10500] =	vst v1  }
.LBB2_2:
0xd4: {  	s28 =	sshra.s32 s26, $0x2  }
0xd5: {  	v19 =	vld [tilespmem:s28+$0x8];
	_ =	sdelay $0x1  }
0xd6: {  	v20 =	vld [tilespmem:s28+$0x288];
	_ =	sdelay $0x2  }
0xd7: {  	(v2sf) =	vpush v19, $0x0;
	_ =	sdelay $0x1  }
0xd8: {  	(v2sf) =	vpush v20, $0x0;
	_ =	sdelay $0x2  }
0xd9: {  	(v2sf) =	vpush v19, $0x1;
	_ =	sdelay $0x2  }
0xda: {  	(v2sf) =	vpush v20, $0x1;
	_ =	sdelay $0x6  }
0xdb: {  	s29 =	spop (v2sf);
	(v2sf) =	vpush v19, $0x2;
	_ =	sdelay $0x1  }
0xdc: {  	s29 =	sand.u32 $0xFFFFF80, s29;
	s31 =	spop (v2sf);
	(v2sf) =	vpush v20, $0x2  }
0xdd: {  	s29 =	sadd.s32 s1, s29  }
0xde: {  	[tilespmem:s3], [sflag:$0x2] =	stream.strided.gather [hbm4b:s29+s15], $0x800, s16, s15, $0x38;
	[tilespmem:$0x10800] =	vst v63  }
0xdf: {  	s29 =	sand.u32 $0xFFFFF80, s31;
	s31 =	spop (v2sf);
	(v2sf) =	vpush v19, $0x3  }
0xe0: {  	s29 =	sadd.s32 s2, s29  }
0xe1: {  	[tilespmem:s4], [sflag:$0x2] =	stream.strided.gather [hbm4b:s29+s15], $0x800, s16, s15, $0x38;
	[tilespmem:$0x10800] =	vst v63  }
0xe2: {  	s29 =	sand.u32 $0xFFFFF80, s31;
	s31 =	spop (v2sf);
	(v2sf) =	vpush v20, $0x3;
	_ =	sdelay $0x3  }
0xe3: {  	s29 =	sadd.s32 s1, s29  }
0xe4: {  	[tilespmem:s12], [sflag:$0x2] =	stream.strided.gather [hbm4b:s29+s15], $0x800, s16, s15, $0x38;
	[tilespmem:$0x10800] =	vst v63  }
0xe5: {  	s29 =	sand.u32 $0xFFFFF80, s31  }
0xe6: {  	s29 =	sadd.s32 s2, s29;
	s31 =	spop (v2sf);
	(v2sf) =	vpush v19, $0x4  }
0xe7: {  	[tilespmem:s13], [sflag:$0x2] =	stream.strided.gather [hbm4b:s29+s15], $0x800, s16, s15, $0x38;
	[tilespmem:$0x10800] =	vst v63  }
0xe8: {  	s29 =	sand.u32 $0xFFFFF80, s31;
	s31 =	spop (v2sf);
	(v2sf) =	vpush v20, $0x4  }
0xe9: {  	s29 =	sadd.s32 s1, s29  }
0xea: {  	[tilespmem:s14], [sflag:$0x2] =	stream.strided.gather [hbm4b:s29+s15], $0x800, s16, s15, $0x38;
	[tilespmem:$0x10800] =	vst v63  }
0xeb: {  	s29 =	sand.u32 $0xFFFFF80, s31;
	s31 =	spop (v2sf);
	(v2sf) =	vpush v19, $0x5  }
0xec: {  	s29 =	sadd.s32 s2, s29  }
0xed: {  	[tilespmem:s7], [sflag:$0x2] =	stream.strided.gather [hbm4b:s29+s15], $0x800, s16, s15, $0x38;
	[tilespmem:$0x10800] =	vst v63  }
0xee: {  	s29 =	sand.u32 $0xFFFFF80, s31;
	s31 =	spop (v2sf);
	(v2sf) =	vpush v20, $0x5;
	_ =	sdelay $0x3  }
0xef: {  	s29 =	sadd.s32 s1, s29  }
0xf0: {  	[tilespmem:s8], [sflag:$0x2] =	stream.strided.gather [hbm4b:s29+s15], $0x800, s16, s15, $0x38;
	[tilespmem:$0x10800] =	vst v63  }
0xf1: {  	s29 =	sand.u32 $0xFFFFF80, s31  }
0xf2: {  	s29 =	sadd.s32 s2, s29;
	s31 =	spop (v2sf);
	(v2sf) =	vpush v19, $0x6  }
0xf3: {  	[tilespmem:s9], [sflag:$0x2] =	stream.strided.gather [hbm4b:s29+s15], $0x800, s16, s15, $0x38;
	[tilespmem:$0x10800] =	vst v63  }
0xf4: {  	s29 =	sand.u32 $0xFFFFF80, s31;
	s31 =	spop (v2sf);
	(v2sf) =	vpush v20, $0x6  }
0xf5: {  	s29 =	sadd.s32 s1, s29  }
0xf6: {  	[tilespmem:s10], [sflag:$0x2] =	stream.strided.gather [hbm4b:s29+s15], $0x800, s16, s15, $0x38;
	[tilespmem:$0x10800] =	vst v63  }
0xf7: {  	s29 =	sand.u32 $0xFFFFF80, s31;
	s31 =	spop (v2sf);
	(v2sf) =	vpush v19, $0x7  }
0xf8: {  	s29 =	sadd.s32 s2, s29  }
0xf9: {  	[tilespmem:s6], [sflag:$0x2] =	stream.strided.gather [hbm4b:s29+s15], $0x800, s16, s15, $0x38;
	[tilespmem:$0x10800] =	vst v63  }
0xfa: {  	s29 =	sand.u32 $0xFFFFF80, s31;
	s31 =	spop (v2sf);
	(v2sf) =	vpush v20, $0x7;
	_ =	sdelay $0x1  }
0xfb: {  	s29 =	sadd.s32 s1, s29  }
0xfc: {  	[tilespmem:s11], [sflag:$0x2] =	stream.strided.gather [hbm4b:s29+s15], $0x800, s16, s15, $0x38;
	[tilespmem:$0x10800] =	vst v63  }
0xfd: {  	s29 =	sand.u32 $0xFFFFF80, s31  }
0xfe: {  	s29 =	sadd.s32 s2, s29  }
0xff: {  	[tilespmem:s19], [sflag:$0x2] =	stream.strided.gather [hbm4b:s29+s15], $0x800, s16, s15, $0x38;
	[tilespmem:$0x10800] =	vst v63  }
0x100: {  	s31 =	spop (v2sf)  }
0x101: {  	s29 =	sand.u32 $0xFFFFF80, s31  }
0x102: {  	s31 =	spop (v2sf);
	s29 =	sadd.s32 s1, s29  }
0x103: {  	[tilespmem:s20], [sflag:$0x2] =	stream.strided.gather [hbm4b:s29+s15], $0x800, s16, s15, $0x38;
	[tilespmem:$0x10800] =	vst v63  }
0x104: {  	s29 =	sand.u32 $0xFFFFF80, s31  }
0x105: {  	s31 =	spop (v2sf);
	s29 =	sadd.s32 s2, s29  }
0x106: {  	[tilespmem:s21], [sflag:$0x2] =	stream.strided.gather [hbm4b:s29+s15], $0x800, s16, s15, $0x38;
	[tilespmem:$0x10800] =	vst v63  }
0x107: {  	s29 =	sand.u32 $0xFFFFF80, s31  }
0x108: {  	s31 =	spop (v2sf);
	s29 =	sadd.s32 s1, s29  }
0x109: {  	[tilespmem:s22], [sflag:$0x2] =	stream.strided.gather [hbm4b:s29+s15], $0x800, s16, s15, $0x38;
	[tilespmem:$0x10800] =	vst v63  }
0x10a: {  	s29 =	sand.u32 $0xFFFFF80, s31  }
0x10b: {  	s29 =	sadd.s32 s2, s29  }
0x10c: {  	[tilespmem:s23], [sflag:$0x2] =	stream.strided.gather [hbm4b:s29+s15], $0x800, s16, s15, $0x38;
	[tilespmem:$0x10800] =	vst v63  }
0x10d: {  	_ =	swait.ge [sflag:s24], $0x800  }
0x10e: {  	[sflag:s24] =	ssyncset.done $0x0  }
0x10f: {  	[sflag:s24] =	ssyncadd.s32 $0xFFFFF800  }
0x110: {  	_ =	swait.ge [sflag:s24], $0x800  }
0x111: {  	[sflag:s24] =	ssyncset.done $0x0  }
0x112: {  	[sflag:s24] =	ssyncadd.s32 $0xFFFFF800  }
0x113: {  	_ =	swait.ge [sflag:s24], $0x800  }
0x114: {  	[sflag:s24] =	ssyncset.done $0x0  }
0x115: {  	[sflag:s24] =	ssyncadd.s32 $0xFFFFF800  }
0x116: {  	_ =	swait.ge [sflag:s24], $0x800  }
0x117: {  	[sflag:s24] =	ssyncset.done $0x0  }
0x118: {  	[sflag:s24] =	ssyncadd.s32 $0xFFFFF800  }
0x119: {  	_ =	swait.ge [sflag:s24], $0x800  }
0x11a: {  	[sflag:s24] =	ssyncset.done $0x0  }
0x11b: {  	[sflag:s24] =	ssyncadd.s32 $0xFFFFF800  }
0x11c: {  	_ =	swait.ge [sflag:s24], $0x800  }
0x11d: {  	[sflag:s24] =	ssyncset.done $0x0  }
0x11e: {  	[sflag:s24] =	ssyncadd.s32 $0xFFFFF800  }
0x11f: {  	_ =	swait.ge [sflag:s24], $0x800  }
0x120: {  	[sflag:s24] =	ssyncset.done $0x0  }
0x121: {  	[sflag:s24] =	ssyncadd.s32 $0xFFFFF800  }
0x122: {  	_ =	swait.ge [sflag:s24], $0x800  }
0x123: {  	[sflag:s24] =	ssyncset.done $0x0  }
0x124: {  	[sflag:s24] =	ssyncadd.s32 $0xFFFFF800  }
0x125: {  	_ =	swait.ge [sflag:s24], $0x800  }
0x126: {  	[sflag:s24] =	ssyncset.done $0x0  }
0x127: {  	[sflag:s24] =	ssyncadd.s32 $0xFFFFF800  }
0x128: {  	_ =	swait.ge [sflag:s24], $0x800  }
0x129: {  	[sflag:s24] =	ssyncset.done $0x0  }
0x12a: {  	[sflag:s24] =	ssyncadd.s32 $0xFFFFF800  }
0x12b: {  	_ =	swait.ge [sflag:s24], $0x800  }
0x12c: {  	[sflag:s24] =	ssyncset.done $0x0  }
0x12d: {  	[sflag:s24] =	ssyncadd.s32 $0xFFFFF800  }
0x12e: {  	_ =	swait.ge [sflag:s24], $0x800  }
0x12f: {  	[sflag:s24] =	ssyncset.done $0x0  }
0x130: {  	[sflag:s24] =	ssyncadd.s32 $0xFFFFF800  }
0x131: {  	_ =	swait.ge [sflag:s24], $0x800  }
0x132: {  	[sflag:s24] =	ssyncset.done $0x0  }
0x133: {  	[sflag:s24] =	ssyncadd.s32 $0xFFFFF800  }
0x134: {  	_ =	swait.ge [sflag:s24], $0x800  }
0x135: {  	[sflag:s24] =	ssyncset.done $0x0  }
0x136: {  	[sflag:s24] =	ssyncadd.s32 $0xFFFFF800  }
0x137: {  	_ =	swait.ge [sflag:s24], $0x800  }
0x138: {  	[sflag:s24] =	ssyncset.done $0x0  }
0x139: {  	[sflag:s24] =	ssyncadd.s32 $0xFFFFF800  }
0x13a: {  	_ =	swait.ge [sflag:s24], $0x800  }
0x13b: {  	[sflag:s24] =	ssyncset.done $0x0  }
0x13c: {  	[sflag:s24] =	ssyncadd.s32 $0xFFFFF800  }
0x13d: {  	v19 =	vld [tilespmem:s28+$0x0]  }
0x13e: {  	v20 =	vld [tilespmem:s28+$0x280];
	_ =	sdelay $0x3  }
0x13f: {  	v19 =	vand.u32 $0x7F, v19  }
0x140: {  	v20 =	vand.u32 $0x7F, v20;
	v21 =	vor.u32 v0, v19  }
0x141: {  	v22 =	vor.u32 v0, v20  }
0x142: {  	v23 =	vor.u32 v2, v19  }
0x143: {  	v24 =	vor.u32 v2, v20  }
0x144: {  	v25 =	vor.u32 v3, v19  }
0x145: {  	v46 =	vld.idx.msk [tilespmem:v21+s17+$0x0], $0xffff;
	v21 =	vor.u32 v3, v20  }
0x146: {  	v48 =	vld.idx.msk [tilespmem:v22+s18+$0x0], $0xffff;
	v22 =	vor.u32 v4, v19  }
0x147: {  	v49 =	vld.idx.msk [tilespmem:v23+s17+$0x0], $0xffff;
	v23 =	vor.u32 v4, v20  }
0x148: {  	v50 =	vld.idx.msk [tilespmem:v24+s18+$0x0], $0xffff;
	v24 =	vor.u32 v5, v19  }
0x149: {  	v45 =	vld.idx.msk [tilespmem:v25+s17+$0x0], $0xffff;
	v25 =	vor.u32 v5, v20  }
0x14a: {  	v47 =	vld.idx.msk [tilespmem:v21+s18+$0x0], $0xffff;
	v21 =	vor.u32 v6, v19  }
0x14b: {  	v43 =	vld.idx.msk [tilespmem:v22+s17+$0x0], $0xffff;
	v22 =	vor.u32 v6, v20  }
0x14c: {  	v44 =	vld.idx.msk [tilespmem:v23+s18+$0x0], $0xffff;
	v23 =	vor.u32 v7, v19  }
0x14d: {  	v41 =	vld.idx.msk [tilespmem:v24+s17+$0x0], $0xffff;
	v24 =	vor.u32 v7, v20  }
0x14e: {  	v42 =	vld.idx.msk [tilespmem:v25+s18+$0x0], $0xffff;
	v25 =	vor.u32 v8, v19  }
0x14f: {  	v39 =	vld.idx.msk [tilespmem:v21+s17+$0x0], $0xffff;
	v21 =	vor.u32 v8, v20  }
0x150: {  	v40 =	vld.idx.msk [tilespmem:v22+s18+$0x0], $0xffff;
	v22 =	vor.u32 v9, v19  }
0x151: {  	v37 =	vld.idx.msk [tilespmem:v23+s17+$0x0], $0xffff;
	v23 =	vor.u32 v9, v20  }
0x152: {  	v38 =	vld.idx.msk [tilespmem:v24+s18+$0x0], $0xffff;
	v24 =	vor.u32 v10, v19  }
0x153: {  	v35 =	vld.idx.msk [tilespmem:v25+s17+$0x0], $0xffff;
	v25 =	vor.u32 v10, v20  }
0x154: {  	v36 =	vld.idx.msk [tilespmem:v21+s18+$0x0], $0xffff;
	v21 =	vor.u32 v11, v19  }
0x155: {  	v33 =	vld.idx.msk [tilespmem:v22+s17+$0x0], $0xffff;
	v22 =	vor.u32 v11, v20  }
0x156: {  	v34 =	vld.idx.msk [tilespmem:v23+s18+$0x0], $0xffff;
	v23 =	vor.u32 v12, v19  }
0x157: {  	v31 =	vld.idx.msk [tilespmem:v24+s17+$0x0], $0xffff;
	v24 =	vor.u32 v12, v20  }
0x158: {  	v32 =	vld.idx.msk [tilespmem:v25+s18+$0x0], $0xffff;
	v25 =	vor.u32 v13, v19  }
0x159: {  	v51 =	vor.u32 v14, v20;
	v29 =	vld.idx.msk [tilespmem:v21+s17+$0x0], $0xffff  }
0x15a: {  	v21 =	vor.u32 v13, v20;
	v30 =	vld.idx.msk [tilespmem:v22+s18+$0x0], $0xffff  }
0x15b: {  	v22 =	vor.u32 v14, v19;
	v26 =	vld.idx.msk [tilespmem:v23+s17+$0x0], $0xffff  }
0x15c: {  	v52 =	vor.u32 v15, v19;
	v28 =	vld.idx.msk [tilespmem:v24+s18+$0x0], $0xffff  }
0x15d: {  	v53 =	vor.u32 v15, v20;
	v24 =	vld.idx.msk [tilespmem:v25+s17+$0x0], $0xffff  }
0x15e: {  	v19 =	vor.u32 v16, v19;
	v25 =	vld.idx.msk [tilespmem:v51+s18+$0x0], $0xffff  }
0x15f: {  	p0 =	seq.s32 s26, $0x7C0;
	v27 =	vld.idx.msk [tilespmem:v21+s18+$0x0], $0xffff;
	v21 =	vor.u32 v16, v20  }
.Ltmp4:
0x160: {  	v23 =	vld.idx.msk [tilespmem:v22+s17+$0x0], $0xffff;
	(pc) =	sbr.rel @p0 .LBB2_4-.Ltmp4, $4  }
0x161: {  	v20 =	vld.idx.msk [tilespmem:v52+s17+$0x0], $0xffff  }
0x162: {  	v22 =	vld.idx.msk [tilespmem:v53+s18+$0x0], $0xffff  }
0x163: {  	v19 =	vld.idx.msk [tilespmem:v19+s17+$0x0], $0xffff  }
0x164: {  	v21 =	vld.idx.msk [tilespmem:v21+s18+$0x0], $0xffff  }
0x165: {  	v51 =	vld [tilespmem:s28+$0x10];
	_ =	sdelay $0x3  }
0x166: {  	v52 =	vld [tilespmem:s28+$0x290]  }
0x167: {  	(v2sf) =	vpush v51, $0x0;
	_ =	sdelay $0x3  }
0x168: {  	(v2sf) =	vpush v52, $0x0;
	_ =	sdelay $0x2  }
0x169: {  	(v2sf) =	vpush v51, $0x1;
	_ =	sdelay $0x2  }
0x16a: {  	(v2sf) =	vpush v52, $0x1;
	_ =	sdelay $0x4  }
0x16b: {  	s29 =	spop (v2sf);
	(v2sf) =	vpush v51, $0x2;
	_ =	sdelay $0x2  }
0x16c: {  	s29 =	sand.u32 $0xFFFFF80, s29  }
0x16d: {  	s31 =	spop (v2sf);
	(v2sf) =	vpush v52, $0x2;
	s29 =	sadd.s32 s1, s29  }
0x16e: {  	[tilespmem:s17], [sflag:$0x1] =	stream.strided.gather [hbm4b:s29+s15], $0x800, s16, s15, $0x38;
	[tilespmem:$0x10800] =	vst v63  }
0x16f: {  	s29 =	sand.u32 $0xFFFFF80, s31  }
0x170: {  	s31 =	spop (v2sf);
	s29 =	sadd.s32 s2, s29  }
0x171: {  	(v2sf) =	vpush v51, $0x3;
	[tilespmem:s18], [sflag:$0x1] =	stream.strided.gather [hbm4b:s29+s15], $0x800, s16, s15, $0x38;
	[tilespmem:$0x10800] =	vst v63  }
0x172: {  	s29 =	sand.u32 $0xFFFFF80, s31  }
0x173: {  	s31 =	spop (v2sf);
	s29 =	sadd.s32 s1, s29  }
0x174: {  	[tilespmem:s30], [sflag:$0x1] =	stream.strided.gather [hbm4b:s29+s15], $0x800, s16, s15, $0x38;
	[tilespmem:$0x10800] =	vst v63  }
0x175: {  	(v2sf) =	vpush v52, $0x3;
	s29 =	sand.u32 $0xFFFFF80, s31  }
0x176: {  	s31 =	simm.s32 $0x8D00;
	s29 =	sadd.s32 s2, s29  }
0x177: {  	[tilespmem:s31], [sflag:$0x1] =	stream.strided.gather [hbm4b:s29+s15], $0x800, s16, s15, $0x38;
	[tilespmem:$0x10800] =	vst v63  }
0x178: {  	s31 =	spop (v2sf)  }
0x179: {  	(v2sf) =	vpush v51, $0x4;
	s29 =	sand.u32 $0xFFFFF80, s31  }
0x17a: {  	s31 =	simm.s32 $0x1500;
	s29 =	sadd.s32 s1, s29  }
0x17b: {  	[tilespmem:s31], [sflag:$0x1] =	stream.strided.gather [hbm4b:s29+s15], $0x800, s16, s15, $0x38;
	[tilespmem:$0x10800] =	vst v63  }
0x17c: {  	s31 =	spop (v2sf)  }
0x17d: {  	(v2sf) =	vpush v52, $0x4;
	s29 =	sand.u32 $0xFFFFF80, s31  }
0x17e: {  	s31 =	simm.s32 $0x9500;
	s29 =	sadd.s32 s2, s29  }
0x17f: {  	[tilespmem:s31], [sflag:$0x1] =	stream.strided.gather [hbm4b:s29+s15], $0x800, s16, s15, $0x38;
	[tilespmem:$0x10800] =	vst v63  }
0x180: {  	s31 =	spop (v2sf)  }
0x181: {  	(v2sf) =	vpush v51, $0x5;
	s29 =	sand.u32 $0xFFFFF80, s31  }
0x182: {  	s31 =	simm.s32 $0x1D00;
	s29 =	sadd.s32 s1, s29  }
0x183: {  	[tilespmem:s31], [sflag:$0x1] =	stream.strided.gather [hbm4b:s29+s15], $0x800, s16, s15, $0x38;
	[tilespmem:$0x10800] =	vst v63  }
0x184: {  	s31 =	spop (v2sf)  }
0x185: {  	(v2sf) =	vpush v52, $0x5;
	s29 =	sand.u32 $0xFFFFF80, s31  }
0x186: {  	s31 =	simm.s32 $0x9D00;
	s29 =	sadd.s32 s2, s29  }
0x187: {  	[tilespmem:s31], [sflag:$0x1] =	stream.strided.gather [hbm4b:s29+s15], $0x800, s16, s15, $0x38;
	[tilespmem:$0x10800] =	vst v63  }
0x188: {  	s31 =	spop (v2sf)  }
0x189: {  	(v2sf) =	vpush v51, $0x6;
	s29 =	sand.u32 $0xFFFFF80, s31  }
0x18a: {  	s31 =	simm.s32 $0x2500;
	s29 =	sadd.s32 s1, s29  }
0x18b: {  	[tilespmem:s31], [sflag:$0x1] =	stream.strided.gather [hbm4b:s29+s15], $0x800, s16, s15, $0x38;
	[tilespmem:$0x10800] =	vst v63  }
0x18c: {  	s31 =	spop (v2sf)  }
0x18d: {  	(v2sf) =	vpush v52, $0x6;
	s29 =	sand.u32 $0xFFFFF80, s31  }
0x18e: {  	s31 =	simm.s32 $0xA500;
	s29 =	sadd.s32 s2, s29  }
0x18f: {  	[tilespmem:s31], [sflag:$0x1] =	stream.strided.gather [hbm4b:s29+s15], $0x800, s16, s15, $0x38;
	[tilespmem:$0x10800] =	vst v63  }
0x190: {  	s31 =	spop (v2sf)  }
0x191: {  	(v2sf) =	vpush v51, $0x7;
	s29 =	sand.u32 $0xFFFFF80, s31  }
0x192: {  	s31 =	simm.s32 $0x2D00;
	s29 =	sadd.s32 s1, s29  }
0x193: {  	[tilespmem:s31], [sflag:$0x1] =	stream.strided.gather [hbm4b:s29+s15], $0x800, s16, s15, $0x38;
	[tilespmem:$0x10800] =	vst v63  }
0x194: {  	s31 =	spop (v2sf)  }
0x195: {  	s29 =	sand.u32 $0xFFFFF80, s31  }
0x196: {  	(v2sf) =	vpush v52, $0x7;
	s31 =	simm.s32 $0xAD00;
	s29 =	sadd.s32 s2, s29  }
0x197: {  	[tilespmem:s31], [sflag:$0x1] =	stream.strided.gather [hbm4b:s29+s15], $0x800, s16, s15, $0x38;
	[tilespmem:$0x10800] =	vst v63  }
0x198: {  	s31 =	spop (v2sf)  }
0x199: {  	s29 =	sand.u32 $0xFFFFF80, s31  }
0x19a: {  	s31 =	simm.s32 $0x3500;
	s29 =	sadd.s32 s1, s29  }
0x19b: {  	[tilespmem:s31], [sflag:$0x1] =	stream.strided.gather [hbm4b:s29+s15], $0x800, s16, s15, $0x38;
	[tilespmem:$0x10800] =	vst v63  }
0x19c: {  	s31 =	spop (v2sf)  }
0x19d: {  	s29 =	sand.u32 $0xFFFFF80, s31  }
0x19e: {  	s31 =	simm.s32 $0xB500;
	s29 =	sadd.s32 s2, s29  }
0x19f: {  	[tilespmem:s31], [sflag:$0x1] =	stream.strided.gather [hbm4b:s29+s15], $0x800, s16, s15, $0x38;
	[tilespmem:$0x10800] =	vst v63  }
0x1a0: {  	s31 =	spop (v2sf)  }
0x1a1: {  	s29 =	sand.u32 $0xFFFFF80, s31  }
0x1a2: {  	s29 =	sadd.s32 s1, s29  }
0x1a3: {  	[tilespmem:s0], [sflag:$0x1] =	stream.strided.gather [hbm4b:s29+s15], $0x800, s16, s15, $0x38;
	[tilespmem:$0x10800] =	vst v63  }
.Ltmp5:
0x1a4: {  	_ = 	snop;
	(pc) =	sbr.rel .LBB2_4-.Ltmp5, $4  }
0x1a5: {  	s31 =	spop (v2sf)  }
0x1a6: {  	s29 =	sand.u32 $0xFFFFF80, s31  }
0x1a7: {  	s29 =	sadd.s32 s2, s29  }
0x1a8: {  	[tilespmem:s5], [sflag:$0x1] =	stream.strided.gather [hbm4b:s29+s15], $0x800, s16, s15, $0x38;
	[tilespmem:$0x10800] =	vst v63  }
.LBB2_6:
0x1a9: {  	_ =	sfence.sel $0x180000  }
0x1aa: {  	[bflag:$0x0] =	sbarrier.arrive $0xFFFF  }
0x1ab: {  	_ =	strace $0x90000047  }
0x1ac: {  	s0 =	stileid.u32;
	[bflag:$0x2] =	sbarrier.arrive $0xFFFF  }
0x1ad: {  	p0 =	sne.s32 s0, $0x0;
	s0 =	rddreg [dreg:$0x7]  }
0x1ae: {  	s0 =	sadd.s32 @!p0 $0x100000, s0  }
0x1af: {  	[sflag:s0] =	ssyncadd.tile.s32 @!p0 $0x1;
	_ =	shalt  }
.Lfunc_end2:
_tile_overlayer_lowered:
.L_overlay_start_2:
0x1b0: {  	(tag) =	ssettag $0x2  }
0x1b1: {  	s0 =	rddreg [dreg:$0x0];
	s2 =	stileid.u32  }
0x1b2: {  	s1 =	rddreg [dreg:$0x1];
	p0 =	sne.s32 s2, $0x0  }
0x1b3: {  	s3 =	rddreg [dreg:$0x2];
	[bflag:$0x3] =	sbarrier.arrive $0xFFFF;
	s2 =	simm.s32 @!p0 $0x1C03  }
0x1b4: {  	[timem:s3], [sflag:s2] =	dma.local @!p0 [hbm:s0], s1  }
0x1b5: {  	s0 =	simm.s32 @!p0 $0x3  }
0x1b6: {  	_ =	swait.ge @!p0 [sflag:s0], s1  }
0x1b7: {  	s1 =	ssub.s32 @!p0 $0x0, s1;
	[sflag:s0] =	ssyncset.done @!p0 $0x0  }
0x1b8: {  	[sflag:s0] =	ssyncadd.s32 @!p0 s1  }
0x1b9: {  	[bflag:$0x3] =	sbarrier.arrive $0xFFFF  }
0x1ba: {  	_ =	shalt  }

</sc_bundles>
